<compile_context>
chip_gen: v7x
topology: tpu7x:2x2x1
jax: 0.10.2.dev20260603
libtpu: 0.0.44.dev20260713+nightly
codegen_flags: <defaults>
</compile_context>

<pallas_src>
import functools

import jax
import jax.numpy as jnp
from jax import lax
from jax.experimental import pallas as pl
from jax.experimental.pallas import tpu as pltpu
from jax.experimental.pallas import tpu_sc as plsc

T = 2048
D = 1024
F = 1024
E = 8
SOFTCAP = 30.0

BT = 256
NB = 24
S = NB * BT

NW = 32
COMB_CHUNK = 16
TOK_PER_W = T // NW
COMB_NCH = TOK_PER_W // COMB_CHUNK

_LANES = 128
_NEG = -1e30



def _cumsum_shift(a, axis):
    n = a.shape[axis]
    sh = 1
    while sh < n:
        if axis == 0:
            shifted = jnp.concatenate(
                [jnp.zeros((sh, a.shape[1]), a.dtype), a[:-sh]], axis=0)
        else:
            shifted = jnp.concatenate(
                [jnp.zeros((a.shape[0], sh), a.dtype), a[:, :-sh]], axis=1)
        a = a + shifted
        sh *= 2
    return a


def _router_body(x_ref, gw_ref, d1_ref, d2_ref, w1_ref, w2_ref, be_ref):
    x = x_ref[...]
    gw = gw_ref[...]
    logits = jnp.dot(x, gw, preferred_element_type=jnp.float32)
    l = jnp.tanh(logits / SOFTCAP)
    lane = lax.broadcasted_iota(jnp.int32, l.shape, 1)
    valid = lane < E
    l = jnp.where(valid, l, _NEG)
    m1 = jnp.max(l, axis=1, keepdims=True)
    i1 = jnp.min(jnp.where(l == m1, lane, _LANES), axis=1, keepdims=True)
    l2 = jnp.where(lane == i1, _NEG, l)
    m2 = jnp.max(l2, axis=1, keepdims=True)
    i2 = jnp.min(jnp.where(l2 == m2, lane, _LANES), axis=1, keepdims=True)
    w1 = 1.0 / (1.0 + jnp.exp(m2 - m1))
    w2 = 1.0 - w1

    oh1 = jnp.where(lane == i1, 1, 0)
    oh2 = jnp.where(lane == i2, 1, 0)
    oh = oh1 + oh2
    cum = _cumsum_shift(oh, axis=0)
    excl = cum - oh
    counts = cum[T - 1:T, :]
    nblk = (counts + (BT - 1)) // BT
    bcum = _cumsum_shift(nblk, axis=1)
    pad_off = (bcum - nblk) * BT
    rank1 = jnp.sum(oh1 * excl, axis=1, keepdims=True)
    rank2 = jnp.sum(oh2 * excl, axis=1, keepdims=True)
    off1 = jnp.sum(oh1 * pad_off, axis=1, keepdims=True)
    off2 = jnp.sum(oh2 * pad_off, axis=1, keepdims=True)
    d1 = rank1 + off1
    d2 = rank2 + off2

    shp = l.shape
    d1_ref[...] = jnp.broadcast_to(d1, shp)
    d2_ref[...] = jnp.broadcast_to(d2, shp)
    w1_ref[...] = jnp.broadcast_to(w1, shp)
    w2_ref[...] = jnp.broadcast_to(w2, shp)

    brow = lax.broadcasted_iota(jnp.int32, (32, _LANES), 0)
    blane = lax.broadcasted_iota(jnp.int32, (32, _LANES), 1)
    ge = jnp.where((brow >= jnp.broadcast_to(bcum, (32, _LANES))) & (blane < E), 1, 0)
    bexp = jnp.sum(ge, axis=1, keepdims=True)
    be_ref[...] = jnp.broadcast_to(bexp, (32, _LANES))


def _router(x, gate_w):
    gw_pad = jnp.zeros((D, _LANES), jnp.float32).at[:, :E].set(gate_w)
    d1, d2, w1, w2, be = pl.pallas_call(
        _router_body,
        out_shape=[
            jax.ShapeDtypeStruct((T, _LANES), jnp.int32),
            jax.ShapeDtypeStruct((T, _LANES), jnp.int32),
            jax.ShapeDtypeStruct((T, _LANES), jnp.float32),
            jax.ShapeDtypeStruct((T, _LANES), jnp.float32),
            jax.ShapeDtypeStruct((32, _LANES), jnp.int32),
        ],
    )(x, gw_pad)
    return d1[:, 0], d2[:, 0], w1[:, 0], w2[:, 0], be[:NB, 0]



def _combine_weights(s0, s1, w1, w2):
    w_d = jnp.zeros(S, jnp.float32).at[s0].set(w1).at[s1].set(w2)
    return jnp.broadcast_to(w_d[:, None], (S, _LANES))



def _sc_mesh():
    return plsc.VectorSubcoreMesh(core_axis_name="c", subcore_axis_name="s")


def _dispatch_body(x_hbm, d1_hbm, d2_hbm, xd_hbm, idx_v, rows_v, s1m, s2m):
    wid = lax.axis_index("s") * 2 + lax.axis_index("c")
    base = wid * TOK_PER_W
    cp0 = pltpu.async_copy(x_hbm.at[pl.ds(base, TOK_PER_W)], rows_v, s1m)
    pltpu.sync_copy(d1_hbm.at[wid], idx_v.at[0])
    pltpu.sync_copy(d2_hbm.at[wid], idx_v.at[1])
    cp0.wait()
    cp1 = pltpu.async_copy(rows_v, xd_hbm.at[idx_v.at[0]], s1m)
    cp2 = pltpu.async_copy(rows_v, xd_hbm.at[idx_v.at[1]], s2m)
    cp1.wait()
    cp2.wait()


def _dispatch_scatter(xb, s0, s1):
    k = functools.partial(
        pl.kernel,
        out_type=jax.ShapeDtypeStruct((S, D), jnp.float32),
        mesh=_sc_mesh(),
        scratch_types=[
            pltpu.VMEM((2, TOK_PER_W), jnp.int32),
            pltpu.VMEM((TOK_PER_W, D), jnp.float32),
            pltpu.SemaphoreType.DMA,
            pltpu.SemaphoreType.DMA,
        ],
    )(_dispatch_body)
    return k(xb, s0.reshape(NW, TOK_PER_W), s1.reshape(NW, TOK_PER_W))



def _gmm_body(be_ref, x_ref, win_ref, wout_ref, ws_ref, y_ref):
    @pl.when(be_ref[pl.program_id(0)] < E)
    def _():
        x = x_ref[...]
        h = jnp.dot(x, win_ref[0], preferred_element_type=jnp.float32)
        h = jax.nn.gelu(h)
        y = jnp.dot(h, wout_ref[0], preferred_element_type=jnp.float32)
        y_ref[...] = y * ws_ref[...][:, 0:1]


def _gmm(x_d, w_in, w_out, w_bcast, block_expert):
    grid_spec = pltpu.PrefetchScalarGridSpec(
        num_scalar_prefetch=1,
        grid=(NB,),
        in_specs=[
            pl.BlockSpec((BT, D), lambda b, be: (b, 0)),
            pl.BlockSpec((1, D, F), lambda b, be: (jnp.minimum(be[b], E - 1), 0, 0)),
            pl.BlockSpec((1, F, D), lambda b, be: (jnp.minimum(be[b], E - 1), 0, 0)),
            pl.BlockSpec((BT, _LANES), lambda b, be: (b, 0)),
        ],
        out_specs=pl.BlockSpec((BT, D), lambda b, be: (b, 0)),
    )
    return pl.pallas_call(
        _gmm_body,
        grid_spec=grid_spec,
        out_shape=jax.ShapeDtypeStruct((S, D), jnp.float32),
        compiler_params=pltpu.CompilerParams(
            dimension_semantics=("arbitrary",),
        ),
    )(block_expert, x_d, w_in, w_out, w_bcast)



def _combine_body(y_hbm, s0_hbm, s1_hbm, out_hbm, i0_v, i1_v,
                  r0a, r0b, r1a, r1b, g0a, g0b, g1a, g1b, wa, wb):
    r0 = (r0a, r0b)
    r1 = (r1a, r1b)
    g0sem = (g0a, g0b)
    g1sem = (g1a, g1b)
    wsem = (wa, wb)
    wid = lax.axis_index("s") * 2 + lax.axis_index("c")
    base = wid * TOK_PER_W
    pltpu.sync_copy(s0_hbm.at[wid], i0_v)
    pltpu.sync_copy(s1_hbm.at[wid], i1_v)
    g0cp, g1cp, wcp = {}, {}, {}

    def start_gathers(c):
        b = c & 1
        g0cp[c] = pltpu.async_copy(y_hbm.at[i0_v.at[c]], r0[b], g0sem[b])
        g1cp[c] = pltpu.async_copy(y_hbm.at[i1_v.at[c]], r1[b], g1sem[b])

    start_gathers(0)
    for c in range(COMB_NCH):
        b = c & 1
        g0cp[c].wait()
        g1cp[c].wait()
        if c + 1 < COMB_NCH:
            if c - 1 >= 0:
                wcp[c - 1].wait()
            start_gathers(c + 1)

        def add_body(j, _):
            for i in range(COMB_CHUNK):
                sl = pl.ds(j * 16, 16)
                r0[b][i, sl] = r0[b][i, sl] + r1[b][i, sl]
            return 0

        lax.fori_loop(0, D // 16, add_body, 0)
        wcp[c] = pltpu.async_copy(
            r0[b], out_hbm.at[pl.ds(base + c * COMB_CHUNK, COMB_CHUNK)], wsem[b])
    for c in range(max(0, COMB_NCH - 2), COMB_NCH):
        wcp[c].wait()


def _combine(y_d, s0, s1):
    k = functools.partial(
        pl.kernel,
        out_type=jax.ShapeDtypeStruct((T, D), jnp.float32),
        mesh=_sc_mesh(),
        scratch_types=[
            pltpu.VMEM((COMB_NCH, COMB_CHUNK), jnp.int32),
            pltpu.VMEM((COMB_NCH, COMB_CHUNK), jnp.int32),
            pltpu.VMEM((COMB_CHUNK, D), jnp.float32),
            pltpu.VMEM((COMB_CHUNK, D), jnp.float32),
            pltpu.VMEM((COMB_CHUNK, D), jnp.float32),
            pltpu.VMEM((COMB_CHUNK, D), jnp.float32),
            pltpu.SemaphoreType.DMA,
            pltpu.SemaphoreType.DMA,
            pltpu.SemaphoreType.DMA,
            pltpu.SemaphoreType.DMA,
            pltpu.SemaphoreType.DMA,
            pltpu.SemaphoreType.DMA,
        ],
    )(_combine_body)
    return k(y_d, s0.reshape(NW, COMB_NCH, COMB_CHUNK), s1.reshape(NW, COMB_NCH, COMB_CHUNK))



def kernel(hidden_states, gate_w, w_in, w_out):
    x = hidden_states.astype(jnp.float32)
    s0, s1, w1, w2, block_expert = _router(x, gate_w)
    x_d = _dispatch_scatter(x, s0, s1)
    w_bcast = _combine_weights(s0, s1, w1, w2)
    y_d = _gmm(x_d, w_in, w_out, w_bcast, block_expert)
    return _combine(y_d, s0, s1)

# --- scband reference (transcript-rebuilt; emitter-appended) ---
"""Pipeline reference for scband-grok1-mo-e-25005299597374 (READ-ONLY COPY).

The authoritative reference and input builder live on the scoring server;
editing this copy changes nothing except your own understanding.
"""

import jax, jax.numpy as jnp
import numpy as np

NUM_EXPERTS = 8
TOP_K = 2
D_MODEL = 1024
D_FF = 1024
SOFTCAP = 30.0
N_TOKENS = 2048


def setup_inputs(seed: int = 0) -> dict:
    key = jax.random.key(seed)
    k1, k2, k3, k4 = jax.random.split(key, 4)
    hidden_states = jax.random.normal(k1, (N_TOKENS, D_MODEL), dtype=jnp.float32)
    gate_w = jax.random.normal(k2, (D_MODEL, NUM_EXPERTS), dtype=jnp.float32) * 0.02
    w_in = jax.random.normal(k3, (NUM_EXPERTS, D_MODEL, D_FF), dtype=jnp.float32) * 0.02
    w_out = jax.random.normal(k4, (NUM_EXPERTS, D_FF, D_MODEL), dtype=jnp.float32) * 0.02
    return {"hidden_states": hidden_states, "gate_w": gate_w, "w_in": w_in, "w_out": w_out}


def reference(hidden_states, gate_w, w_in, w_out):
    # Router gate (fp32 linear, no bias)
    router_logits = hidden_states.astype(jnp.float32) @ gate_w
    # Softcapping as written in the module: divide by cap then tanh
    router_logits = router_logits / SOFTCAP
    router_logits = jnp.tanh(router_logits)
    # EPMoE routing: softmax over experts, take top-k, renormalize top-k weights
    probs = jax.nn.softmax(router_logits, axis=-1)
    topk_w, topk_idx = jax.lax.top_k(probs, TOP_K)
    topk_w = topk_w / jnp.sum(topk_w, axis=-1, keepdims=True)
    # combine weights [T, E] via one-hot scatter of top-k selections
    combine = jnp.sum(
        jax.nn.one_hot(topk_idx, NUM_EXPERTS, dtype=hidden_states.dtype) * topk_w[..., None],
        axis=1,
    )
    # Expert FFN: gelu(x @ W_in[e]) @ W_out[e], computed densely and combined
    h = jnp.einsum('td,edf->etf', hidden_states, w_in)
    h = jax.nn.gelu(h)
    expert_out = jnp.einsum('etf,efd->etd', h, w_out)
    out = jnp.einsum('te,etd->td', combine, expert_out)
    return out

if __name__ == "__main__":
    import jax
    _d = setup_inputs()
    print(jax.jit(kernel)(*tuple(_d.values())))

</pallas_src>

<mosaic_0001>
#map = affine_map<(d0, d1) -> (0, 0)>
#map1 = affine_map<(d0, d1) -> (0, 0, 0)>
module attributes {stable_mosaic.version = 14 : i64} {
  func.func @_combine_body(%arg0: i32, %arg1: i32, %arg2: memref<6144x1024xf32, #tpu.memory_space<hbm>>, %arg3: memref<32x4x16xi32, #tpu.memory_space<hbm>>, %arg4: memref<32x4x16xi32, #tpu.memory_space<hbm>>, %arg5: memref<2048x1024xf32, #tpu.memory_space<hbm>>, %arg6: memref<4x16xi32, #tpu.memory_space<vmem>>, %arg7: memref<4x16xi32, #tpu.memory_space<vmem>>, %arg8: memref<16x1024xf32, #tpu.memory_space<vmem>>, %arg9: memref<16x1024xf32, #tpu.memory_space<vmem>>, %arg10: memref<16x1024xf32, #tpu.memory_space<vmem>>, %arg11: memref<16x1024xf32, #tpu.memory_space<vmem>>, %arg12: memref<!tpu.dma_semaphore, #tpu.memory_space<semaphore_mem>>, %arg13: memref<!tpu.dma_semaphore, #tpu.memory_space<semaphore_mem>>, %arg14: memref<!tpu.dma_semaphore, #tpu.memory_space<semaphore_mem>>, %arg15: memref<!tpu.dma_semaphore, #tpu.memory_space<semaphore_mem>>, %arg16: memref<!tpu.dma_semaphore, #tpu.memory_space<semaphore_mem>>, %arg17: memref<!tpu.dma_semaphore, #tpu.memory_space<semaphore_mem>>) attributes {dimension_semantics = [#tpu.dimension_semantics<core_parallel>, #tpu.dimension_semantics<subcore_parallel>], iteration_bounds = array<i64: 2, 16>, scalar_prefetch = 0 : i64, scratch_operands = 12 : i64, tpu.core_type = #tpu.core_type<sc_vector_subcore>, window_params = [{transform_indices = #map}, {transform_indices = #map1}, {transform_indices = #map1}, {transform_indices = #map}]} {
    %mul3A = arith.constant 2 : i32
    %mul3A_0 = arith.muli %arg1, %mul3A : i32
    %add3A = arith.addi %mul3A_0, %arg0 : i32
    %mul3A_1 = arith.constant 64 : i32
    %mul3A_2 = arith.muli %add3A, %mul3A_1 : i32
    "tpu.region"() ({
      %run_scoped3A = tpu.sem_alloc : memref<!tpu.dma_semaphore, #tpu.memory_space<semaphore_mem>>
      %dma_start3A_180 = arith.constant 0 : i32
      %dma_start3A_181 = arith.constant 0 : i32
      %dma_start3A_182 = tpu.memref_slice %arg3[%add3A, %dma_start3A_180, %dma_start3A_181] : memref<32x4x16xi32, #tpu.memory_space<hbm>> -> memref<1x4x16xi32, #tpu.memory_space<hbm>>
      %dma_start3A_183 = tpu.memref_squeeze %dma_start3A_182 : memref<1x4x16xi32, #tpu.memory_space<hbm>> -> memref<4x16xi32, #tpu.memory_space<hbm>>
      %dma_start3A_184 = arith.constant 0 : i32
      %dma_start3A_185 = arith.constant 0 : i32
      %dma_start3A_186 = tpu.memref_slice %arg3[%add3A, %dma_start3A_184, %dma_start3A_185] : memref<32x4x16xi32, #tpu.memory_space<hbm>> -> memref<1x4x16xi32, #tpu.memory_space<hbm>>
      %dma_start3A_187 = tpu.memref_squeeze %dma_start3A_186 : memref<1x4x16xi32, #tpu.memory_space<hbm>> -> memref<4x16xi32, #tpu.memory_space<hbm>>
      tpu.enqueue_dma source(%dma_start3A_187 : memref<4x16xi32, #tpu.memory_space<hbm>>) target(%arg6 : memref<4x16xi32, #tpu.memory_space<vmem>>) target_semaphore(%run_scoped3A : memref<!tpu.dma_semaphore, #tpu.memory_space<semaphore_mem>>)
      %dma_wait3A_188 = arith.constant 0 : i32
      %dma_wait3A_189 = arith.constant 0 : i32
      %dma_wait3A_190 = tpu.memref_slice %arg3[%add3A, %dma_wait3A_188, %dma_wait3A_189] : memref<32x4x16xi32, #tpu.memory_space<hbm>> -> memref<1x4x16xi32, #tpu.memory_space<hbm>>
      %dma_wait3A_191 = tpu.memref_squeeze %dma_wait3A_190 : memref<1x4x16xi32, #tpu.memory_space<hbm>> -> memref<4x16xi32, #tpu.memory_space<hbm>>
      %dma_wait3A_192 = arith.constant 0 : i32
      %dma_wait3A_193 = arith.constant 0 : i32
      %dma_wait3A_194 = tpu.memref_slice %arg3[%add3A, %dma_wait3A_192, %dma_wait3A_193] : memref<32x4x16xi32, #tpu.memory_space<hbm>> -> memref<1x4x16xi32, #tpu.memory_space<hbm>>
      %dma_wait3A_195 = tpu.memref_squeeze %dma_wait3A_194 : memref<1x4x16xi32, #tpu.memory_space<hbm>> -> memref<4x16xi32, #tpu.memory_space<hbm>>
      tpu.wait_dma2 semaphore(%run_scoped3A : memref<!tpu.dma_semaphore, #tpu.memory_space<semaphore_mem>>) src(%dma_wait3A_195 : memref<4x16xi32, #tpu.memory_space<hbm>>) dst(%arg6 : memref<4x16xi32, #tpu.memory_space<vmem>>)
      tpu.yield
    }) : () -> ()
    "tpu.region"() ({
      %run_scoped3A = tpu.sem_alloc : memref<!tpu.dma_semaphore, #tpu.memory_space<semaphore_mem>>
      %dma_start3A_180 = arith.constant 0 : i32
      %dma_start3A_181 = arith.constant 0 : i32
      %dma_start3A_182 = tpu.memref_slice %arg4[%add3A, %dma_start3A_180, %dma_start3A_181] : memref<32x4x16xi32, #tpu.memory_space<hbm>> -> memref<1x4x16xi32, #tpu.memory_space<hbm>>
      %dma_start3A_183 = tpu.memref_squeeze %dma_start3A_182 : memref<1x4x16xi32, #tpu.memory_space<hbm>> -> memref<4x16xi32, #tpu.memory_space<hbm>>
      %dma_start3A_184 = arith.constant 0 : i32
      %dma_start3A_185 = arith.constant 0 : i32
      %dma_start3A_186 = tpu.memref_slice %arg4[%add3A, %dma_start3A_184, %dma_start3A_185] : memref<32x4x16xi32, #tpu.memory_space<hbm>> -> memref<1x4x16xi32, #tpu.memory_space<hbm>>
      %dma_start3A_187 = tpu.memref_squeeze %dma_start3A_186 : memref<1x4x16xi32, #tpu.memory_space<hbm>> -> memref<4x16xi32, #tpu.memory_space<hbm>>
      tpu.enqueue_dma source(%dma_start3A_187 : memref<4x16xi32, #tpu.memory_space<hbm>>) target(%arg7 : memref<4x16xi32, #tpu.memory_space<vmem>>) target_semaphore(%run_scoped3A : memref<!tpu.dma_semaphore, #tpu.memory_space<semaphore_mem>>)
      %dma_wait3A_188 = arith.constant 0 : i32
      %dma_wait3A_189 = arith.constant 0 : i32
      %dma_wait3A_190 = tpu.memref_slice %arg4[%add3A, %dma_wait3A_188, %dma_wait3A_189] : memref<32x4x16xi32, #tpu.memory_space<hbm>> -> memref<1x4x16xi32, #tpu.memory_space<hbm>>
      %dma_wait3A_191 = tpu.memref_squeeze %dma_wait3A_190 : memref<1x4x16xi32, #tpu.memory_space<hbm>> -> memref<4x16xi32, #tpu.memory_space<hbm>>
      %dma_wait3A_192 = arith.constant 0 : i32
      %dma_wait3A_193 = arith.constant 0 : i32
      %dma_wait3A_194 = tpu.memref_slice %arg4[%add3A, %dma_wait3A_192, %dma_wait3A_193] : memref<32x4x16xi32, #tpu.memory_space<hbm>> -> memref<1x4x16xi32, #tpu.memory_space<hbm>>
      %dma_wait3A_195 = tpu.memref_squeeze %dma_wait3A_194 : memref<1x4x16xi32, #tpu.memory_space<hbm>> -> memref<4x16xi32, #tpu.memory_space<hbm>>
      tpu.wait_dma2 semaphore(%run_scoped3A : memref<!tpu.dma_semaphore, #tpu.memory_space<semaphore_mem>>) src(%dma_wait3A_195 : memref<4x16xi32, #tpu.memory_space<hbm>>) dst(%arg7 : memref<4x16xi32, #tpu.memory_space<vmem>>)
      tpu.yield
    }) : () -> ()
    %dma_start3A = arith.constant 0 : i32
    %dma_start3A_3 = arith.constant 0 : i32
    %dma_start3A_4 = tpu.memref_slice %arg6[%dma_start3A, %dma_start3A_3] : memref<4x16xi32, #tpu.memory_space<vmem>> -> memref<1x16xi32, #tpu.memory_space<vmem>>
    %dma_start3A_5 = tpu.memref_squeeze %dma_start3A_4 : memref<1x16xi32, #tpu.memory_space<vmem>> -> memref<16xi32, #tpu.memory_space<vmem>>
    %dma_start3A_6 = arith.constant 0 : i32
    %dma_start3A_7 = arith.constant 0 : i32
    %dma_start3A_8 = tpu.memref_slice %arg2[%dma_start3A_6, %dma_start3A_7] : memref<6144x1024xf32, #tpu.memory_space<hbm>> -> memref<6144x1024xf32, #tpu.memory_space<hbm>>
    tpu.enqueue_indirect_dma source(%dma_start3A_8 : memref<6144x1024xf32, #tpu.memory_space<hbm>>) target(%arg8 : memref<16x1024xf32, #tpu.memory_space<vmem>>) offsets(%dma_start3A_5 : memref<16xi32, #tpu.memory_space<vmem>>) semaphore(%arg12 : memref<!tpu.dma_semaphore, #tpu.memory_space<semaphore_mem>>)
    %dma_start3A_9 = arith.constant 0 : i32
    %dma_start3A_10 = arith.constant 0 : i32
    %dma_start3A_11 = tpu.memref_slice %arg7[%dma_start3A_9, %dma_start3A_10] : memref<4x16xi32, #tpu.memory_space<vmem>> -> memref<1x16xi32, #tpu.memory_space<vmem>>
    %dma_start3A_12 = tpu.memref_squeeze %dma_start3A_11 : memref<1x16xi32, #tpu.memory_space<vmem>> -> memref<16xi32, #tpu.memory_space<vmem>>
    %dma_start3A_13 = arith.constant 0 : i32
    %dma_start3A_14 = arith.constant 0 : i32
    %dma_start3A_15 = tpu.memref_slice %arg2[%dma_start3A_13, %dma_start3A_14] : memref<6144x1024xf32, #tpu.memory_space<hbm>> -> memref<6144x1024xf32, #tpu.memory_space<hbm>>
    tpu.enqueue_indirect_dma source(%dma_start3A_15 : memref<6144x1024xf32, #tpu.memory_space<hbm>>) target(%arg10 : memref<16x1024xf32, #tpu.memory_space<vmem>>) offsets(%dma_start3A_12 : memref<16xi32, #tpu.memory_space<vmem>>) semaphore(%arg14 : memref<!tpu.dma_semaphore, #tpu.memory_space<semaphore_mem>>)
    %dma_wait3A = arith.constant 0 : i32
    %dma_wait3A_16 = arith.constant 0 : i32
    %dma_wait3A_17 = tpu.memref_slice %arg6[%dma_wait3A, %dma_wait3A_16] : memref<4x16xi32, #tpu.memory_space<vmem>> -> memref<1x16xi32, #tpu.memory_space<vmem>>
    %dma_wait3A_18 = tpu.memref_squeeze %dma_wait3A_17 : memref<1x16xi32, #tpu.memory_space<vmem>> -> memref<16xi32, #tpu.memory_space<vmem>>
    %dma_wait3A_19 = arith.constant 0 : i32
    %dma_wait3A_20 = arith.constant 0 : i32
    %dma_wait3A_21 = tpu.memref_slice %arg2[%dma_wait3A_19, %dma_wait3A_20] : memref<6144x1024xf32, #tpu.memory_space<hbm>> -> memref<6144x1024xf32, #tpu.memory_space<hbm>>
    tpu.wait_indirect_dma semaphore(%arg12 : memref<!tpu.dma_semaphore, #tpu.memory_space<semaphore_mem>>) src(%dma_wait3A_21 : memref<6144x1024xf32, #tpu.memory_space<hbm>>) dst(%arg8 : memref<16x1024xf32, #tpu.memory_space<vmem>>)
    %dma_wait3A_22 = arith.constant 0 : i32
    %dma_wait3A_23 = arith.constant 0 : i32
    %dma_wait3A_24 = tpu.memref_slice %arg7[%dma_wait3A_22, %dma_wait3A_23] : memref<4x16xi32, #tpu.memory_space<vmem>> -> memref<1x16xi32, #tpu.memory_space<vmem>>
    %dma_wait3A_25 = tpu.memref_squeeze %dma_wait3A_24 : memref<1x16xi32, #tpu.memory_space<vmem>> -> memref<16xi32, #tpu.memory_space<vmem>>
    %dma_wait3A_26 = arith.constant 0 : i32
    %dma_wait3A_27 = arith.constant 0 : i32
    %dma_wait3A_28 = tpu.memref_slice %arg2[%dma_wait3A_26, %dma_wait3A_27] : memref<6144x1024xf32, #tpu.memory_space<hbm>> -> memref<6144x1024xf32, #tpu.memory_space<hbm>>
    tpu.wait_indirect_dma semaphore(%arg14 : memref<!tpu.dma_semaphore, #tpu.memory_space<semaphore_mem>>) src(%dma_wait3A_28 : memref<6144x1024xf32, #tpu.memory_space<hbm>>) dst(%arg10 : memref<16x1024xf32, #tpu.memory_space<vmem>>)
    %dma_start3A_29 = arith.constant 1 : i32
    %dma_start3A_30 = arith.constant 0 : i32
    %dma_start3A_31 = tpu.memref_slice %arg6[%dma_start3A_29, %dma_start3A_30] : memref<4x16xi32, #tpu.memory_space<vmem>> -> memref<1x16xi32, #tpu.memory_space<vmem>>
    %dma_start3A_32 = tpu.memref_squeeze %dma_start3A_31 : memref<1x16xi32, #tpu.memory_space<vmem>> -> memref<16xi32, #tpu.memory_space<vmem>>
    %dma_start3A_33 = arith.constant 0 : i32
    %dma_start3A_34 = arith.constant 0 : i32
    %dma_start3A_35 = tpu.memref_slice %arg2[%dma_start3A_33, %dma_start3A_34] : memref<6144x1024xf32, #tpu.memory_space<hbm>> -> memref<6144x1024xf32, #tpu.memory_space<hbm>>
    tpu.enqueue_indirect_dma source(%dma_start3A_35 : memref<6144x1024xf32, #tpu.memory_space<hbm>>) target(%arg9 : memref<16x1024xf32, #tpu.memory_space<vmem>>) offsets(%dma_start3A_32 : memref<16xi32, #tpu.memory_space<vmem>>) semaphore(%arg13 : memref<!tpu.dma_semaphore, #tpu.memory_space<semaphore_mem>>)
    %dma_start3A_36 = arith.constant 1 : i32
    %dma_start3A_37 = arith.constant 0 : i32
    %dma_start3A_38 = tpu.memref_slice %arg7[%dma_start3A_36, %dma_start3A_37] : memref<4x16xi32, #tpu.memory_space<vmem>> -> memref<1x16xi32, #tpu.memory_space<vmem>>
    %dma_start3A_39 = tpu.memref_squeeze %dma_start3A_38 : memref<1x16xi32, #tpu.memory_space<vmem>> -> memref<16xi32, #tpu.memory_space<vmem>>
    %dma_start3A_40 = arith.constant 0 : i32
    %dma_start3A_41 = arith.constant 0 : i32
    %dma_start3A_42 = tpu.memref_slice %arg2[%dma_start3A_40, %dma_start3A_41] : memref<6144x1024xf32, #tpu.memory_space<hbm>> -> memref<6144x1024xf32, #tpu.memory_space<hbm>>
    tpu.enqueue_indirect_dma source(%dma_start3A_42 : memref<6144x1024xf32, #tpu.memory_space<hbm>>) target(%arg11 : memref<16x1024xf32, #tpu.memory_space<vmem>>) offsets(%dma_start3A_39 : memref<16xi32, #tpu.memory_space<vmem>>) semaphore(%arg15 : memref<!tpu.dma_semaphore, #tpu.memory_space<semaphore_mem>>)
    %scan3A = arith.constant 0 : i32
    %scan3A_43 = arith.constant 0 : i32
    %scan3A_44 = arith.constant 64 : i32
    %scan3A_45 = arith.addi %scan3A_43, %scan3A_44 : i32
    %scan3A_46 = arith.constant 1 : i32
    %scan3A_47 = scf.for %scan3A_180 = %scan3A_43 to %scan3A_45 step %scan3A_46 iter_args(%scan3A_181 = %scan3A) -> (i32)  : i32 {
      %mul3A_182 = arith.constant 16 : i32
      %mul3A_183 = arith.muli %scan3A_180, %mul3A_182 : i32
      %get3A = arith.constant 0 : i32
      %get3A_184 = arith.index_cast %get3A : i32 to index
      %get3A_185 = arith.index_cast %mul3A_183 : i32 to index
      %get3A_186 = tpu.vector_load %arg8[%get3A_184, %get3A_185] {strides = array<i32>} : memref<16x1024xf32, #tpu.memory_space<vmem>>, vector<1x16xf32>,
      %get3A_187 = vector.shape_cast %get3A_186 : vector<1x16xf32> to vector<16xf32>
      %get3A_188 = arith.constant 0 : i32
      %get3A_189 = arith.index_cast %get3A_188 : i32 to index
      %get3A_190 = arith.index_cast %mul3A_183 : i32 to index
      %get3A_191 = tpu.vector_load %arg10[%get3A_189, %get3A_190] {strides = array<i32>} : memref<16x1024xf32, #tpu.memory_space<vmem>>, vector<1x16xf32>,
      %get3A_192 = vector.shape_cast %get3A_191 : vector<1x16xf32> to vector<16xf32>
      %add3A_193 = arith.addf %get3A_187, %get3A_192 : vector<16xf32>
      %swap3A = arith.constant 0 : i32
      %swap3A_194 = arith.index_cast %swap3A : i32 to index
      %swap3A_195 = arith.index_cast %mul3A_183 : i32 to index
      %swap3A_196 = tpu.vector_load %arg8[%swap3A_194, %swap3A_195] {strides = array<i32>} : memref<16x1024xf32, #tpu.memory_space<vmem>>, vector<1x16xf32>,
      %swap3A_197 = vector.shape_cast %swap3A_196 : vector<1x16xf32> to vector<16xf32>
      %swap3A_198 = vector.shape_cast %add3A_193 : vector<16xf32> to vector<1x16xf32>
      tpu.vector_store %arg8[%swap3A_194, %swap3A_195], %swap3A_198 {strides = array<i32>} : memref<16x1024xf32, #tpu.memory_space<vmem>>, vector<1x16xf32>,
      %mul3A_199 = arith.constant 16 : i32
      %mul3A_200 = arith.muli %scan3A_180, %mul3A_199 : i32
      %get3A_201 = arith.constant 1 : i32
      %get3A_202 = arith.index_cast %get3A_201 : i32 to index
      %get3A_203 = arith.index_cast %mul3A_200 : i32 to index
      %get3A_204 = tpu.vector_load %arg8[%get3A_202, %get3A_203] {strides = array<i32>} : memref<16x1024xf32, #tpu.memory_space<vmem>>, vector<1x16xf32>,
      %get3A_205 = vector.shape_cast %get3A_204 : vector<1x16xf32> to vector<16xf32>
      %get3A_206 = arith.constant 1 : i32
      %get3A_207 = arith.index_cast %get3A_206 : i32 to index
      %get3A_208 = arith.index_cast %mul3A_200 : i32 to index
      %get3A_209 = tpu.vector_load %arg10[%get3A_207, %get3A_208] {strides = array<i32>} : memref<16x1024xf32, #tpu.memory_space<vmem>>, vector<1x16xf32>,
      %get3A_210 = vector.shape_cast %get3A_209 : vector<1x16xf32> to vector<16xf32>
      %add3A_211 = arith.addf %get3A_205, %get3A_210 : vector<16xf32>
      %swap3A_212 = arith.constant 1 : i32
      %swap3A_213 = arith.index_cast %swap3A_212 : i32 to index
      %swap3A_214 = arith.index_cast %mul3A_200 : i32 to index
      %swap3A_215 = tpu.vector_load %arg8[%swap3A_213, %swap3A_214] {strides = array<i32>} : memref<16x1024xf32, #tpu.memory_space<vmem>>, vector<1x16xf32>,
      %swap3A_216 = vector.shape_cast %swap3A_215 : vector<1x16xf32> to vector<16xf32>
      %swap3A_217 = vector.shape_cast %add3A_211 : vector<16xf32> to vector<1x16xf32>
      tpu.vector_store %arg8[%swap3A_213, %swap3A_214], %swap3A_217 {strides = array<i32>} : memref<16x1024xf32, #tpu.memory_space<vmem>>, vector<1x16xf32>,
      %mul3A_218 = arith.constant 16 : i32
      %mul3A_219 = arith.muli %scan3A_180, %mul3A_218 : i32
      %get3A_220 = arith.constant 2 : i32
      %get3A_221 = arith.index_cast %get3A_220 : i32 to index
      %get3A_222 = arith.index_cast %mul3A_219 : i32 to index
      %get3A_223 = tpu.vector_load %arg8[%get3A_221, %get3A_222] {strides = array<i32>} : memref<16x1024xf32, #tpu.memory_space<vmem>>, vector<1x16xf32>,
      %get3A_224 = vector.shape_cast %get3A_223 : vector<1x16xf32> to vector<16xf32>
      %get3A_225 = arith.constant 2 : i32
      %get3A_226 = arith.index_cast %get3A_225 : i32 to index
      %get3A_227 = arith.index_cast %mul3A_219 : i32 to index
      %get3A_228 = tpu.vector_load %arg10[%get3A_226, %get3A_227] {strides = array<i32>} : memref<16x1024xf32, #tpu.memory_space<vmem>>, vector<1x16xf32>,
      %get3A_229 = vector.shape_cast %get3A_228 : vector<1x16xf32> to vector<16xf32>
      %add3A_230 = arith.addf %get3A_224, %get3A_229 : vector<16xf32>
      %swap3A_231 = arith.constant 2 : i32
      %swap3A_232 = arith.index_cast %swap3A_231 : i32 to index
      %swap3A_233 = arith.index_cast %mul3A_219 : i32 to index
      %swap3A_234 = tpu.vector_load %arg8[%swap3A_232, %swap3A_233] {strides = array<i32>} : memref<16x1024xf32, #tpu.memory_space<vmem>>, vector<1x16xf32>,
      %swap3A_235 = vector.shape_cast %swap3A_234 : vector<1x16xf32> to vector<16xf32>
      %swap3A_236 = vector.shape_cast %add3A_230 : vector<16xf32> to vector<1x16xf32>
      tpu.vector_store %arg8[%swap3A_232, %swap3A_233], %swap3A_236 {strides = array<i32>} : memref<16x1024xf32, #tpu.memory_space<vmem>>, vector<1x16xf32>,
      %mul3A_237 = arith.constant 16 : i32
      %mul3A_238 = arith.muli %scan3A_180, %mul3A_237 : i32
      %get3A_239 = arith.constant 3 : i32
      %get3A_240 = arith.index_cast %get3A_239 : i32 to index
      %get3A_241 = arith.index_cast %mul3A_238 : i32 to index
      %get3A_242 = tpu.vector_load %arg8[%get3A_240, %get3A_241] {strides = array<i32>} : memref<16x1024xf32, #tpu.memory_space<vmem>>, vector<1x16xf32>,
      %get3A_243 = vector.shape_cast %get3A_242 : vector<1x16xf32> to vector<16xf32>
      %get3A_244 = arith.constant 3 : i32
      %get3A_245 = arith.index_cast %get3A_244 : i32 to index
      %get3A_246 = arith.index_cast %mul3A_238 : i32 to index
      %get3A_247 = tpu.vector_load %arg10[%get3A_245, %get3A_246] {strides = array<i32>} : memref<16x1024xf32, #tpu.memory_space<vmem>>, vector<1x16xf32>,
      %get3A_248 = vector.shape_cast %get3A_247 : vector<1x16xf32> to vector<16xf32>
      %add3A_249 = arith.addf %get3A_243, %get3A_248 : vector<16xf32>
      %swap3A_250 = arith.constant 3 : i32
      %swap3A_251 = arith.index_cast %swap3A_250 : i32 to index
      %swap3A_252 = arith.index_cast %mul3A_238 : i32 to index
      %swap3A_253 = tpu.vector_load %arg8[%swap3A_251, %swap3A_252] {strides = array<i32>} : memref<16x1024xf32, #tpu.memory_space<vmem>>, vector<1x16xf32>,
      %swap3A_254 = vector.shape_cast %swap3A_253 : vector<1x16xf32> to vector<16xf32>
      %swap3A_255 = vector.shape_cast %add3A_249 : vector<16xf32> to vector<1x16xf32>
      tpu.vector_store %arg8[%swap3A_251, %swap3A_252], %swap3A_255 {strides = array<i32>} : memref<16x1024xf32, #tpu.memory_space<vmem>>, vector<1x16xf32>,
      %mul3A_256 = arith.constant 16 : i32
      %mul3A_257 = arith.muli %scan3A_180, %mul3A_256 : i32
      %get3A_258 = arith.constant 4 : i32
      %get3A_259 = arith.index_cast %get3A_258 : i32 to index
      %get3A_260 = arith.index_cast %mul3A_257 : i32 to index
      %get3A_261 = tpu.vector_load %arg8[%get3A_259, %get3A_260] {strides = array<i32>} : memref<16x1024xf32, #tpu.memory_space<vmem>>, vector<1x16xf32>,
      %get3A_262 = vector.shape_cast %get3A_261 : vector<1x16xf32> to vector<16xf32>
      %get3A_263 = arith.constant 4 : i32
      %get3A_264 = arith.index_cast %get3A_263 : i32 to index
      %get3A_265 = arith.index_cast %mul3A_257 : i32 to index
      %get3A_266 = tpu.vector_load %arg10[%get3A_264, %get3A_265] {strides = array<i32>} : memref<16x1024xf32, #tpu.memory_space<vmem>>, vector<1x16xf32>,
      %get3A_267 = vector.shape_cast %get3A_266 : vector<1x16xf32> to vector<16xf32>
      %add3A_268 = arith.addf %get3A_262, %get3A_267 : vector<16xf32>
      %swap3A_269 = arith.constant 4 : i32
      %swap3A_270 = arith.index_cast %swap3A_269 : i32 to index
      %swap3A_271 = arith.index_cast %mul3A_257 : i32 to index
      %swap3A_272 = tpu.vector_load %arg8[%swap3A_270, %swap3A_271] {strides = array<i32>} : memref<16x1024xf32, #tpu.memory_space<vmem>>, vector<1x16xf32>,
      %swap3A_273 = vector.shape_cast %swap3A_272 : vector<1x16xf32> to vector<16xf32>
      %swap3A_274 = vector.shape_cast %add3A_268 : vector<16xf32> to vector<1x16xf32>
      tpu.vector_store %arg8[%swap3A_270, %swap3A_271], %swap3A_274 {strides = array<i32>} : memref<16x1024xf32, #tpu.memory_space<vmem>>, vector<1x16xf32>,
      %mul3A_275 = arith.constant 16 : i32
      %mul3A_276 = arith.muli %scan3A_180, %mul3A_275 : i32
      %get3A_277 = arith.constant 5 : i32
      %get3A_278 = arith.index_cast %get3A_277 : i32 to index
      %get3A_279 = arith.index_cast %mul3A_276 : i32 to index
      %get3A_280 = tpu.vector_load %arg8[%get3A_278, %get3A_279] {strides = array<i32>} : memref<16x1024xf32, #tpu.memory_space<vmem>>, vector<1x16xf32>,
      %get3A_281 = vector.shape_cast %get3A_280 : vector<1x16xf32> to vector<16xf32>
      %get3A_282 = arith.constant 5 : i32
      %get3A_283 = arith.index_cast %get3A_282 : i32 to index
      %get3A_284 = arith.index_cast %mul3A_276 : i32 to index
      %get3A_285 = tpu.vector_load %arg10[%get3A_283, %get3A_284] {strides = array<i32>} : memref<16x1024xf32, #tpu.memory_space<vmem>>, vector<1x16xf32>,
      %get3A_286 = vector.shape_cast %get3A_285 : vector<1x16xf32> to vector<16xf32>
      %add3A_287 = arith.addf %get3A_281, %get3A_286 : vector<16xf32>
      %swap3A_288 = arith.constant 5 : i32
      %swap3A_289 = arith.index_cast %swap3A_288 : i32 to index
      %swap3A_290 = arith.index_cast %mul3A_276 : i32 to index
      %swap3A_291 = tpu.vector_load %arg8[%swap3A_289, %swap3A_290] {strides = array<i32>} : memref<16x1024xf32, #tpu.memory_space<vmem>>, vector<1x16xf32>,
      %swap3A_292 = vector.shape_cast %swap3A_291 : vector<1x16xf32> to vector<16xf32>
      %swap3A_293 = vector.shape_cast %add3A_287 : vector<16xf32> to vector<1x16xf32>
      tpu.vector_store %arg8[%swap3A_289, %swap3A_290], %swap3A_293 {strides = array<i32>} : memref<16x1024xf32, #tpu.memory_space<vmem>>, vector<1x16xf32>,
      %mul3A_294 = arith.constant 16 : i32
      %mul3A_295 = arith.muli %scan3A_180, %mul3A_294 : i32
      %get3A_296 = arith.constant 6 : i32
      %get3A_297 = arith.index_cast %get3A_296 : i32 to index
      %get3A_298 = arith.index_cast %mul3A_295 : i32 to index
      %get3A_299 = tpu.vector_load %arg8[%get3A_297, %get3A_298] {strides = array<i32>} : memref<16x1024xf32, #tpu.memory_space<vmem>>, vector<1x16xf32>,
      %get3A_300 = vector.shape_cast %get3A_299 : vector<1x16xf32> to vector<16xf32>
      %get3A_301 = arith.constant 6 : i32
      %get3A_302 = arith.index_cast %get3A_301 : i32 to index
      %get3A_303 = arith.index_cast %mul3A_295 : i32 to index
      %get3A_304 = tpu.vector_load %arg10[%get3A_302, %get3A_303] {strides = array<i32>} : memref<16x1024xf32, #tpu.memory_space<vmem>>, vector<1x16xf32>,
      %get3A_305 = vector.shape_cast %get3A_304 : vector<1x16xf32> to vector<16xf32>
      %add3A_306 = arith.addf %get3A_300, %get3A_305 : vector<16xf32>
      %swap3A_307 = arith.constant 6 : i32
      %swap3A_308 = arith.index_cast %swap3A_307 : i32 to index
      %swap3A_309 = arith.index_cast %mul3A_295 : i32 to index
      %swap3A_310 = tpu.vector_load %arg8[%swap3A_308, %swap3A_309] {strides = array<i32>} : memref<16x1024xf32, #tpu.memory_space<vmem>>, vector<1x16xf32>,
      %swap3A_311 = vector.shape_cast %swap3A_310 : vector<1x16xf32> to vector<16xf32>
      %swap3A_312 = vector.shape_cast %add3A_306 : vector<16xf32> to vector<1x16xf32>
      tpu.vector_store %arg8[%swap3A_308, %swap3A_309], %swap3A_312 {strides = array<i32>} : memref<16x1024xf32, #tpu.memory_space<vmem>>, vector<1x16xf32>,
      %mul3A_313 = arith.constant 16 : i32
      %mul3A_314 = arith.muli %scan3A_180, %mul3A_313 : i32
      %get3A_315 = arith.constant 7 : i32
      %get3A_316 = arith.index_cast %get3A_315 : i32 to index
      %get3A_317 = arith.index_cast %mul3A_314 : i32 to index
      %get3A_318 = tpu.vector_load %arg8[%get3A_316, %get3A_317] {strides = array<i32>} : memref<16x1024xf32, #tpu.memory_space<vmem>>, vector<1x16xf32>,
      %get3A_319 = vector.shape_cast %get3A_318 : vector<1x16xf32> to vector<16xf32>
      %get3A_320 = arith.constant 7 : i32
      %get3A_321 = arith.index_cast %get3A_320 : i32 to index
      %get3A_322 = arith.index_cast %mul3A_314 : i32 to index
      %get3A_323 = tpu.vector_load %arg10[%get3A_321, %get3A_322] {strides = array<i32>} : memref<16x1024xf32, #tpu.memory_space<vmem>>, vector<1x16xf32>,
      %get3A_324 = vector.shape_cast %get3A_323 : vector<1x16xf32> to vector<16xf32>
      %add3A_325 = arith.addf %get3A_319, %get3A_324 : vector<16xf32>
      %swap3A_326 = arith.constant 7 : i32
      %swap3A_327 = arith.index_cast %swap3A_326 : i32 to index
      %swap3A_328 = arith.index_cast %mul3A_314 : i32 to index
      %swap3A_329 = tpu.vector_load %arg8[%swap3A_327, %swap3A_328] {strides = array<i32>} : memref<16x1024xf32, #tpu.memory_space<vmem>>, vector<1x16xf32>,
      %swap3A_330 = vector.shape_cast %swap3A_329 : vector<1x16xf32> to vector<16xf32>
      %swap3A_331 = vector.shape_cast %add3A_325 : vector<16xf32> to vector<1x16xf32>
      tpu.vector_store %arg8[%swap3A_327, %swap3A_328], %swap3A_331 {strides = array<i32>} : memref<16x1024xf32, #tpu.memory_space<vmem>>, vector<1x16xf32>,
      %mul3A_332 = arith.constant 16 : i32
      %mul3A_333 = arith.muli %scan3A_180, %mul3A_332 : i32
      %get3A_334 = arith.constant 8 : i32
      %get3A_335 = arith.index_cast %get3A_334 : i32 to index
      %get3A_336 = arith.index_cast %mul3A_333 : i32 to index
      %get3A_337 = tpu.vector_load %arg8[%get3A_335, %get3A_336] {strides = array<i32>} : memref<16x1024xf32, #tpu.memory_space<vmem>>, vector<1x16xf32>,
      %get3A_338 = vector.shape_cast %get3A_337 : vector<1x16xf32> to vector<16xf32>
      %get3A_339 = arith.constant 8 : i32
      %get3A_340 = arith.index_cast %get3A_339 : i32 to index
      %get3A_341 = arith.index_cast %mul3A_333 : i32 to index
      %get3A_342 = tpu.vector_load %arg10[%get3A_340, %get3A_341] {strides = array<i32>} : memref<16x1024xf32, #tpu.memory_space<vmem>>, vector<1x16xf32>,
      %get3A_343 = vector.shape_cast %get3A_342 : vector<1x16xf32> to vector<16xf32>
      %add3A_344 = arith.addf %get3A_338, %get3A_343 : vector<16xf32>
      %swap3A_345 = arith.constant 8 : i32
      %swap3A_346 = arith.index_cast %swap3A_345 : i32 to index
      %swap3A_347 = arith.index_cast %mul3A_333 : i32 to index
      %swap3A_348 = tpu.vector_load %arg8[%swap3A_346, %swap3A_347] {strides = array<i32>} : memref<16x1024xf32, #tpu.memory_space<vmem>>, vector<1x16xf32>,
      %swap3A_349 = vector.shape_cast %swap3A_348 : vector<1x16xf32> to vector<16xf32>
      %swap3A_350 = vector.shape_cast %add3A_344 : vector<16xf32> to vector<1x16xf32>
      tpu.vector_store %arg8[%swap3A_346, %swap3A_347], %swap3A_350 {strides = array<i32>} : memref<16x1024xf32, #tpu.memory_space<vmem>>, vector<1x16xf32>,
      %mul3A_351 = arith.constant 16 : i32
      %mul3A_352 = arith.muli %scan3A_180, %mul3A_351 : i32
      %get3A_353 = arith.constant 9 : i32
      %get3A_354 = arith.index_cast %get3A_353 : i32 to index
      %get3A_355 = arith.index_cast %mul3A_352 : i32 to index
      %get3A_356 = tpu.vector_load %arg8[%get3A_354, %get3A_355] {strides = array<i32>} : memref<16x1024xf32, #tpu.memory_space<vmem>>, vector<1x16xf32>,
      %get3A_357 = vector.shape_cast %get3A_356 : vector<1x16xf32> to vector<16xf32>
      %get3A_358 = arith.constant 9 : i32
      %get3A_359 = arith.index_cast %get3A_358 : i32 to index
      %get3A_360 = arith.index_cast %mul3A_352 : i32 to index
      %get3A_361 = tpu.vector_load %arg10[%get3A_359, %get3A_360] {strides = array<i32>} : memref<16x1024xf32, #tpu.memory_space<vmem>>, vector<1x16xf32>,
      %get3A_362 = vector.shape_cast %get3A_361 : vector<1x16xf32> to vector<16xf32>
      %add3A_363 = arith.addf %get3A_357, %get3A_362 : vector<16xf32>
      %swap3A_364 = arith.constant 9 : i32
      %swap3A_365 = arith.index_cast %swap3A_364 : i32 to index
      %swap3A_366 = arith.index_cast %mul3A_352 : i32 to index
      %swap3A_367 = tpu.vector_load %arg8[%swap3A_365, %swap3A_366] {strides = array<i32>} : memref<16x1024xf32, #tpu.memory_space<vmem>>, vector<1x16xf32>,
      %swap3A_368 = vector.shape_cast %swap3A_367 : vector<1x16xf32> to vector<16xf32>
      %swap3A_369 = vector.shape_cast %add3A_363 : vector<16xf32> to vector<1x16xf32>
      tpu.vector_store %arg8[%swap3A_365, %swap3A_366], %swap3A_369 {strides = array<i32>} : memref<16x1024xf32, #tpu.memory_space<vmem>>, vector<1x16xf32>,
      %mul3A_370 = arith.constant 16 : i32
      %mul3A_371 = arith.muli %scan3A_180, %mul3A_370 : i32
      %get3A_372 = arith.constant 10 : i32
      %get3A_373 = arith.index_cast %get3A_372 : i32 to index
      %get3A_374 = arith.index_cast %mul3A_371 : i32 to index
      %get3A_375 = tpu.vector_load %arg8[%get3A_373, %get3A_374] {strides = array<i32>} : memref<16x1024xf32, #tpu.memory_space<vmem>>, vector<1x16xf32>,
      %get3A_376 = vector.shape_cast %get3A_375 : vector<1x16xf32> to vector<16xf32>
      %get3A_377 = arith.constant 10 : i32
      %get3A_378 = arith.index_cast %get3A_377 : i32 to index
      %get3A_379 = arith.index_cast %mul3A_371 : i32 to index
      %get3A_380 = tpu.vector_load %arg10[%get3A_378, %get3A_379] {strides = array<i32>} : memref<16x1024xf32, #tpu.memory_space<vmem>>, vector<1x16xf32>,
      %get3A_381 = vector.shape_cast %get3A_380 : vector<1x16xf32> to vector<16xf32>
      %add3A_382 = arith.addf %get3A_376, %get3A_381 : vector<16xf32>
      %swap3A_383 = arith.constant 10 : i32
      %swap3A_384 = arith.index_cast %swap3A_383 : i32 to index
      %swap3A_385 = arith.index_cast %mul3A_371 : i32 to index
      %swap3A_386 = tpu.vector_load %arg8[%swap3A_384, %swap3A_385] {strides = array<i32>} : memref<16x1024xf32, #tpu.memory_space<vmem>>, vector<1x16xf32>,
      %swap3A_387 = vector.shape_cast %swap3A_386 : vector<1x16xf32> to vector<16xf32>
      %swap3A_388 = vector.shape_cast %add3A_382 : vector<16xf32> to vector<1x16xf32>
      tpu.vector_store %arg8[%swap3A_384, %swap3A_385], %swap3A_388 {strides = array<i32>} : memref<16x1024xf32, #tpu.memory_space<vmem>>, vector<1x16xf32>,
      %mul3A_389 = arith.constant 16 : i32
      %mul3A_390 = arith.muli %scan3A_180, %mul3A_389 : i32
      %get3A_391 = arith.constant 11 : i32
      %get3A_392 = arith.index_cast %get3A_391 : i32 to index
      %get3A_393 = arith.index_cast %mul3A_390 : i32 to index
      %get3A_394 = tpu.vector_load %arg8[%get3A_392, %get3A_393] {strides = array<i32>} : memref<16x1024xf32, #tpu.memory_space<vmem>>, vector<1x16xf32>,
      %get3A_395 = vector.shape_cast %get3A_394 : vector<1x16xf32> to vector<16xf32>
      %get3A_396 = arith.constant 11 : i32
      %get3A_397 = arith.index_cast %get3A_396 : i32 to index
      %get3A_398 = arith.index_cast %mul3A_390 : i32 to index
      %get3A_399 = tpu.vector_load %arg10[%get3A_397, %get3A_398] {strides = array<i32>} : memref<16x1024xf32, #tpu.memory_space<vmem>>, vector<1x16xf32>,
      %get3A_400 = vector.shape_cast %get3A_399 : vector<1x16xf32> to vector<16xf32>
      %add3A_401 = arith.addf %get3A_395, %get3A_400 : vector<16xf32>
      %swap3A_402 = arith.constant 11 : i32
      %swap3A_403 = arith.index_cast %swap3A_402 : i32 to index
      %swap3A_404 = arith.index_cast %mul3A_390 : i32 to index
      %swap3A_405 = tpu.vector_load %arg8[%swap3A_403, %swap3A_404] {strides = array<i32>} : memref<16x1024xf32, #tpu.memory_space<vmem>>, vector<1x16xf32>,
      %swap3A_406 = vector.shape_cast %swap3A_405 : vector<1x16xf32> to vector<16xf32>
      %swap3A_407 = vector.shape_cast %add3A_401 : vector<16xf32> to vector<1x16xf32>
      tpu.vector_store %arg8[%swap3A_403, %swap3A_404], %swap3A_407 {strides = array<i32>} : memref<16x1024xf32, #tpu.memory_space<vmem>>, vector<1x16xf32>,
      %mul3A_408 = arith.constant 16 : i32
      %mul3A_409 = arith.muli %scan3A_180, %mul3A_408 : i32
      %get3A_410 = arith.constant 12 : i32
      %get3A_411 = arith.index_cast %get3A_410 : i32 to index
      %get3A_412 = arith.index_cast %mul3A_409 : i32 to index
      %get3A_413 = tpu.vector_load %arg8[%get3A_411, %get3A_412] {strides = array<i32>} : memref<16x1024xf32, #tpu.memory_space<vmem>>, vector<1x16xf32>,
      %get3A_414 = vector.shape_cast %get3A_413 : vector<1x16xf32> to vector<16xf32>
      %get3A_415 = arith.constant 12 : i32
      %get3A_416 = arith.index_cast %get3A_415 : i32 to index
      %get3A_417 = arith.index_cast %mul3A_409 : i32 to index
      %get3A_418 = tpu.vector_load %arg10[%get3A_416, %get3A_417] {strides = array<i32>} : memref<16x1024xf32, #tpu.memory_space<vmem>>, vector<1x16xf32>,
      %get3A_419 = vector.shape_cast %get3A_418 : vector<1x16xf32> to vector<16xf32>
      %add3A_420 = arith.addf %get3A_414, %get3A_419 : vector<16xf32>
      %swap3A_421 = arith.constant 12 : i32
      %swap3A_422 = arith.index_cast %swap3A_421 : i32 to index
      %swap3A_423 = arith.index_cast %mul3A_409 : i32 to index
      %swap3A_424 = tpu.vector_load %arg8[%swap3A_422, %swap3A_423] {strides = array<i32>} : memref<16x1024xf32, #tpu.memory_space<vmem>>, vector<1x16xf32>,
      %swap3A_425 = vector.shape_cast %swap3A_424 : vector<1x16xf32> to vector<16xf32>
      %swap3A_426 = vector.shape_cast %add3A_420 : vector<16xf32> to vector<1x16xf32>
      tpu.vector_store %arg8[%swap3A_422, %swap3A_423], %swap3A_426 {strides = array<i32>} : memref<16x1024xf32, #tpu.memory_space<vmem>>, vector<1x16xf32>,
      %mul3A_427 = arith.constant 16 : i32
      %mul3A_428 = arith.muli %scan3A_180, %mul3A_427 : i32
      %get3A_429 = arith.constant 13 : i32
      %get3A_430 = arith.index_cast %get3A_429 : i32 to index
      %get3A_431 = arith.index_cast %mul3A_428 : i32 to index
      %get3A_432 = tpu.vector_load %arg8[%get3A_430, %get3A_431] {strides = array<i32>} : memref<16x1024xf32, #tpu.memory_space<vmem>>, vector<1x16xf32>,
      %get3A_433 = vector.shape_cast %get3A_432 : vector<1x16xf32> to vector<16xf32>
      %get3A_434 = arith.constant 13 : i32
      %get3A_435 = arith.index_cast %get3A_434 : i32 to index
      %get3A_436 = arith.index_cast %mul3A_428 : i32 to index
      %get3A_437 = tpu.vector_load %arg10[%get3A_435, %get3A_436] {strides = array<i32>} : memref<16x1024xf32, #tpu.memory_space<vmem>>, vector<1x16xf32>,
      %get3A_438 = vector.shape_cast %get3A_437 : vector<1x16xf32> to vector<16xf32>
      %add3A_439 = arith.addf %get3A_433, %get3A_438 : vector<16xf32>
      %swap3A_440 = arith.constant 13 : i32
      %swap3A_441 = arith.index_cast %swap3A_440 : i32 to index
      %swap3A_442 = arith.index_cast %mul3A_428 : i32 to index
      %swap3A_443 = tpu.vector_load %arg8[%swap3A_441, %swap3A_442] {strides = array<i32>} : memref<16x1024xf32, #tpu.memory_space<vmem>>, vector<1x16xf32>,
      %swap3A_444 = vector.shape_cast %swap3A_443 : vector<1x16xf32> to vector<16xf32>
      %swap3A_445 = vector.shape_cast %add3A_439 : vector<16xf32> to vector<1x16xf32>
      tpu.vector_store %arg8[%swap3A_441, %swap3A_442], %swap3A_445 {strides = array<i32>} : memref<16x1024xf32, #tpu.memory_space<vmem>>, vector<1x16xf32>,
      %mul3A_446 = arith.constant 16 : i32
      %mul3A_447 = arith.muli %scan3A_180, %mul3A_446 : i32
      %get3A_448 = arith.constant 14 : i32
      %get3A_449 = arith.index_cast %get3A_448 : i32 to index
      %get3A_450 = arith.index_cast %mul3A_447 : i32 to index
      %get3A_451 = tpu.vector_load %arg8[%get3A_449, %get3A_450] {strides = array<i32>} : memref<16x1024xf32, #tpu.memory_space<vmem>>, vector<1x16xf32>,
      %get3A_452 = vector.shape_cast %get3A_451 : vector<1x16xf32> to vector<16xf32>
      %get3A_453 = arith.constant 14 : i32
      %get3A_454 = arith.index_cast %get3A_453 : i32 to index
      %get3A_455 = arith.index_cast %mul3A_447 : i32 to index
      %get3A_456 = tpu.vector_load %arg10[%get3A_454, %get3A_455] {strides = array<i32>} : memref<16x1024xf32, #tpu.memory_space<vmem>>, vector<1x16xf32>,
      %get3A_457 = vector.shape_cast %get3A_456 : vector<1x16xf32> to vector<16xf32>
      %add3A_458 = arith.addf %get3A_452, %get3A_457 : vector<16xf32>
      %swap3A_459 = arith.constant 14 : i32
      %swap3A_460 = arith.index_cast %swap3A_459 : i32 to index
      %swap3A_461 = arith.index_cast %mul3A_447 : i32 to index
      %swap3A_462 = tpu.vector_load %arg8[%swap3A_460, %swap3A_461] {strides = array<i32>} : memref<16x1024xf32, #tpu.memory_space<vmem>>, vector<1x16xf32>,
      %swap3A_463 = vector.shape_cast %swap3A_462 : vector<1x16xf32> to vector<16xf32>
      %swap3A_464 = vector.shape_cast %add3A_458 : vector<16xf32> to vector<1x16xf32>
      tpu.vector_store %arg8[%swap3A_460, %swap3A_461], %swap3A_464 {strides = array<i32>} : memref<16x1024xf32, #tpu.memory_space<vmem>>, vector<1x16xf32>,
      %mul3A_465 = arith.constant 16 : i32
      %mul3A_466 = arith.muli %scan3A_180, %mul3A_465 : i32
      %get3A_467 = arith.constant 15 : i32
      %get3A_468 = arith.index_cast %get3A_467 : i32 to index
      %get3A_469 = arith.index_cast %mul3A_466 : i32 to index
      %get3A_470 = tpu.vector_load %arg8[%get3A_468, %get3A_469] {strides = array<i32>} : memref<16x1024xf32, #tpu.memory_space<vmem>>, vector<1x16xf32>,
      %get3A_471 = vector.shape_cast %get3A_470 : vector<1x16xf32> to vector<16xf32>
      %get3A_472 = arith.constant 15 : i32
      %get3A_473 = arith.index_cast %get3A_472 : i32 to index
      %get3A_474 = arith.index_cast %mul3A_466 : i32 to index
      %get3A_475 = tpu.vector_load %arg10[%get3A_473, %get3A_474] {strides = array<i32>} : memref<16x1024xf32, #tpu.memory_space<vmem>>, vector<1x16xf32>,
      %get3A_476 = vector.shape_cast %get3A_475 : vector<1x16xf32> to vector<16xf32>
      %add3A_477 = arith.addf %get3A_471, %get3A_476 : vector<16xf32>
      %swap3A_478 = arith.constant 15 : i32
      %swap3A_479 = arith.index_cast %swap3A_478 : i32 to index
      %swap3A_480 = arith.index_cast %mul3A_466 : i32 to index
      %swap3A_481 = tpu.vector_load %arg8[%swap3A_479, %swap3A_480] {strides = array<i32>} : memref<16x1024xf32, #tpu.memory_space<vmem>>, vector<1x16xf32>,
      %swap3A_482 = vector.shape_cast %swap3A_481 : vector<1x16xf32> to vector<16xf32>
      %swap3A_483 = vector.shape_cast %add3A_477 : vector<16xf32> to vector<1x16xf32>
      tpu.vector_store %arg8[%swap3A_479, %swap3A_480], %swap3A_483 {strides = array<i32>} : memref<16x1024xf32, #tpu.memory_space<vmem>>, vector<1x16xf32>,
      %scan3A_484 = arith.constant 0 : i32
      scf.yield %scan3A_484 : i32
    }
    %scan3A_48 = arith.constant 64 : i32
    %add3A_49 = arith.constant 0 : i32
    %add3A_50 = arith.addi %mul3A_2, %add3A_49 : i32
    %dma_start3A_51 = arith.constant 0 : i32
    %dma_start3A_52 = tpu.memref_slice %arg5[%add3A_50, %dma_start3A_51] : memref<2048x1024xf32, #tpu.memory_space<hbm>> -> memref<16x1024xf32, #tpu.memory_space<hbm>>
    %dma_start3A_53 = arith.constant 0 : i32
    %dma_start3A_54 = tpu.memref_slice %arg5[%add3A_50, %dma_start3A_53] : memref<2048x1024xf32, #tpu.memory_space<hbm>> -> memref<16x1024xf32, #tpu.memory_space<hbm>>
    tpu.enqueue_dma source(%arg8 : memref<16x1024xf32, #tpu.memory_space<vmem>>) target(%dma_start3A_54 : memref<16x1024xf32, #tpu.memory_space<hbm>>) target_semaphore(%arg16 : memref<!tpu.dma_semaphore, #tpu.memory_space<semaphore_mem>>)
    %dma_wait3A_55 = arith.constant 1 : i32
    %dma_wait3A_56 = arith.constant 0 : i32
    %dma_wait3A_57 = tpu.memref_slice %arg6[%dma_wait3A_55, %dma_wait3A_56] : memref<4x16xi32, #tpu.memory_space<vmem>> -> memref<1x16xi32, #tpu.memory_space<vmem>>
    %dma_wait3A_58 = tpu.memref_squeeze %dma_wait3A_57 : memref<1x16xi32, #tpu.memory_space<vmem>> -> memref<16xi32, #tpu.memory_space<vmem>>
    %dma_wait3A_59 = arith.constant 0 : i32
    %dma_wait3A_60 = arith.constant 0 : i32
    %dma_wait3A_61 = tpu.memref_slice %arg2[%dma_wait3A_59, %dma_wait3A_60] : memref<6144x1024xf32, #tpu.memory_space<hbm>> -> memref<6144x1024xf32, #tpu.memory_space<hbm>>
    tpu.wait_indirect_dma semaphore(%arg13 : memref<!tpu.dma_semaphore, #tpu.memory_space<semaphore_mem>>) src(%dma_wait3A_61 : memref<6144x1024xf32, #tpu.memory_space<hbm>>) dst(%arg9 : memref<16x1024xf32, #tpu.memory_space<vmem>>)
    %dma_wait3A_62 = arith.constant 1 : i32
    %dma_wait3A_63 = arith.constant 0 : i32
    %dma_wait3A_64 = tpu.memref_slice %arg7[%dma_wait3A_62, %dma_wait3A_63] : memref<4x16xi32, #tpu.memory_space<vmem>> -> memref<1x16xi32, #tpu.memory_space<vmem>>
    %dma_wait3A_65 = tpu.memref_squeeze %dma_wait3A_64 : memref<1x16xi32, #tpu.memory_space<vmem>> -> memref<16xi32, #tpu.memory_space<vmem>>
    %dma_wait3A_66 = arith.constant 0 : i32
    %dma_wait3A_67 = arith.constant 0 : i32
    %dma_wait3A_68 = tpu.memref_slice %arg2[%dma_wait3A_66, %dma_wait3A_67] : memref<6144x1024xf32, #tpu.memory_space<hbm>> -> memref<6144x1024xf32, #tpu.memory_space<hbm>>
    tpu.wait_indirect_dma semaphore(%arg15 : memref<!tpu.dma_semaphore, #tpu.memory_space<semaphore_mem>>) src(%dma_wait3A_68 : memref<6144x1024xf32, #tpu.memory_space<hbm>>) dst(%arg11 : memref<16x1024xf32, #tpu.memory_space<vmem>>)
    %dma_wait3A_69 = arith.constant 0 : i32
    %dma_wait3A_70 = tpu.memref_slice %arg5[%add3A_50, %dma_wait3A_69] : memref<2048x1024xf32, #tpu.memory_space<hbm>> -> memref<16x1024xf32, #tpu.memory_space<hbm>>
    %dma_wait3A_71 = arith.constant 0 : i32
    %dma_wait3A_72 = tpu.memref_slice %arg5[%add3A_50, %dma_wait3A_71] : memref<2048x1024xf32, #tpu.memory_space<hbm>> -> memref<16x1024xf32, #tpu.memory_space<hbm>>
    tpu.wait_dma2 semaphore(%arg16 : memref<!tpu.dma_semaphore, #tpu.memory_space<semaphore_mem>>) src(%arg8 : memref<16x1024xf32, #tpu.memory_space<vmem>>) dst(%dma_wait3A_72 : memref<16x1024xf32, #tpu.memory_space<hbm>>)
    %dma_start3A_73 = arith.constant 2 : i32
    %dma_start3A_74 = arith.constant 0 : i32
    %dma_start3A_75 = tpu.memref_slice %arg6[%dma_start3A_73, %dma_start3A_74] : memref<4x16xi32, #tpu.memory_space<vmem>> -> memref<1x16xi32, #tpu.memory_space<vmem>>
    %dma_start3A_76 = tpu.memref_squeeze %dma_start3A_75 : memref<1x16xi32, #tpu.memory_space<vmem>> -> memref<16xi32, #tpu.memory_space<vmem>>
    %dma_start3A_77 = arith.constant 0 : i32
    %dma_start3A_78 = arith.constant 0 : i32
    %dma_start3A_79 = tpu.memref_slice %arg2[%dma_start3A_77, %dma_start3A_78] : memref<6144x1024xf32, #tpu.memory_space<hbm>> -> memref<6144x1024xf32, #tpu.memory_space<hbm>>
    tpu.enqueue_indirect_dma source(%dma_start3A_79 : memref<6144x1024xf32, #tpu.memory_space<hbm>>) target(%arg8 : memref<16x1024xf32, #tpu.memory_space<vmem>>) offsets(%dma_start3A_76 : memref<16xi32, #tpu.memory_space<vmem>>) semaphore(%arg12 : memref<!tpu.dma_semaphore, #tpu.memory_space<semaphore_mem>>)
    %dma_start3A_80 = arith.constant 2 : i32
    %dma_start3A_81 = arith.constant 0 : i32
    %dma_start3A_82 = tpu.memref_slice %arg7[%dma_start3A_80, %dma_start3A_81] : memref<4x16xi32, #tpu.memory_space<vmem>> -> memref<1x16xi32, #tpu.memory_space<vmem>>
    %dma_start3A_83 = tpu.memref_squeeze %dma_start3A_82 : memref<1x16xi32, #tpu.memory_space<vmem>> -> memref<16xi32, #tpu.memory_space<vmem>>
    %dma_start3A_84 = arith.constant 0 : i32
    %dma_start3A_85 = arith.constant 0 : i32
    %dma_start3A_86 = tpu.memref_slice %arg2[%dma_start3A_84, %dma_start3A_85] : memref<6144x1024xf32, #tpu.memory_space<hbm>> -> memref<6144x1024xf32, #tpu.memory_space<hbm>>
    tpu.enqueue_indirect_dma source(%dma_start3A_86 : memref<6144x1024xf32, #tpu.memory_space<hbm>>) target(%arg10 : memref<16x1024xf32, #tpu.memory_space<vmem>>) offsets(%dma_start3A_83 : memref<16xi32, #tpu.memory_space<vmem>>) semaphore(%arg14 : memref<!tpu.dma_semaphore, #tpu.memory_space<semaphore_mem>>)
    %scan3A_87 = arith.constant 0 : i32
    %scan3A_88 = arith.constant 0 : i32
    %scan3A_89 = arith.constant 64 : i32
    %scan3A_90 = arith.addi %scan3A_88, %scan3A_89 : i32
    %scan3A_91 = arith.constant 1 : i32
    %scan3A_92 = scf.for %scan3A_180 = %scan3A_88 to %scan3A_90 step %scan3A_91 iter_args(%scan3A_181 = %scan3A_87) -> (i32)  : i32 {
      %mul3A_182 = arith.constant 16 : i32
      %mul3A_183 = arith.muli %scan3A_180, %mul3A_182 : i32
      %get3A = arith.constant 0 : i32
      %get3A_184 = arith.index_cast %get3A : i32 to index
      %get3A_185 = arith.index_cast %mul3A_183 : i32 to index
      %get3A_186 = tpu.vector_load %arg9[%get3A_184, %get3A_185] {strides = array<i32>} : memref<16x1024xf32, #tpu.memory_space<vmem>>, vector<1x16xf32>,
      %get3A_187 = vector.shape_cast %get3A_186 : vector<1x16xf32> to vector<16xf32>
      %get3A_188 = arith.constant 0 : i32
      %get3A_189 = arith.index_cast %get3A_188 : i32 to index
      %get3A_190 = arith.index_cast %mul3A_183 : i32 to index
      %get3A_191 = tpu.vector_load %arg11[%get3A_189, %get3A_190] {strides = array<i32>} : memref<16x1024xf32, #tpu.memory_space<vmem>>, vector<1x16xf32>,
      %get3A_192 = vector.shape_cast %get3A_191 : vector<1x16xf32> to vector<16xf32>
      %add3A_193 = arith.addf %get3A_187, %get3A_192 : vector<16xf32>
      %swap3A = arith.constant 0 : i32
      %swap3A_194 = arith.index_cast %swap3A : i32 to index
      %swap3A_195 = arith.index_cast %mul3A_183 : i32 to index
      %swap3A_196 = tpu.vector_load %arg9[%swap3A_194, %swap3A_195] {strides = array<i32>} : memref<16x1024xf32, #tpu.memory_space<vmem>>, vector<1x16xf32>,
      %swap3A_197 = vector.shape_cast %swap3A_196 : vector<1x16xf32> to vector<16xf32>
      %swap3A_198 = vector.shape_cast %add3A_193 : vector<16xf32> to vector<1x16xf32>
      tpu.vector_store %arg9[%swap3A_194, %swap3A_195], %swap3A_198 {strides = array<i32>} : memref<16x1024xf32, #tpu.memory_space<vmem>>, vector<1x16xf32>,
      %mul3A_199 = arith.constant 16 : i32
      %mul3A_200 = arith.muli %scan3A_180, %mul3A_199 : i32
      %get3A_201 = arith.constant 1 : i32
      %get3A_202 = arith.index_cast %get3A_201 : i32 to index
      %get3A_203 = arith.index_cast %mul3A_200 : i32 to index
      %get3A_204 = tpu.vector_load %arg9[%get3A_202, %get3A_203] {strides = array<i32>} : memref<16x1024xf32, #tpu.memory_space<vmem>>, vector<1x16xf32>,
      %get3A_205 = vector.shape_cast %get3A_204 : vector<1x16xf32> to vector<16xf32>
      %get3A_206 = arith.constant 1 : i32
      %get3A_207 = arith.index_cast %get3A_206 : i32 to index
      %get3A_208 = arith.index_cast %mul3A_200 : i32 to index
      %get3A_209 = tpu.vector_load %arg11[%get3A_207, %get3A_208] {strides = array<i32>} : memref<16x1024xf32, #tpu.memory_space<vmem>>, vector<1x16xf32>,
      %get3A_210 = vector.shape_cast %get3A_209 : vector<1x16xf32> to vector<16xf32>
      %add3A_211 = arith.addf %get3A_205, %get3A_210 : vector<16xf32>
      %swap3A_212 = arith.constant 1 : i32
      %swap3A_213 = arith.index_cast %swap3A_212 : i32 to index
      %swap3A_214 = arith.index_cast %mul3A_200 : i32 to index
      %swap3A_215 = tpu.vector_load %arg9[%swap3A_213, %swap3A_214] {strides = array<i32>} : memref<16x1024xf32, #tpu.memory_space<vmem>>, vector<1x16xf32>,
      %swap3A_216 = vector.shape_cast %swap3A_215 : vector<1x16xf32> to vector<16xf32>
      %swap3A_217 = vector.shape_cast %add3A_211 : vector<16xf32> to vector<1x16xf32>
      tpu.vector_store %arg9[%swap3A_213, %swap3A_214], %swap3A_217 {strides = array<i32>} : memref<16x1024xf32, #tpu.memory_space<vmem>>, vector<1x16xf32>,
      %mul3A_218 = arith.constant 16 : i32
      %mul3A_219 = arith.muli %scan3A_180, %mul3A_218 : i32
      %get3A_220 = arith.constant 2 : i32
      %get3A_221 = arith.index_cast %get3A_220 : i32 to index
      %get3A_222 = arith.index_cast %mul3A_219 : i32 to index
      %get3A_223 = tpu.vector_load %arg9[%get3A_221, %get3A_222] {strides = array<i32>} : memref<16x1024xf32, #tpu.memory_space<vmem>>, vector<1x16xf32>,
      %get3A_224 = vector.shape_cast %get3A_223 : vector<1x16xf32> to vector<16xf32>
      %get3A_225 = arith.constant 2 : i32
      %get3A_226 = arith.index_cast %get3A_225 : i32 to index
      %get3A_227 = arith.index_cast %mul3A_219 : i32 to index
      %get3A_228 = tpu.vector_load %arg11[%get3A_226, %get3A_227] {strides = array<i32>} : memref<16x1024xf32, #tpu.memory_space<vmem>>, vector<1x16xf32>,
      %get3A_229 = vector.shape_cast %get3A_228 : vector<1x16xf32> to vector<16xf32>
      %add3A_230 = arith.addf %get3A_224, %get3A_229 : vector<16xf32>
      %swap3A_231 = arith.constant 2 : i32
      %swap3A_232 = arith.index_cast %swap3A_231 : i32 to index
      %swap3A_233 = arith.index_cast %mul3A_219 : i32 to index
      %swap3A_234 = tpu.vector_load %arg9[%swap3A_232, %swap3A_233] {strides = array<i32>} : memref<16x1024xf32, #tpu.memory_space<vmem>>, vector<1x16xf32>,
      %swap3A_235 = vector.shape_cast %swap3A_234 : vector<1x16xf32> to vector<16xf32>
      %swap3A_236 = vector.shape_cast %add3A_230 : vector<16xf32> to vector<1x16xf32>
      tpu.vector_store %arg9[%swap3A_232, %swap3A_233], %swap3A_236 {strides = array<i32>} : memref<16x1024xf32, #tpu.memory_space<vmem>>, vector<1x16xf32>,
      %mul3A_237 = arith.constant 16 : i32
      %mul3A_238 = arith.muli %scan3A_180, %mul3A_237 : i32
      %get3A_239 = arith.constant 3 : i32
      %get3A_240 = arith.index_cast %get3A_239 : i32 to index
      %get3A_241 = arith.index_cast %mul3A_238 : i32 to index
      %get3A_242 = tpu.vector_load %arg9[%get3A_240, %get3A_241] {strides = array<i32>} : memref<16x1024xf32, #tpu.memory_space<vmem>>, vector<1x16xf32>,
      %get3A_243 = vector.shape_cast %get3A_242 : vector<1x16xf32> to vector<16xf32>
      %get3A_244 = arith.constant 3 : i32
      %get3A_245 = arith.index_cast %get3A_244 : i32 to index
      %get3A_246 = arith.index_cast %mul3A_238 : i32 to index
      %get3A_247 = tpu.vector_load %arg11[%get3A_245, %get3A_246] {strides = array<i32>} : memref<16x1024xf32, #tpu.memory_space<vmem>>, vector<1x16xf32>,
      %get3A_248 = vector.shape_cast %get3A_247 : vector<1x16xf32> to vector<16xf32>
      %add3A_249 = arith.addf %get3A_243, %get3A_248 : vector<16xf32>
      %swap3A_250 = arith.constant 3 : i32
      %swap3A_251 = arith.index_cast %swap3A_250 : i32 to index
      %swap3A_252 = arith.index_cast %mul3A_238 : i32 to index
      %swap3A_253 = tpu.vector_load %arg9[%swap3A_251, %swap3A_252] {strides = array<i32>} : memref<16x1024xf32, #tpu.memory_space<vmem>>, vector<1x16xf32>,
      %swap3A_254 = vector.shape_cast %swap3A_253 : vector<1x16xf32> to vector<16xf32>
      %swap3A_255 = vector.shape_cast %add3A_249 : vector<16xf32> to vector<1x16xf32>
      tpu.vector_store %arg9[%swap3A_251, %swap3A_252], %swap3A_255 {strides = array<i32>} : memref<16x1024xf32, #tpu.memory_space<vmem>>, vector<1x16xf32>,
      %mul3A_256 = arith.constant 16 : i32
      %mul3A_257 = arith.muli %scan3A_180, %mul3A_256 : i32
      %get3A_258 = arith.constant 4 : i32
      %get3A_259 = arith.index_cast %get3A_258 : i32 to index
      %get3A_260 = arith.index_cast %mul3A_257 : i32 to index
      %get3A_261 = tpu.vector_load %arg9[%get3A_259, %get3A_260] {strides = array<i32>} : memref<16x1024xf32, #tpu.memory_space<vmem>>, vector<1x16xf32>,
      %get3A_262 = vector.shape_cast %get3A_261 : vector<1x16xf32> to vector<16xf32>
      %get3A_263 = arith.constant 4 : i32
      %get3A_264 = arith.index_cast %get3A_263 : i32 to index
      %get3A_265 = arith.index_cast %mul3A_257 : i32 to index
      %get3A_266 = tpu.vector_load %arg11[%get3A_264, %get3A_265] {strides = array<i32>} : memref<16x1024xf32, #tpu.memory_space<vmem>>, vector<1x16xf32>,
      %get3A_267 = vector.shape_cast %get3A_266 : vector<1x16xf32> to vector<16xf32>
      %add3A_268 = arith.addf %get3A_262, %get3A_267 : vector<16xf32>
      %swap3A_269 = arith.constant 4 : i32
      %swap3A_270 = arith.index_cast %swap3A_269 : i32 to index
      %swap3A_271 = arith.index_cast %mul3A_257 : i32 to index
      %swap3A_272 = tpu.vector_load %arg9[%swap3A_270, %swap3A_271] {strides = array<i32>} : memref<16x1024xf32, #tpu.memory_space<vmem>>, vector<1x16xf32>,
      %swap3A_273 = vector.shape_cast %swap3A_272 : vector<1x16xf32> to vector<16xf32>
      %swap3A_274 = vector.shape_cast %add3A_268 : vector<16xf32> to vector<1x16xf32>
      tpu.vector_store %arg9[%swap3A_270, %swap3A_271], %swap3A_274 {strides = array<i32>} : memref<16x1024xf32, #tpu.memory_space<vmem>>, vector<1x16xf32>,
      %mul3A_275 = arith.constant 16 : i32
      %mul3A_276 = arith.muli %scan3A_180, %mul3A_275 : i32
      %get3A_277 = arith.constant 5 : i32
      %get3A_278 = arith.index_cast %get3A_277 : i32 to index
      %get3A_279 = arith.index_cast %mul3A_276 : i32 to index
      %get3A_280 = tpu.vector_load %arg9[%get3A_278, %get3A_279] {strides = array<i32>} : memref<16x1024xf32, #tpu.memory_space<vmem>>, vector<1x16xf32>,
      %get3A_281 = vector.shape_cast %get3A_280 : vector<1x16xf32> to vector<16xf32>
      %get3A_282 = arith.constant 5 : i32
      %get3A_283 = arith.index_cast %get3A_282 : i32 to index
      %get3A_284 = arith.index_cast %mul3A_276 : i32 to index
      %get3A_285 = tpu.vector_load %arg11[%get3A_283, %get3A_284] {strides = array<i32>} : memref<16x1024xf32, #tpu.memory_space<vmem>>, vector<1x16xf32>,
      %get3A_286 = vector.shape_cast %get3A_285 : vector<1x16xf32> to vector<16xf32>
      %add3A_287 = arith.addf %get3A_281, %get3A_286 : vector<16xf32>
      %swap3A_288 = arith.constant 5 : i32
      %swap3A_289 = arith.index_cast %swap3A_288 : i32 to index
      %swap3A_290 = arith.index_cast %mul3A_276 : i32 to index
      %swap3A_291 = tpu.vector_load %arg9[%swap3A_289, %swap3A_290] {strides = array<i32>} : memref<16x1024xf32, #tpu.memory_space<vmem>>, vector<1x16xf32>,
      %swap3A_292 = vector.shape_cast %swap3A_291 : vector<1x16xf32> to vector<16xf32>
      %swap3A_293 = vector.shape_cast %add3A_287 : vector<16xf32> to vector<1x16xf32>
      tpu.vector_store %arg9[%swap3A_289, %swap3A_290], %swap3A_293 {strides = array<i32>} : memref<16x1024xf32, #tpu.memory_space<vmem>>, vector<1x16xf32>,
      %mul3A_294 = arith.constant 16 : i32
      %mul3A_295 = arith.muli %scan3A_180, %mul3A_294 : i32
      %get3A_296 = arith.constant 6 : i32
      %get3A_297 = arith.index_cast %get3A_296 : i32 to index
      %get3A_298 = arith.index_cast %mul3A_295 : i32 to index
      %get3A_299 = tpu.vector_load %arg9[%get3A_297, %get3A_298] {strides = array<i32>} : memref<16x1024xf32, #tpu.memory_space<vmem>>, vector<1x16xf32>,
      %get3A_300 = vector.shape_cast %get3A_299 : vector<1x16xf32> to vector<16xf32>
      %get3A_301 = arith.constant 6 : i32
      %get3A_302 = arith.index_cast %get3A_301 : i32 to index
      %get3A_303 = arith.index_cast %mul3A_295 : i32 to index
      %get3A_304 = tpu.vector_load %arg11[%get3A_302, %get3A_303] {strides = array<i32>} : memref<16x1024xf32, #tpu.memory_space<vmem>>, vector<1x16xf32>,
      %get3A_305 = vector.shape_cast %get3A_304 : vector<1x16xf32> to vector<16xf32>
      %add3A_306 = arith.addf %get3A_300, %get3A_305 : vector<16xf32>
      %swap3A_307 = arith.constant 6 : i32
      %swap3A_308 = arith.index_cast %swap3A_307 : i32 to index
      %swap3A_309 = arith.index_cast %mul3A_295 : i32 to index
      %swap3A_310 = tpu.vector_load %arg9[%swap3A_308, %swap3A_309] {strides = array<i32>} : memref<16x1024xf32, #tpu.memory_space<vmem>>, vector<1x16xf32>,
      %swap3A_311 = vector.shape_cast %swap3A_310 : vector<1x16xf32> to vector<16xf32>
      %swap3A_312 = vector.shape_cast %add3A_306 : vector<16xf32> to vector<1x16xf32>
      tpu.vector_store %arg9[%swap3A_308, %swap3A_309], %swap3A_312 {strides = array<i32>} : memref<16x1024xf32, #tpu.memory_space<vmem>>, vector<1x16xf32>,
      %mul3A_313 = arith.constant 16 : i32
      %mul3A_314 = arith.muli %scan3A_180, %mul3A_313 : i32
      %get3A_315 = arith.constant 7 : i32
      %get3A_316 = arith.index_cast %get3A_315 : i32 to index
      %get3A_317 = arith.index_cast %mul3A_314 : i32 to index
      %get3A_318 = tpu.vector_load %arg9[%get3A_316, %get3A_317] {strides = array<i32>} : memref<16x1024xf32, #tpu.memory_space<vmem>>, vector<1x16xf32>,
      %get3A_319 = vector.shape_cast %get3A_318 : vector<1x16xf32> to vector<16xf32>
      %get3A_320 = arith.constant 7 : i32
      %get3A_321 = arith.index_cast %get3A_320 : i32 to index
      %get3A_322 = arith.index_cast %mul3A_314 : i32 to index
      %get3A_323 = tpu.vector_load %arg11[%get3A_321, %get3A_322] {strides = array<i32>} : memref<16x1024xf32, #tpu.memory_space<vmem>>, vector<1x16xf32>,
      %get3A_324 = vector.shape_cast %get3A_323 : vector<1x16xf32> to vector<16xf32>
      %add3A_325 = arith.addf %get3A_319, %get3A_324 : vector<16xf32>
      %swap3A_326 = arith.constant 7 : i32
      %swap3A_327 = arith.index_cast %swap3A_326 : i32 to index
      %swap3A_328 = arith.index_cast %mul3A_314 : i32 to index
      %swap3A_329 = tpu.vector_load %arg9[%swap3A_327, %swap3A_328] {strides = array<i32>} : memref<16x1024xf32, #tpu.memory_space<vmem>>, vector<1x16xf32>,
      %swap3A_330 = vector.shape_cast %swap3A_329 : vector<1x16xf32> to vector<16xf32>
      %swap3A_331 = vector.shape_cast %add3A_325 : vector<16xf32> to vector<1x16xf32>
      tpu.vector_store %arg9[%swap3A_327, %swap3A_328], %swap3A_331 {strides = array<i32>} : memref<16x1024xf32, #tpu.memory_space<vmem>>, vector<1x16xf32>,
      %mul3A_332 = arith.constant 16 : i32
      %mul3A_333 = arith.muli %scan3A_180, %mul3A_332 : i32
      %get3A_334 = arith.constant 8 : i32
      %get3A_335 = arith.index_cast %get3A_334 : i32 to index
      %get3A_336 = arith.index_cast %mul3A_333 : i32 to index
      %get3A_337 = tpu.vector_load %arg9[%get3A_335, %get3A_336] {strides = array<i32>} : memref<16x1024xf32, #tpu.memory_space<vmem>>, vector<1x16xf32>,
      %get3A_338 = vector.shape_cast %get3A_337 : vector<1x16xf32> to vector<16xf32>
      %get3A_339 = arith.constant 8 : i32
      %get3A_340 = arith.index_cast %get3A_339 : i32 to index
      %get3A_341 = arith.index_cast %mul3A_333 : i32 to index
      %get3A_342 = tpu.vector_load %arg11[%get3A_340, %get3A_341] {strides = array<i32>} : memref<16x1024xf32, #tpu.memory_space<vmem>>, vector<1x16xf32>,
      %get3A_343 = vector.shape_cast %get3A_342 : vector<1x16xf32> to vector<16xf32>
      %add3A_344 = arith.addf %get3A_338, %get3A_343 : vector<16xf32>
      %swap3A_345 = arith.constant 8 : i32
      %swap3A_346 = arith.index_cast %swap3A_345 : i32 to index
      %swap3A_347 = arith.index_cast %mul3A_333 : i32 to index
      %swap3A_348 = tpu.vector_load %arg9[%swap3A_346, %swap3A_347] {strides = array<i32>} : memref<16x1024xf32, #tpu.memory_space<vmem>>, vector<1x16xf32>,
      %swap3A_349 = vector.shape_cast %swap3A_348 : vector<1x16xf32> to vector<16xf32>
      %swap3A_350 = vector.shape_cast %add3A_344 : vector<16xf32> to vector<1x16xf32>
      tpu.vector_store %arg9[%swap3A_346, %swap3A_347], %swap3A_350 {strides = array<i32>} : memref<16x1024xf32, #tpu.memory_space<vmem>>, vector<1x16xf32>,
      %mul3A_351 = arith.constant 16 : i32
      %mul3A_352 = arith.muli %scan3A_180, %mul3A_351 : i32
      %get3A_353 = arith.constant 9 : i32
      %get3A_354 = arith.index_cast %get3A_353 : i32 to index
      %get3A_355 = arith.index_cast %mul3A_352 : i32 to index
      %get3A_356 = tpu.vector_load %arg9[%get3A_354, %get3A_355] {strides = array<i32>} : memref<16x1024xf32, #tpu.memory_space<vmem>>, vector<1x16xf32>,
      %get3A_357 = vector.shape_cast %get3A_356 : vector<1x16xf32> to vector<16xf32>
      %get3A_358 = arith.constant 9 : i32
      %get3A_359 = arith.index_cast %get3A_358 : i32 to index
      %get3A_360 = arith.index_cast %mul3A_352 : i32 to index
      %get3A_361 = tpu.vector_load %arg11[%get3A_359, %get3A_360] {strides = array<i32>} : memref<16x1024xf32, #tpu.memory_space<vmem>>, vector<1x16xf32>,
      %get3A_362 = vector.shape_cast %get3A_361 : vector<1x16xf32> to vector<16xf32>
      %add3A_363 = arith.addf %get3A_357, %get3A_362 : vector<16xf32>
      %swap3A_364 = arith.constant 9 : i32
      %swap3A_365 = arith.index_cast %swap3A_364 : i32 to index
      %swap3A_366 = arith.index_cast %mul3A_352 : i32 to index
      %swap3A_367 = tpu.vector_load %arg9[%swap3A_365, %swap3A_366] {strides = array<i32>} : memref<16x1024xf32, #tpu.memory_space<vmem>>, vector<1x16xf32>,
      %swap3A_368 = vector.shape_cast %swap3A_367 : vector<1x16xf32> to vector<16xf32>
      %swap3A_369 = vector.shape_cast %add3A_363 : vector<16xf32> to vector<1x16xf32>
      tpu.vector_store %arg9[%swap3A_365, %swap3A_366], %swap3A_369 {strides = array<i32>} : memref<16x1024xf32, #tpu.memory_space<vmem>>, vector<1x16xf32>,
      %mul3A_370 = arith.constant 16 : i32
      %mul3A_371 = arith.muli %scan3A_180, %mul3A_370 : i32
      %get3A_372 = arith.constant 10 : i32
      %get3A_373 = arith.index_cast %get3A_372 : i32 to index
      %get3A_374 = arith.index_cast %mul3A_371 : i32 to index
      %get3A_375 = tpu.vector_load %arg9[%get3A_373, %get3A_374] {strides = array<i32>} : memref<16x1024xf32, #tpu.memory_space<vmem>>, vector<1x16xf32>,
      %get3A_376 = vector.shape_cast %get3A_375 : vector<1x16xf32> to vector<16xf32>
      %get3A_377 = arith.constant 10 : i32
      %get3A_378 = arith.index_cast %get3A_377 : i32 to index
      %get3A_379 = arith.index_cast %mul3A_371 : i32 to index
      %get3A_380 = tpu.vector_load %arg11[%get3A_378, %get3A_379] {strides = array<i32>} : memref<16x1024xf32, #tpu.memory_space<vmem>>, vector<1x16xf32>,
      %get3A_381 = vector.shape_cast %get3A_380 : vector<1x16xf32> to vector<16xf32>
      %add3A_382 = arith.addf %get3A_376, %get3A_381 : vector<16xf32>
      %swap3A_383 = arith.constant 10 : i32
      %swap3A_384 = arith.index_cast %swap3A_383 : i32 to index
      %swap3A_385 = arith.index_cast %mul3A_371 : i32 to index
      %swap3A_386 = tpu.vector_load %arg9[%swap3A_384, %swap3A_385] {strides = array<i32>} : memref<16x1024xf32, #tpu.memory_space<vmem>>, vector<1x16xf32>,
      %swap3A_387 = vector.shape_cast %swap3A_386 : vector<1x16xf32> to vector<16xf32>
      %swap3A_388 = vector.shape_cast %add3A_382 : vector<16xf32> to vector<1x16xf32>
      tpu.vector_store %arg9[%swap3A_384, %swap3A_385], %swap3A_388 {strides = array<i32>} : memref<16x1024xf32, #tpu.memory_space<vmem>>, vector<1x16xf32>,
      %mul3A_389 = arith.constant 16 : i32
      %mul3A_390 = arith.muli %scan3A_180, %mul3A_389 : i32
      %get3A_391 = arith.constant 11 : i32
      %get3A_392 = arith.index_cast %get3A_391 : i32 to index
      %get3A_393 = arith.index_cast %mul3A_390 : i32 to index
      %get3A_394 = tpu.vector_load %arg9[%get3A_392, %get3A_393] {strides = array<i32>} : memref<16x1024xf32, #tpu.memory_space<vmem>>, vector<1x16xf32>,
      %get3A_395 = vector.shape_cast %get3A_394 : vector<1x16xf32> to vector<16xf32>
      %get3A_396 = arith.constant 11 : i32
      %get3A_397 = arith.index_cast %get3A_396 : i32 to index
      %get3A_398 = arith.index_cast %mul3A_390 : i32 to index
      %get3A_399 = tpu.vector_load %arg11[%get3A_397, %get3A_398] {strides = array<i32>} : memref<16x1024xf32, #tpu.memory_space<vmem>>, vector<1x16xf32>,
      %get3A_400 = vector.shape_cast %get3A_399 : vector<1x16xf32> to vector<16xf32>
      %add3A_401 = arith.addf %get3A_395, %get3A_400 : vector<16xf32>
      %swap3A_402 = arith.constant 11 : i32
      %swap3A_403 = arith.index_cast %swap3A_402 : i32 to index
      %swap3A_404 = arith.index_cast %mul3A_390 : i32 to index
      %swap3A_405 = tpu.vector_load %arg9[%swap3A_403, %swap3A_404] {strides = array<i32>} : memref<16x1024xf32, #tpu.memory_space<vmem>>, vector<1x16xf32>,
      %swap3A_406 = vector.shape_cast %swap3A_405 : vector<1x16xf32> to vector<16xf32>
      %swap3A_407 = vector.shape_cast %add3A_401 : vector<16xf32> to vector<1x16xf32>
      tpu.vector_store %arg9[%swap3A_403, %swap3A_404], %swap3A_407 {strides = array<i32>} : memref<16x1024xf32, #tpu.memory_space<vmem>>, vector<1x16xf32>,
      %mul3A_408 = arith.constant 16 : i32
      %mul3A_409 = arith.muli %scan3A_180, %mul3A_408 : i32
      %get3A_410 = arith.constant 12 : i32
      %get3A_411 = arith.index_cast %get3A_410 : i32 to index
      %get3A_412 = arith.index_cast %mul3A_409 : i32 to index
      %get3A_413 = tpu.vector_load %arg9[%get3A_411, %get3A_412] {strides = array<i32>} : memref<16x1024xf32, #tpu.memory_space<vmem>>, vector<1x16xf32>,
      %get3A_414 = vector.shape_cast %get3A_413 : vector<1x16xf32> to vector<16xf32>
      %get3A_415 = arith.constant 12 : i32
      %get3A_416 = arith.index_cast %get3A_415 : i32 to index
      %get3A_417 = arith.index_cast %mul3A_409 : i32 to index
      %get3A_418 = tpu.vector_load %arg11[%get3A_416, %get3A_417] {strides = array<i32>} : memref<16x1024xf32, #tpu.memory_space<vmem>>, vector<1x16xf32>,
      %get3A_419 = vector.shape_cast %get3A_418 : vector<1x16xf32> to vector<16xf32>
      %add3A_420 = arith.addf %get3A_414, %get3A_419 : vector<16xf32>
      %swap3A_421 = arith.constant 12 : i32
      %swap3A_422 = arith.index_cast %swap3A_421 : i32 to index
      %swap3A_423 = arith.index_cast %mul3A_409 : i32 to index
      %swap3A_424 = tpu.vector_load %arg9[%swap3A_422, %swap3A_423] {strides = array<i32>} : memref<16x1024xf32, #tpu.memory_space<vmem>>, vector<1x16xf32>,
      %swap3A_425 = vector.shape_cast %swap3A_424 : vector<1x16xf32> to vector<16xf32>
      %swap3A_426 = vector.shape_cast %add3A_420 : vector<16xf32> to vector<1x16xf32>
      tpu.vector_store %arg9[%swap3A_422, %swap3A_423], %swap3A_426 {strides = array<i32>} : memref<16x1024xf32, #tpu.memory_space<vmem>>, vector<1x16xf32>,
      %mul3A_427 = arith.constant 16 : i32
      %mul3A_428 = arith.muli %scan3A_180, %mul3A_427 : i32
      %get3A_429 = arith.constant 13 : i32
      %get3A_430 = arith.index_cast %get3A_429 : i32 to index
      %get3A_431 = arith.index_cast %mul3A_428 : i32 to index
      %get3A_432 = tpu.vector_load %arg9[%get3A_430, %get3A_431] {strides = array<i32>} : memref<16x1024xf32, #tpu.memory_space<vmem>>, vector<1x16xf32>,
      %get3A_433 = vector.shape_cast %get3A_432 : vector<1x16xf32> to vector<16xf32>
      %get3A_434 = arith.constant 13 : i32
      %get3A_435 = arith.index_cast %get3A_434 : i32 to index
      %get3A_436 = arith.index_cast %mul3A_428 : i32 to index
      %get3A_437 = tpu.vector_load %arg11[%get3A_435, %get3A_436] {strides = array<i32>} : memref<16x1024xf32, #tpu.memory_space<vmem>>, vector<1x16xf32>,
      %get3A_438 = vector.shape_cast %get3A_437 : vector<1x16xf32> to vector<16xf32>
      %add3A_439 = arith.addf %get3A_433, %get3A_438 : vector<16xf32>
      %swap3A_440 = arith.constant 13 : i32
      %swap3A_441 = arith.index_cast %swap3A_440 : i32 to index
      %swap3A_442 = arith.index_cast %mul3A_428 : i32 to index
      %swap3A_443 = tpu.vector_load %arg9[%swap3A_441, %swap3A_442] {strides = array<i32>} : memref<16x1024xf32, #tpu.memory_space<vmem>>, vector<1x16xf32>,
      %swap3A_444 = vector.shape_cast %swap3A_443 : vector<1x16xf32> to vector<16xf32>
      %swap3A_445 = vector.shape_cast %add3A_439 : vector<16xf32> to vector<1x16xf32>
      tpu.vector_store %arg9[%swap3A_441, %swap3A_442], %swap3A_445 {strides = array<i32>} : memref<16x1024xf32, #tpu.memory_space<vmem>>, vector<1x16xf32>,
      %mul3A_446 = arith.constant 16 : i32
      %mul3A_447 = arith.muli %scan3A_180, %mul3A_446 : i32
      %get3A_448 = arith.constant 14 : i32
      %get3A_449 = arith.index_cast %get3A_448 : i32 to index
      %get3A_450 = arith.index_cast %mul3A_447 : i32 to index
      %get3A_451 = tpu.vector_load %arg9[%get3A_449, %get3A_450] {strides = array<i32>} : memref<16x1024xf32, #tpu.memory_space<vmem>>, vector<1x16xf32>,
      %get3A_452 = vector.shape_cast %get3A_451 : vector<1x16xf32> to vector<16xf32>
      %get3A_453 = arith.constant 14 : i32
      %get3A_454 = arith.index_cast %get3A_453 : i32 to index
      %get3A_455 = arith.index_cast %mul3A_447 : i32 to index
      %get3A_456 = tpu.vector_load %arg11[%get3A_454, %get3A_455] {strides = array<i32>} : memref<16x1024xf32, #tpu.memory_space<vmem>>, vector<1x16xf32>,
      %get3A_457 = vector.shape_cast %get3A_456 : vector<1x16xf32> to vector<16xf32>
      %add3A_458 = arith.addf %get3A_452, %get3A_457 : vector<16xf32>
      %swap3A_459 = arith.constant 14 : i32
      %swap3A_460 = arith.index_cast %swap3A_459 : i32 to index
      %swap3A_461 = arith.index_cast %mul3A_447 : i32 to index
      %swap3A_462 = tpu.vector_load %arg9[%swap3A_460, %swap3A_461] {strides = array<i32>} : memref<16x1024xf32, #tpu.memory_space<vmem>>, vector<1x16xf32>,
      %swap3A_463 = vector.shape_cast %swap3A_462 : vector<1x16xf32> to vector<16xf32>
      %swap3A_464 = vector.shape_cast %add3A_458 : vector<16xf32> to vector<1x16xf32>
      tpu.vector_store %arg9[%swap3A_460, %swap3A_461], %swap3A_464 {strides = array<i32>} : memref<16x1024xf32, #tpu.memory_space<vmem>>, vector<1x16xf32>,
      %mul3A_465 = arith.constant 16 : i32
      %mul3A_466 = arith.muli %scan3A_180, %mul3A_465 : i32
      %get3A_467 = arith.constant 15 : i32
      %get3A_468 = arith.index_cast %get3A_467 : i32 to index
      %get3A_469 = arith.index_cast %mul3A_466 : i32 to index
      %get3A_470 = tpu.vector_load %arg9[%get3A_468, %get3A_469] {strides = array<i32>} : memref<16x1024xf32, #tpu.memory_space<vmem>>, vector<1x16xf32>,
      %get3A_471 = vector.shape_cast %get3A_470 : vector<1x16xf32> to vector<16xf32>
      %get3A_472 = arith.constant 15 : i32
      %get3A_473 = arith.index_cast %get3A_472 : i32 to index
      %get3A_474 = arith.index_cast %mul3A_466 : i32 to index
      %get3A_475 = tpu.vector_load %arg11[%get3A_473, %get3A_474] {strides = array<i32>} : memref<16x1024xf32, #tpu.memory_space<vmem>>, vector<1x16xf32>,
      %get3A_476 = vector.shape_cast %get3A_475 : vector<1x16xf32> to vector<16xf32>
      %add3A_477 = arith.addf %get3A_471, %get3A_476 : vector<16xf32>
      %swap3A_478 = arith.constant 15 : i32
      %swap3A_479 = arith.index_cast %swap3A_478 : i32 to index
      %swap3A_480 = arith.index_cast %mul3A_466 : i32 to index
      %swap3A_481 = tpu.vector_load %arg9[%swap3A_479, %swap3A_480] {strides = array<i32>} : memref<16x1024xf32, #tpu.memory_space<vmem>>, vector<1x16xf32>,
      %swap3A_482 = vector.shape_cast %swap3A_481 : vector<1x16xf32> to vector<16xf32>
      %swap3A_483 = vector.shape_cast %add3A_477 : vector<16xf32> to vector<1x16xf32>
      tpu.vector_store %arg9[%swap3A_479, %swap3A_480], %swap3A_483 {strides = array<i32>} : memref<16x1024xf32, #tpu.memory_space<vmem>>, vector<1x16xf32>,
      %scan3A_484 = arith.constant 0 : i32
      scf.yield %scan3A_484 : i32
    }
    %scan3A_93 = arith.constant 64 : i32
    %add3A_94 = arith.constant 16 : i32
    %add3A_95 = arith.addi %mul3A_2, %add3A_94 : i32
    %dma_start3A_96 = arith.constant 0 : i32
    %dma_start3A_97 = tpu.memref_slice %arg5[%add3A_95, %dma_start3A_96] : memref<2048x1024xf32, #tpu.memory_space<hbm>> -> memref<16x1024xf32, #tpu.memory_space<hbm>>
    %dma_start3A_98 = arith.constant 0 : i32
    %dma_start3A_99 = tpu.memref_slice %arg5[%add3A_95, %dma_start3A_98] : memref<2048x1024xf32, #tpu.memory_space<hbm>> -> memref<16x1024xf32, #tpu.memory_space<hbm>>
    tpu.enqueue_dma source(%arg9 : memref<16x1024xf32, #tpu.memory_space<vmem>>) target(%dma_start3A_99 : memref<16x1024xf32, #tpu.memory_space<hbm>>) target_semaphore(%arg17 : memref<!tpu.dma_semaphore, #tpu.memory_space<semaphore_mem>>)
    %dma_wait3A_100 = arith.constant 2 : i32
    %dma_wait3A_101 = arith.constant 0 : i32
    %dma_wait3A_102 = tpu.memref_slice %arg6[%dma_wait3A_100, %dma_wait3A_101] : memref<4x16xi32, #tpu.memory_space<vmem>> -> memref<1x16xi32, #tpu.memory_space<vmem>>
    %dma_wait3A_103 = tpu.memref_squeeze %dma_wait3A_102 : memref<1x16xi32, #tpu.memory_space<vmem>> -> memref<16xi32, #tpu.memory_space<vmem>>
    %dma_wait3A_104 = arith.constant 0 : i32
    %dma_wait3A_105 = arith.constant 0 : i32
    %dma_wait3A_106 = tpu.memref_slice %arg2[%dma_wait3A_104, %dma_wait3A_105] : memref<6144x1024xf32, #tpu.memory_space<hbm>> -> memref<6144x1024xf32, #tpu.memory_space<hbm>>
    tpu.wait_indirect_dma semaphore(%arg12 : memref<!tpu.dma_semaphore, #tpu.memory_space<semaphore_mem>>) src(%dma_wait3A_106 : memref<6144x1024xf32, #tpu.memory_space<hbm>>) dst(%arg8 : memref<16x1024xf32, #tpu.memory_space<vmem>>)
    %dma_wait3A_107 = arith.constant 2 : i32
    %dma_wait3A_108 = arith.constant 0 : i32
    %dma_wait3A_109 = tpu.memref_slice %arg7[%dma_wait3A_107, %dma_wait3A_108] : memref<4x16xi32, #tpu.memory_space<vmem>> -> memref<1x16xi32, #tpu.memory_space<vmem>>
    %dma_wait3A_110 = tpu.memref_squeeze %dma_wait3A_109 : memref<1x16xi32, #tpu.memory_space<vmem>> -> memref<16xi32, #tpu.memory_space<vmem>>
    %dma_wait3A_111 = arith.constant 0 : i32
    %dma_wait3A_112 = arith.constant 0 : i32
    %dma_wait3A_113 = tpu.memref_slice %arg2[%dma_wait3A_111, %dma_wait3A_112] : memref<6144x1024xf32, #tpu.memory_space<hbm>> -> memref<6144x1024xf32, #tpu.memory_space<hbm>>
    tpu.wait_indirect_dma semaphore(%arg14 : memref<!tpu.dma_semaphore, #tpu.memory_space<semaphore_mem>>) src(%dma_wait3A_113 : memref<6144x1024xf32, #tpu.memory_space<hbm>>) dst(%arg10 : memref<16x1024xf32, #tpu.memory_space<vmem>>)
    %dma_wait3A_114 = arith.constant 0 : i32
    %dma_wait3A_115 = tpu.memref_slice %arg5[%add3A_95, %dma_wait3A_114] : memref<2048x1024xf32, #tpu.memory_space<hbm>> -> memref<16x1024xf32, #tpu.memory_space<hbm>>
    %dma_wait3A_116 = arith.constant 0 : i32
    %dma_wait3A_117 = tpu.memref_slice %arg5[%add3A_95, %dma_wait3A_116] : memref<2048x1024xf32, #tpu.memory_space<hbm>> -> memref<16x1024xf32, #tpu.memory_space<hbm>>
    tpu.wait_dma2 semaphore(%arg17 : memref<!tpu.dma_semaphore, #tpu.memory_space<semaphore_mem>>) src(%arg9 : memref<16x1024xf32, #tpu.memory_space<vmem>>) dst(%dma_wait3A_117 : memref<16x1024xf32, #tpu.memory_space<hbm>>)
    %dma_start3A_118 = arith.constant 3 : i32
    %dma_start3A_119 = arith.constant 0 : i32
    %dma_start3A_120 = tpu.memref_slice %arg6[%dma_start3A_118, %dma_start3A_119] : memref<4x16xi32, #tpu.memory_space<vmem>> -> memref<1x16xi32, #tpu.memory_space<vmem>>
    %dma_start3A_121 = tpu.memref_squeeze %dma_start3A_120 : memref<1x16xi32, #tpu.memory_space<vmem>> -> memref<16xi32, #tpu.memory_space<vmem>>
    %dma_start3A_122 = arith.constant 0 : i32
    %dma_start3A_123 = arith.constant 0 : i32
    %dma_start3A_124 = tpu.memref_slice %arg2[%dma_start3A_122, %dma_start3A_123] : memref<6144x1024xf32, #tpu.memory_space<hbm>> -> memref<6144x1024xf32, #tpu.memory_space<hbm>>
    tpu.enqueue_indirect_dma source(%dma_start3A_124 : memref<6144x1024xf32, #tpu.memory_space<hbm>>) target(%arg9 : memref<16x1024xf32, #tpu.memory_space<vmem>>) offsets(%dma_start3A_121 : memref<16xi32, #tpu.memory_space<vmem>>) semaphore(%arg13 : memref<!tpu.dma_semaphore, #tpu.memory_space<semaphore_mem>>)
    %dma_start3A_125 = arith.constant 3 : i32
    %dma_start3A_126 = arith.constant 0 : i32
    %dma_start3A_127 = tpu.memref_slice %arg7[%dma_start3A_125, %dma_start3A_126] : memref<4x16xi32, #tpu.memory_space<vmem>> -> memref<1x16xi32, #tpu.memory_space<vmem>>
    %dma_start3A_128 = tpu.memref_squeeze %dma_start3A_127 : memref<1x16xi32, #tpu.memory_space<vmem>> -> memref<16xi32, #tpu.memory_space<vmem>>
    %dma_start3A_129 = arith.constant 0 : i32
    %dma_start3A_130 = arith.constant 0 : i32
    %dma_start3A_131 = tpu.memref_slice %arg2[%dma_start3A_129, %dma_start3A_130] : memref<6144x1024xf32, #tpu.memory_space<hbm>> -> memref<6144x1024xf32, #tpu.memory_space<hbm>>
    tpu.enqueue_indirect_dma source(%dma_start3A_131 : memref<6144x1024xf32, #tpu.memory_space<hbm>>) target(%arg11 : memref<16x1024xf32, #tpu.memory_space<vmem>>) offsets(%dma_start3A_128 : memref<16xi32, #tpu.memory_space<vmem>>) semaphore(%arg15 : memref<!tpu.dma_semaphore, #tpu.memory_space<semaphore_mem>>)
    %scan3A_132 = arith.constant 0 : i32
    %scan3A_133 = arith.constant 0 : i32
    %scan3A_134 = arith.constant 64 : i32
    %scan3A_135 = arith.addi %scan3A_133, %scan3A_134 : i32
    %scan3A_136 = arith.constant 1 : i32
    %scan3A_137 = scf.for %scan3A_180 = %scan3A_133 to %scan3A_135 step %scan3A_136 iter_args(%scan3A_181 = %scan3A_132) -> (i32)  : i32 {
      %mul3A_182 = arith.constant 16 : i32
      %mul3A_183 = arith.muli %scan3A_180, %mul3A_182 : i32
      %get3A = arith.constant 0 : i32
      %get3A_184 = arith.index_cast %get3A : i32 to index
      %get3A_185 = arith.index_cast %mul3A_183 : i32 to index
      %get3A_186 = tpu.vector_load %arg8[%get3A_184, %get3A_185] {strides = array<i32>} : memref<16x1024xf32, #tpu.memory_space<vmem>>, vector<1x16xf32>,
      %get3A_187 = vector.shape_cast %get3A_186 : vector<1x16xf32> to vector<16xf32>
      %get3A_188 = arith.constant 0 : i32
      %get3A_189 = arith.index_cast %get3A_188 : i32 to index
      %get3A_190 = arith.index_cast %mul3A_183 : i32 to index
      %get3A_191 = tpu.vector_load %arg10[%get3A_189, %get3A_190] {strides = array<i32>} : memref<16x1024xf32, #tpu.memory_space<vmem>>, vector<1x16xf32>,
      %get3A_192 = vector.shape_cast %get3A_191 : vector<1x16xf32> to vector<16xf32>
      %add3A_193 = arith.addf %get3A_187, %get3A_192 : vector<16xf32>
      %swap3A = arith.constant 0 : i32
      %swap3A_194 = arith.index_cast %swap3A : i32 to index
      %swap3A_195 = arith.index_cast %mul3A_183 : i32 to index
      %swap3A_196 = tpu.vector_load %arg8[%swap3A_194, %swap3A_195] {strides = array<i32>} : memref<16x1024xf32, #tpu.memory_space<vmem>>, vector<1x16xf32>,
      %swap3A_197 = vector.shape_cast %swap3A_196 : vector<1x16xf32> to vector<16xf32>
      %swap3A_198 = vector.shape_cast %add3A_193 : vector<16xf32> to vector<1x16xf32>
      tpu.vector_store %arg8[%swap3A_194, %swap3A_195], %swap3A_198 {strides = array<i32>} : memref<16x1024xf32, #tpu.memory_space<vmem>>, vector<1x16xf32>,
      %mul3A_199 = arith.constant 16 : i32
      %mul3A_200 = arith.muli %scan3A_180, %mul3A_199 : i32
      %get3A_201 = arith.constant 1 : i32
      %get3A_202 = arith.index_cast %get3A_201 : i32 to index
      %get3A_203 = arith.index_cast %mul3A_200 : i32 to index
      %get3A_204 = tpu.vector_load %arg8[%get3A_202, %get3A_203] {strides = array<i32>} : memref<16x1024xf32, #tpu.memory_space<vmem>>, vector<1x16xf32>,
      %get3A_205 = vector.shape_cast %get3A_204 : vector<1x16xf32> to vector<16xf32>
      %get3A_206 = arith.constant 1 : i32
      %get3A_207 = arith.index_cast %get3A_206 : i32 to index
      %get3A_208 = arith.index_cast %mul3A_200 : i32 to index
      %get3A_209 = tpu.vector_load %arg10[%get3A_207, %get3A_208] {strides = array<i32>} : memref<16x1024xf32, #tpu.memory_space<vmem>>, vector<1x16xf32>,
      %get3A_210 = vector.shape_cast %get3A_209 : vector<1x16xf32> to vector<16xf32>
      %add3A_211 = arith.addf %get3A_205, %get3A_210 : vector<16xf32>
      %swap3A_212 = arith.constant 1 : i32
      %swap3A_213 = arith.index_cast %swap3A_212 : i32 to index
      %swap3A_214 = arith.index_cast %mul3A_200 : i32 to index
      %swap3A_215 = tpu.vector_load %arg8[%swap3A_213, %swap3A_214] {strides = array<i32>} : memref<16x1024xf32, #tpu.memory_space<vmem>>, vector<1x16xf32>,
      %swap3A_216 = vector.shape_cast %swap3A_215 : vector<1x16xf32> to vector<16xf32>
      %swap3A_217 = vector.shape_cast %add3A_211 : vector<16xf32> to vector<1x16xf32>
      tpu.vector_store %arg8[%swap3A_213, %swap3A_214], %swap3A_217 {strides = array<i32>} : memref<16x1024xf32, #tpu.memory_space<vmem>>, vector<1x16xf32>,
      %mul3A_218 = arith.constant 16 : i32
      %mul3A_219 = arith.muli %scan3A_180, %mul3A_218 : i32
      %get3A_220 = arith.constant 2 : i32
      %get3A_221 = arith.index_cast %get3A_220 : i32 to index
      %get3A_222 = arith.index_cast %mul3A_219 : i32 to index
      %get3A_223 = tpu.vector_load %arg8[%get3A_221, %get3A_222] {strides = array<i32>} : memref<16x1024xf32, #tpu.memory_space<vmem>>, vector<1x16xf32>,
      %get3A_224 = vector.shape_cast %get3A_223 : vector<1x16xf32> to vector<16xf32>
      %get3A_225 = arith.constant 2 : i32
      %get3A_226 = arith.index_cast %get3A_225 : i32 to index
      %get3A_227 = arith.index_cast %mul3A_219 : i32 to index
      %get3A_228 = tpu.vector_load %arg10[%get3A_226, %get3A_227] {strides = array<i32>} : memref<16x1024xf32, #tpu.memory_space<vmem>>, vector<1x16xf32>,
      %get3A_229 = vector.shape_cast %get3A_228 : vector<1x16xf32> to vector<16xf32>
      %add3A_230 = arith.addf %get3A_224, %get3A_229 : vector<16xf32>
      %swap3A_231 = arith.constant 2 : i32
      %swap3A_232 = arith.index_cast %swap3A_231 : i32 to index
      %swap3A_233 = arith.index_cast %mul3A_219 : i32 to index
      %swap3A_234 = tpu.vector_load %arg8[%swap3A_232, %swap3A_233] {strides = array<i32>} : memref<16x1024xf32, #tpu.memory_space<vmem>>, vector<1x16xf32>,
      %swap3A_235 = vector.shape_cast %swap3A_234 : vector<1x16xf32> to vector<16xf32>
      %swap3A_236 = vector.shape_cast %add3A_230 : vector<16xf32> to vector<1x16xf32>
      tpu.vector_store %arg8[%swap3A_232, %swap3A_233], %swap3A_236 {strides = array<i32>} : memref<16x1024xf32, #tpu.memory_space<vmem>>, vector<1x16xf32>,
      %mul3A_237 = arith.constant 16 : i32
      %mul3A_238 = arith.muli %scan3A_180, %mul3A_237 : i32
      %get3A_239 = arith.constant 3 : i32
      %get3A_240 = arith.index_cast %get3A_239 : i32 to index
      %get3A_241 = arith.index_cast %mul3A_238 : i32 to index
      %get3A_242 = tpu.vector_load %arg8[%get3A_240, %get3A_241] {strides = array<i32>} : memref<16x1024xf32, #tpu.memory_space<vmem>>, vector<1x16xf32>,
      %get3A_243 = vector.shape_cast %get3A_242 : vector<1x16xf32> to vector<16xf32>
      %get3A_244 = arith.constant 3 : i32
      %get3A_245 = arith.index_cast %get3A_244 : i32 to index
      %get3A_246 = arith.index_cast %mul3A_238 : i32 to index
      %get3A_247 = tpu.vector_load %arg10[%get3A_245, %get3A_246] {strides = array<i32>} : memref<16x1024xf32, #tpu.memory_space<vmem>>, vector<1x16xf32>,
      %get3A_248 = vector.shape_cast %get3A_247 : vector<1x16xf32> to vector<16xf32>
      %add3A_249 = arith.addf %get3A_243, %get3A_248 : vector<16xf32>
      %swap3A_250 = arith.constant 3 : i32
      %swap3A_251 = arith.index_cast %swap3A_250 : i32 to index
      %swap3A_252 = arith.index_cast %mul3A_238 : i32 to index
      %swap3A_253 = tpu.vector_load %arg8[%swap3A_251, %swap3A_252] {strides = array<i32>} : memref<16x1024xf32, #tpu.memory_space<vmem>>, vector<1x16xf32>,
      %swap3A_254 = vector.shape_cast %swap3A_253 : vector<1x16xf32> to vector<16xf32>
      %swap3A_255 = vector.shape_cast %add3A_249 : vector<16xf32> to vector<1x16xf32>
      tpu.vector_store %arg8[%swap3A_251, %swap3A_252], %swap3A_255 {strides = array<i32>} : memref<16x1024xf32, #tpu.memory_space<vmem>>, vector<1x16xf32>,
      %mul3A_256 = arith.constant 16 : i32
      %mul3A_257 = arith.muli %scan3A_180, %mul3A_256 : i32
      %get3A_258 = arith.constant 4 : i32
      %get3A_259 = arith.index_cast %get3A_258 : i32 to index
      %get3A_260 = arith.index_cast %mul3A_257 : i32 to index
      %get3A_261 = tpu.vector_load %arg8[%get3A_259, %get3A_260] {strides = array<i32>} : memref<16x1024xf32, #tpu.memory_space<vmem>>, vector<1x16xf32>,
      %get3A_262 = vector.shape_cast %get3A_261 : vector<1x16xf32> to vector<16xf32>
      %get3A_263 = arith.constant 4 : i32
      %get3A_264 = arith.index_cast %get3A_263 : i32 to index
      %get3A_265 = arith.index_cast %mul3A_257 : i32 to index
      %get3A_266 = tpu.vector_load %arg10[%get3A_264, %get3A_265] {strides = array<i32>} : memref<16x1024xf32, #tpu.memory_space<vmem>>, vector<1x16xf32>,
      %get3A_267 = vector.shape_cast %get3A_266 : vector<1x16xf32> to vector<16xf32>
      %add3A_268 = arith.addf %get3A_262, %get3A_267 : vector<16xf32>
      %swap3A_269 = arith.constant 4 : i32
      %swap3A_270 = arith.index_cast %swap3A_269 : i32 to index
      %swap3A_271 = arith.index_cast %mul3A_257 : i32 to index
      %swap3A_272 = tpu.vector_load %arg8[%swap3A_270, %swap3A_271] {strides = array<i32>} : memref<16x1024xf32, #tpu.memory_space<vmem>>, vector<1x16xf32>,
      %swap3A_273 = vector.shape_cast %swap3A_272 : vector<1x16xf32> to vector<16xf32>
      %swap3A_274 = vector.shape_cast %add3A_268 : vector<16xf32> to vector<1x16xf32>
      tpu.vector_store %arg8[%swap3A_270, %swap3A_271], %swap3A_274 {strides = array<i32>} : memref<16x1024xf32, #tpu.memory_space<vmem>>, vector<1x16xf32>,
      %mul3A_275 = arith.constant 16 : i32
      %mul3A_276 = arith.muli %scan3A_180, %mul3A_275 : i32
      %get3A_277 = arith.constant 5 : i32
      %get3A_278 = arith.index_cast %get3A_277 : i32 to index
      %get3A_279 = arith.index_cast %mul3A_276 : i32 to index
      %get3A_280 = tpu.vector_load %arg8[%get3A_278, %get3A_279] {strides = array<i32>} : memref<16x1024xf32, #tpu.memory_space<vmem>>, vector<1x16xf32>,
      %get3A_281 = vector.shape_cast %get3A_280 : vector<1x16xf32> to vector<16xf32>
      %get3A_282 = arith.constant 5 : i32
      %get3A_283 = arith.index_cast %get3A_282 : i32 to index
      %get3A_284 = arith.index_cast %mul3A_276 : i32 to index
      %get3A_285 = tpu.vector_load %arg10[%get3A_283, %get3A_284] {strides = array<i32>} : memref<16x1024xf32, #tpu.memory_space<vmem>>, vector<1x16xf32>,
      %get3A_286 = vector.shape_cast %get3A_285 : vector<1x16xf32> to vector<16xf32>
      %add3A_287 = arith.addf %get3A_281, %get3A_286 : vector<16xf32>
      %swap3A_288 = arith.constant 5 : i32
      %swap3A_289 = arith.index_cast %swap3A_288 : i32 to index
      %swap3A_290 = arith.index_cast %mul3A_276 : i32 to index
      %swap3A_291 = tpu.vector_load %arg8[%swap3A_289, %swap3A_290] {strides = array<i32>} : memref<16x1024xf32, #tpu.memory_space<vmem>>, vector<1x16xf32>,
      %swap3A_292 = vector.shape_cast %swap3A_291 : vector<1x16xf32> to vector<16xf32>
      %swap3A_293 = vector.shape_cast %add3A_287 : vector<16xf32> to vector<1x16xf32>
      tpu.vector_store %arg8[%swap3A_289, %swap3A_290], %swap3A_293 {strides = array<i32>} : memref<16x1024xf32, #tpu.memory_space<vmem>>, vector<1x16xf32>,
      %mul3A_294 = arith.constant 16 : i32
      %mul3A_295 = arith.muli %scan3A_180, %mul3A_294 : i32
      %get3A_296 = arith.constant 6 : i32
      %get3A_297 = arith.index_cast %get3A_296 : i32 to index
      %get3A_298 = arith.index_cast %mul3A_295 : i32 to index
      %get3A_299 = tpu.vector_load %arg8[%get3A_297, %get3A_298] {strides = array<i32>} : memref<16x1024xf32, #tpu.memory_space<vmem>>, vector<1x16xf32>,
      %get3A_300 = vector.shape_cast %get3A_299 : vector<1x16xf32> to vector<16xf32>
      %get3A_301 = arith.constant 6 : i32
      %get3A_302 = arith.index_cast %get3A_301 : i32 to index
      %get3A_303 = arith.index_cast %mul3A_295 : i32 to index
      %get3A_304 = tpu.vector_load %arg10[%get3A_302, %get3A_303] {strides = array<i32>} : memref<16x1024xf32, #tpu.memory_space<vmem>>, vector<1x16xf32>,
      %get3A_305 = vector.shape_cast %get3A_304 : vector<1x16xf32> to vector<16xf32>
      %add3A_306 = arith.addf %get3A_300, %get3A_305 : vector<16xf32>
      %swap3A_307 = arith.constant 6 : i32
      %swap3A_308 = arith.index_cast %swap3A_307 : i32 to index
      %swap3A_309 = arith.index_cast %mul3A_295 : i32 to index
      %swap3A_310 = tpu.vector_load %arg8[%swap3A_308, %swap3A_309] {strides = array<i32>} : memref<16x1024xf32, #tpu.memory_space<vmem>>, vector<1x16xf32>,
      %swap3A_311 = vector.shape_cast %swap3A_310 : vector<1x16xf32> to vector<16xf32>
      %swap3A_312 = vector.shape_cast %add3A_306 : vector<16xf32> to vector<1x16xf32>
      tpu.vector_store %arg8[%swap3A_308, %swap3A_309], %swap3A_312 {strides = array<i32>} : memref<16x1024xf32, #tpu.memory_space<vmem>>, vector<1x16xf32>,
      %mul3A_313 = arith.constant 16 : i32
      %mul3A_314 = arith.muli %scan3A_180, %mul3A_313 : i32
      %get3A_315 = arith.constant 7 : i32
      %get3A_316 = arith.index_cast %get3A_315 : i32 to index
      %get3A_317 = arith.index_cast %mul3A_314 : i32 to index
      %get3A_318 = tpu.vector_load %arg8[%get3A_316, %get3A_317] {strides = array<i32>} : memref<16x1024xf32, #tpu.memory_space<vmem>>, vector<1x16xf32>,
      %get3A_319 = vector.shape_cast %get3A_318 : vector<1x16xf32> to vector<16xf32>
      %get3A_320 = arith.constant 7 : i32
      %get3A_321 = arith.index_cast %get3A_320 : i32 to index
      %get3A_322 = arith.index_cast %mul3A_314 : i32 to index
      %get3A_323 = tpu.vector_load %arg10[%get3A_321, %get3A_322] {strides = array<i32>} : memref<16x1024xf32, #tpu.memory_space<vmem>>, vector<1x16xf32>,
      %get3A_324 = vector.shape_cast %get3A_323 : vector<1x16xf32> to vector<16xf32>
      %add3A_325 = arith.addf %get3A_319, %get3A_324 : vector<16xf32>
      %swap3A_326 = arith.constant 7 : i32
      %swap3A_327 = arith.index_cast %swap3A_326 : i32 to index
      %swap3A_328 = arith.index_cast %mul3A_314 : i32 to index
      %swap3A_329 = tpu.vector_load %arg8[%swap3A_327, %swap3A_328] {strides = array<i32>} : memref<16x1024xf32, #tpu.memory_space<vmem>>, vector<1x16xf32>,
      %swap3A_330 = vector.shape_cast %swap3A_329 : vector<1x16xf32> to vector<16xf32>
      %swap3A_331 = vector.shape_cast %add3A_325 : vector<16xf32> to vector<1x16xf32>
      tpu.vector_store %arg8[%swap3A_327, %swap3A_328], %swap3A_331 {strides = array<i32>} : memref<16x1024xf32, #tpu.memory_space<vmem>>, vector<1x16xf32>,
      %mul3A_332 = arith.constant 16 : i32
      %mul3A_333 = arith.muli %scan3A_180, %mul3A_332 : i32
      %get3A_334 = arith.constant 8 : i32
      %get3A_335 = arith.index_cast %get3A_334 : i32 to index
      %get3A_336 = arith.index_cast %mul3A_333 : i32 to index
      %get3A_337 = tpu.vector_load %arg8[%get3A_335, %get3A_336] {strides = array<i32>} : memref<16x1024xf32, #tpu.memory_space<vmem>>, vector<1x16xf32>,
      %get3A_338 = vector.shape_cast %get3A_337 : vector<1x16xf32> to vector<16xf32>
      %get3A_339 = arith.constant 8 : i32
      %get3A_340 = arith.index_cast %get3A_339 : i32 to index
      %get3A_341 = arith.index_cast %mul3A_333 : i32 to index
      %get3A_342 = tpu.vector_load %arg10[%get3A_340, %get3A_341] {strides = array<i32>} : memref<16x1024xf32, #tpu.memory_space<vmem>>, vector<1x16xf32>,
      %get3A_343 = vector.shape_cast %get3A_342 : vector<1x16xf32> to vector<16xf32>
      %add3A_344 = arith.addf %get3A_338, %get3A_343 : vector<16xf32>
      %swap3A_345 = arith.constant 8 : i32
      %swap3A_346 = arith.index_cast %swap3A_345 : i32 to index
      %swap3A_347 = arith.index_cast %mul3A_333 : i32 to index
      %swap3A_348 = tpu.vector_load %arg8[%swap3A_346, %swap3A_347] {strides = array<i32>} : memref<16x1024xf32, #tpu.memory_space<vmem>>, vector<1x16xf32>,
      %swap3A_349 = vector.shape_cast %swap3A_348 : vector<1x16xf32> to vector<16xf32>
      %swap3A_350 = vector.shape_cast %add3A_344 : vector<16xf32> to vector<1x16xf32>
      tpu.vector_store %arg8[%swap3A_346, %swap3A_347], %swap3A_350 {strides = array<i32>} : memref<16x1024xf32, #tpu.memory_space<vmem>>, vector<1x16xf32>,
      %mul3A_351 = arith.constant 16 : i32
      %mul3A_352 = arith.muli %scan3A_180, %mul3A_351 : i32
      %get3A_353 = arith.constant 9 : i32
      %get3A_354 = arith.index_cast %get3A_353 : i32 to index
      %get3A_355 = arith.index_cast %mul3A_352 : i32 to index
      %get3A_356 = tpu.vector_load %arg8[%get3A_354, %get3A_355] {strides = array<i32>} : memref<16x1024xf32, #tpu.memory_space<vmem>>, vector<1x16xf32>,
      %get3A_357 = vector.shape_cast %get3A_356 : vector<1x16xf32> to vector<16xf32>
      %get3A_358 = arith.constant 9 : i32
      %get3A_359 = arith.index_cast %get3A_358 : i32 to index
      %get3A_360 = arith.index_cast %mul3A_352 : i32 to index
      %get3A_361 = tpu.vector_load %arg10[%get3A_359, %get3A_360] {strides = array<i32>} : memref<16x1024xf32, #tpu.memory_space<vmem>>, vector<1x16xf32>,
      %get3A_362 = vector.shape_cast %get3A_361 : vector<1x16xf32> to vector<16xf32>
      %add3A_363 = arith.addf %get3A_357, %get3A_362 : vector<16xf32>
      %swap3A_364 = arith.constant 9 : i32
      %swap3A_365 = arith.index_cast %swap3A_364 : i32 to index
      %swap3A_366 = arith.index_cast %mul3A_352 : i32 to index
      %swap3A_367 = tpu.vector_load %arg8[%swap3A_365, %swap3A_366] {strides = array<i32>} : memref<16x1024xf32, #tpu.memory_space<vmem>>, vector<1x16xf32>,
      %swap3A_368 = vector.shape_cast %swap3A_367 : vector<1x16xf32> to vector<16xf32>
      %swap3A_369 = vector.shape_cast %add3A_363 : vector<16xf32> to vector<1x16xf32>
      tpu.vector_store %arg8[%swap3A_365, %swap3A_366], %swap3A_369 {strides = array<i32>} : memref<16x1024xf32, #tpu.memory_space<vmem>>, vector<1x16xf32>,
      %mul3A_370 = arith.constant 16 : i32
      %mul3A_371 = arith.muli %scan3A_180, %mul3A_370 : i32
      %get3A_372 = arith.constant 10 : i32
      %get3A_373 = arith.index_cast %get3A_372 : i32 to index
      %get3A_374 = arith.index_cast %mul3A_371 : i32 to index
      %get3A_375 = tpu.vector_load %arg8[%get3A_373, %get3A_374] {strides = array<i32>} : memref<16x1024xf32, #tpu.memory_space<vmem>>, vector<1x16xf32>,
      %get3A_376 = vector.shape_cast %get3A_375 : vector<1x16xf32> to vector<16xf32>
      %get3A_377 = arith.constant 10 : i32
      %get3A_378 = arith.index_cast %get3A_377 : i32 to index
      %get3A_379 = arith.index_cast %mul3A_371 : i32 to index
      %get3A_380 = tpu.vector_load %arg10[%get3A_378, %get3A_379] {strides = array<i32>} : memref<16x1024xf32, #tpu.memory_space<vmem>>, vector<1x16xf32>,
      %get3A_381 = vector.shape_cast %get3A_380 : vector<1x16xf32> to vector<16xf32>
      %add3A_382 = arith.addf %get3A_376, %get3A_381 : vector<16xf32>
      %swap3A_383 = arith.constant 10 : i32
      %swap3A_384 = arith.index_cast %swap3A_383 : i32 to index
      %swap3A_385 = arith.index_cast %mul3A_371 : i32 to index
      %swap3A_386 = tpu.vector_load %arg8[%swap3A_384, %swap3A_385] {strides = array<i32>} : memref<16x1024xf32, #tpu.memory_space<vmem>>, vector<1x16xf32>,
      %swap3A_387 = vector.shape_cast %swap3A_386 : vector<1x16xf32> to vector<16xf32>
      %swap3A_388 = vector.shape_cast %add3A_382 : vector<16xf32> to vector<1x16xf32>
      tpu.vector_store %arg8[%swap3A_384, %swap3A_385], %swap3A_388 {strides = array<i32>} : memref<16x1024xf32, #tpu.memory_space<vmem>>, vector<1x16xf32>,
      %mul3A_389 = arith.constant 16 : i32
      %mul3A_390 = arith.muli %scan3A_180, %mul3A_389 : i32
      %get3A_391 = arith.constant 11 : i32
      %get3A_392 = arith.index_cast %get3A_391 : i32 to index
      %get3A_393 = arith.index_cast %mul3A_390 : i32 to index
      %get3A_394 = tpu.vector_load %arg8[%get3A_392, %get3A_393] {strides = array<i32>} : memref<16x1024xf32, #tpu.memory_space<vmem>>, vector<1x16xf32>,
      %get3A_395 = vector.shape_cast %get3A_394 : vector<1x16xf32> to vector<16xf32>
      %get3A_396 = arith.constant 11 : i32
      %get3A_397 = arith.index_cast %get3A_396 : i32 to index
      %get3A_398 = arith.index_cast %mul3A_390 : i32 to index
      %get3A_399 = tpu.vector_load %arg10[%get3A_397, %get3A_398] {strides = array<i32>} : memref<16x1024xf32, #tpu.memory_space<vmem>>, vector<1x16xf32>,
      %get3A_400 = vector.shape_cast %get3A_399 : vector<1x16xf32> to vector<16xf32>
      %add3A_401 = arith.addf %get3A_395, %get3A_400 : vector<16xf32>
      %swap3A_402 = arith.constant 11 : i32
      %swap3A_403 = arith.index_cast %swap3A_402 : i32 to index
      %swap3A_404 = arith.index_cast %mul3A_390 : i32 to index
      %swap3A_405 = tpu.vector_load %arg8[%swap3A_403, %swap3A_404] {strides = array<i32>} : memref<16x1024xf32, #tpu.memory_space<vmem>>, vector<1x16xf32>,
      %swap3A_406 = vector.shape_cast %swap3A_405 : vector<1x16xf32> to vector<16xf32>
      %swap3A_407 = vector.shape_cast %add3A_401 : vector<16xf32> to vector<1x16xf32>
      tpu.vector_store %arg8[%swap3A_403, %swap3A_404], %swap3A_407 {strides = array<i32>} : memref<16x1024xf32, #tpu.memory_space<vmem>>, vector<1x16xf32>,
      %mul3A_408 = arith.constant 16 : i32
      %mul3A_409 = arith.muli %scan3A_180, %mul3A_408 : i32
      %get3A_410 = arith.constant 12 : i32
      %get3A_411 = arith.index_cast %get3A_410 : i32 to index
      %get3A_412 = arith.index_cast %mul3A_409 : i32 to index
      %get3A_413 = tpu.vector_load %arg8[%get3A_411, %get3A_412] {strides = array<i32>} : memref<16x1024xf32, #tpu.memory_space<vmem>>, vector<1x16xf32>,
      %get3A_414 = vector.shape_cast %get3A_413 : vector<1x16xf32> to vector<16xf32>
      %get3A_415 = arith.constant 12 : i32
      %get3A_416 = arith.index_cast %get3A_415 : i32 to index
      %get3A_417 = arith.index_cast %mul3A_409 : i32 to index
      %get3A_418 = tpu.vector_load %arg10[%get3A_416, %get3A_417] {strides = array<i32>} : memref<16x1024xf32, #tpu.memory_space<vmem>>, vector<1x16xf32>,
      %get3A_419 = vector.shape_cast %get3A_418 : vector<1x16xf32> to vector<16xf32>
      %add3A_420 = arith.addf %get3A_414, %get3A_419 : vector<16xf32>
      %swap3A_421 = arith.constant 12 : i32
      %swap3A_422 = arith.index_cast %swap3A_421 : i32 to index
      %swap3A_423 = arith.index_cast %mul3A_409 : i32 to index
      %swap3A_424 = tpu.vector_load %arg8[%swap3A_422, %swap3A_423] {strides = array<i32>} : memref<16x1024xf32, #tpu.memory_space<vmem>>, vector<1x16xf32>,
      %swap3A_425 = vector.shape_cast %swap3A_424 : vector<1x16xf32> to vector<16xf32>
      %swap3A_426 = vector.shape_cast %add3A_420 : vector<16xf32> to vector<1x16xf32>
      tpu.vector_store %arg8[%swap3A_422, %swap3A_423], %swap3A_426 {strides = array<i32>} : memref<16x1024xf32, #tpu.memory_space<vmem>>, vector<1x16xf32>,
      %mul3A_427 = arith.constant 16 : i32
      %mul3A_428 = arith.muli %scan3A_180, %mul3A_427 : i32
      %get3A_429 = arith.constant 13 : i32
      %get3A_430 = arith.index_cast %get3A_429 : i32 to index
      %get3A_431 = arith.index_cast %mul3A_428 : i32 to index
      %get3A_432 = tpu.vector_load %arg8[%get3A_430, %get3A_431] {strides = array<i32>} : memref<16x1024xf32, #tpu.memory_space<vmem>>, vector<1x16xf32>,
      %get3A_433 = vector.shape_cast %get3A_432 : vector<1x16xf32> to vector<16xf32>
      %get3A_434 = arith.constant 13 : i32
      %get3A_435 = arith.index_cast %get3A_434 : i32 to index
      %get3A_436 = arith.index_cast %mul3A_428 : i32 to index
      %get3A_437 = tpu.vector_load %arg10[%get3A_435, %get3A_436] {strides = array<i32>} : memref<16x1024xf32, #tpu.memory_space<vmem>>, vector<1x16xf32>,
      %get3A_438 = vector.shape_cast %get3A_437 : vector<1x16xf32> to vector<16xf32>
      %add3A_439 = arith.addf %get3A_433, %get3A_438 : vector<16xf32>
      %swap3A_440 = arith.constant 13 : i32
      %swap3A_441 = arith.index_cast %swap3A_440 : i32 to index
      %swap3A_442 = arith.index_cast %mul3A_428 : i32 to index
      %swap3A_443 = tpu.vector_load %arg8[%swap3A_441, %swap3A_442] {strides = array<i32>} : memref<16x1024xf32, #tpu.memory_space<vmem>>, vector<1x16xf32>,
      %swap3A_444 = vector.shape_cast %swap3A_443 : vector<1x16xf32> to vector<16xf32>
      %swap3A_445 = vector.shape_cast %add3A_439 : vector<16xf32> to vector<1x16xf32>
      tpu.vector_store %arg8[%swap3A_441, %swap3A_442], %swap3A_445 {strides = array<i32>} : memref<16x1024xf32, #tpu.memory_space<vmem>>, vector<1x16xf32>,
      %mul3A_446 = arith.constant 16 : i32
      %mul3A_447 = arith.muli %scan3A_180, %mul3A_446 : i32
      %get3A_448 = arith.constant 14 : i32
      %get3A_449 = arith.index_cast %get3A_448 : i32 to index
      %get3A_450 = arith.index_cast %mul3A_447 : i32 to index
      %get3A_451 = tpu.vector_load %arg8[%get3A_449, %get3A_450] {strides = array<i32>} : memref<16x1024xf32, #tpu.memory_space<vmem>>, vector<1x16xf32>,
      %get3A_452 = vector.shape_cast %get3A_451 : vector<1x16xf32> to vector<16xf32>
      %get3A_453 = arith.constant 14 : i32
      %get3A_454 = arith.index_cast %get3A_453 : i32 to index
      %get3A_455 = arith.index_cast %mul3A_447 : i32 to index
      %get3A_456 = tpu.vector_load %arg10[%get3A_454, %get3A_455] {strides = array<i32>} : memref<16x1024xf32, #tpu.memory_space<vmem>>, vector<1x16xf32>,
      %get3A_457 = vector.shape_cast %get3A_456 : vector<1x16xf32> to vector<16xf32>
      %add3A_458 = arith.addf %get3A_452, %get3A_457 : vector<16xf32>
      %swap3A_459 = arith.constant 14 : i32
      %swap3A_460 = arith.index_cast %swap3A_459 : i32 to index
      %swap3A_461 = arith.index_cast %mul3A_447 : i32 to index
      %swap3A_462 = tpu.vector_load %arg8[%swap3A_460, %swap3A_461] {strides = array<i32>} : memref<16x1024xf32, #tpu.memory_space<vmem>>, vector<1x16xf32>,
      %swap3A_463 = vector.shape_cast %swap3A_462 : vector<1x16xf32> to vector<16xf32>
      %swap3A_464 = vector.shape_cast %add3A_458 : vector<16xf32> to vector<1x16xf32>
      tpu.vector_store %arg8[%swap3A_460, %swap3A_461], %swap3A_464 {strides = array<i32>} : memref<16x1024xf32, #tpu.memory_space<vmem>>, vector<1x16xf32>,
      %mul3A_465 = arith.constant 16 : i32
      %mul3A_466 = arith.muli %scan3A_180, %mul3A_465 : i32
      %get3A_467 = arith.constant 15 : i32
      %get3A_468 = arith.index_cast %get3A_467 : i32 to index
      %get3A_469 = arith.index_cast %mul3A_466 : i32 to index
      %get3A_470 = tpu.vector_load %arg8[%get3A_468, %get3A_469] {strides = array<i32>} : memref<16x1024xf32, #tpu.memory_space<vmem>>, vector<1x16xf32>,
      %get3A_471 = vector.shape_cast %get3A_470 : vector<1x16xf32> to vector<16xf32>
      %get3A_472 = arith.constant 15 : i32
      %get3A_473 = arith.index_cast %get3A_472 : i32 to index
      %get3A_474 = arith.index_cast %mul3A_466 : i32 to index
      %get3A_475 = tpu.vector_load %arg10[%get3A_473, %get3A_474] {strides = array<i32>} : memref<16x1024xf32, #tpu.memory_space<vmem>>, vector<1x16xf32>,
      %get3A_476 = vector.shape_cast %get3A_475 : vector<1x16xf32> to vector<16xf32>
      %add3A_477 = arith.addf %get3A_471, %get3A_476 : vector<16xf32>
      %swap3A_478 = arith.constant 15 : i32
      %swap3A_479 = arith.index_cast %swap3A_478 : i32 to index
      %swap3A_480 = arith.index_cast %mul3A_466 : i32 to index
      %swap3A_481 = tpu.vector_load %arg8[%swap3A_479, %swap3A_480] {strides = array<i32>} : memref<16x1024xf32, #tpu.memory_space<vmem>>, vector<1x16xf32>,
      %swap3A_482 = vector.shape_cast %swap3A_481 : vector<1x16xf32> to vector<16xf32>
      %swap3A_483 = vector.shape_cast %add3A_477 : vector<16xf32> to vector<1x16xf32>
      tpu.vector_store %arg8[%swap3A_479, %swap3A_480], %swap3A_483 {strides = array<i32>} : memref<16x1024xf32, #tpu.memory_space<vmem>>, vector<1x16xf32>,
      %scan3A_484 = arith.constant 0 : i32
      scf.yield %scan3A_484 : i32
    }
    %scan3A_138 = arith.constant 64 : i32
    %add3A_139 = arith.constant 32 : i32
    %add3A_140 = arith.addi %mul3A_2, %add3A_139 : i32
    %dma_start3A_141 = arith.constant 0 : i32
    %dma_start3A_142 = tpu.memref_slice %arg5[%add3A_140, %dma_start3A_141] : memref<2048x1024xf32, #tpu.memory_space<hbm>> -> memref<16x1024xf32, #tpu.memory_space<hbm>>
    %dma_start3A_143 = arith.constant 0 : i32
    %dma_start3A_144 = tpu.memref_slice %arg5[%add3A_140, %dma_start3A_143] : memref<2048x1024xf32, #tpu.memory_space<hbm>> -> memref<16x1024xf32, #tpu.memory_space<hbm>>
    tpu.enqueue_dma source(%arg8 : memref<16x1024xf32, #tpu.memory_space<vmem>>) target(%dma_start3A_144 : memref<16x1024xf32, #tpu.memory_space<hbm>>) target_semaphore(%arg16 : memref<!tpu.dma_semaphore, #tpu.memory_space<semaphore_mem>>)
    %dma_wait3A_145 = arith.constant 3 : i32
    %dma_wait3A_146 = arith.constant 0 : i32
    %dma_wait3A_147 = tpu.memref_slice %arg6[%dma_wait3A_145, %dma_wait3A_146] : memref<4x16xi32, #tpu.memory_space<vmem>> -> memref<1x16xi32, #tpu.memory_space<vmem>>
    %dma_wait3A_148 = tpu.memref_squeeze %dma_wait3A_147 : memref<1x16xi32, #tpu.memory_space<vmem>> -> memref<16xi32, #tpu.memory_space<vmem>>
    %dma_wait3A_149 = arith.constant 0 : i32
    %dma_wait3A_150 = arith.constant 0 : i32
    %dma_wait3A_151 = tpu.memref_slice %arg2[%dma_wait3A_149, %dma_wait3A_150] : memref<6144x1024xf32, #tpu.memory_space<hbm>> -> memref<6144x1024xf32, #tpu.memory_space<hbm>>
    tpu.wait_indirect_dma semaphore(%arg13 : memref<!tpu.dma_semaphore, #tpu.memory_space<semaphore_mem>>) src(%dma_wait3A_151 : memref<6144x1024xf32, #tpu.memory_space<hbm>>) dst(%arg9 : memref<16x1024xf32, #tpu.memory_space<vmem>>)
    %dma_wait3A_152 = arith.constant 3 : i32
    %dma_wait3A_153 = arith.constant 0 : i32
    %dma_wait3A_154 = tpu.memref_slice %arg7[%dma_wait3A_152, %dma_wait3A_153] : memref<4x16xi32, #tpu.memory_space<vmem>> -> memref<1x16xi32, #tpu.memory_space<vmem>>
    %dma_wait3A_155 = tpu.memref_squeeze %dma_wait3A_154 : memref<1x16xi32, #tpu.memory_space<vmem>> -> memref<16xi32, #tpu.memory_space<vmem>>
    %dma_wait3A_156 = arith.constant 0 : i32
    %dma_wait3A_157 = arith.constant 0 : i32
    %dma_wait3A_158 = tpu.memref_slice %arg2[%dma_wait3A_156, %dma_wait3A_157] : memref<6144x1024xf32, #tpu.memory_space<hbm>> -> memref<6144x1024xf32, #tpu.memory_space<hbm>>
    tpu.wait_indirect_dma semaphore(%arg15 : memref<!tpu.dma_semaphore, #tpu.memory_space<semaphore_mem>>) src(%dma_wait3A_158 : memref<6144x1024xf32, #tpu.memory_space<hbm>>) dst(%arg11 : memref<16x1024xf32, #tpu.memory_space<vmem>>)
    %scan3A_159 = arith.constant 0 : i32
    %scan3A_160 = arith.constant 0 : i32
    %scan3A_161 = arith.constant 64 : i32
    %scan3A_162 = arith.addi %scan3A_160, %scan3A_161 : i32
    %scan3A_163 = arith.constant 1 : i32
    %scan3A_164 = scf.for %scan3A_180 = %scan3A_160 to %scan3A_162 step %scan3A_163 iter_args(%scan3A_181 = %scan3A_159) -> (i32)  : i32 {
      %mul3A_182 = arith.constant 16 : i32
      %mul3A_183 = arith.muli %scan3A_180, %mul3A_182 : i32
      %get3A = arith.constant 0 : i32
      %get3A_184 = arith.index_cast %get3A : i32 to index
      %get3A_185 = arith.index_cast %mul3A_183 : i32 to index
      %get3A_186 = tpu.vector_load %arg9[%get3A_184, %get3A_185] {strides = array<i32>} : memref<16x1024xf32, #tpu.memory_space<vmem>>, vector<1x16xf32>,
      %get3A_187 = vector.shape_cast %get3A_186 : vector<1x16xf32> to vector<16xf32>
      %get3A_188 = arith.constant 0 : i32
      %get3A_189 = arith.index_cast %get3A_188 : i32 to index
      %get3A_190 = arith.index_cast %mul3A_183 : i32 to index
      %get3A_191 = tpu.vector_load %arg11[%get3A_189, %get3A_190] {strides = array<i32>} : memref<16x1024xf32, #tpu.memory_space<vmem>>, vector<1x16xf32>,
      %get3A_192 = vector.shape_cast %get3A_191 : vector<1x16xf32> to vector<16xf32>
      %add3A_193 = arith.addf %get3A_187, %get3A_192 : vector<16xf32>
      %swap3A = arith.constant 0 : i32
      %swap3A_194 = arith.index_cast %swap3A : i32 to index
      %swap3A_195 = arith.index_cast %mul3A_183 : i32 to index
      %swap3A_196 = tpu.vector_load %arg9[%swap3A_194, %swap3A_195] {strides = array<i32>} : memref<16x1024xf32, #tpu.memory_space<vmem>>, vector<1x16xf32>,
      %swap3A_197 = vector.shape_cast %swap3A_196 : vector<1x16xf32> to vector<16xf32>
      %swap3A_198 = vector.shape_cast %add3A_193 : vector<16xf32> to vector<1x16xf32>
      tpu.vector_store %arg9[%swap3A_194, %swap3A_195], %swap3A_198 {strides = array<i32>} : memref<16x1024xf32, #tpu.memory_space<vmem>>, vector<1x16xf32>,
      %mul3A_199 = arith.constant 16 : i32
      %mul3A_200 = arith.muli %scan3A_180, %mul3A_199 : i32
      %get3A_201 = arith.constant 1 : i32
      %get3A_202 = arith.index_cast %get3A_201 : i32 to index
      %get3A_203 = arith.index_cast %mul3A_200 : i32 to index
      %get3A_204 = tpu.vector_load %arg9[%get3A_202, %get3A_203] {strides = array<i32>} : memref<16x1024xf32, #tpu.memory_space<vmem>>, vector<1x16xf32>,
      %get3A_205 = vector.shape_cast %get3A_204 : vector<1x16xf32> to vector<16xf32>
      %get3A_206 = arith.constant 1 : i32
      %get3A_207 = arith.index_cast %get3A_206 : i32 to index
      %get3A_208 = arith.index_cast %mul3A_200 : i32 to index
      %get3A_209 = tpu.vector_load %arg11[%get3A_207, %get3A_208] {strides = array<i32>} : memref<16x1024xf32, #tpu.memory_space<vmem>>, vector<1x16xf32>,
      %get3A_210 = vector.shape_cast %get3A_209 : vector<1x16xf32> to vector<16xf32>
      %add3A_211 = arith.addf %get3A_205, %get3A_210 : vector<16xf32>
      %swap3A_212 = arith.constant 1 : i32
      %swap3A_213 = arith.index_cast %swap3A_212 : i32 to index
      %swap3A_214 = arith.index_cast %mul3A_200 : i32 to index
      %swap3A_215 = tpu.vector_load %arg9[%swap3A_213, %swap3A_214] {strides = array<i32>} : memref<16x1024xf32, #tpu.memory_space<vmem>>, vector<1x16xf32>,
      %swap3A_216 = vector.shape_cast %swap3A_215 : vector<1x16xf32> to vector<16xf32>
      %swap3A_217 = vector.shape_cast %add3A_211 : vector<16xf32> to vector<1x16xf32>
      tpu.vector_store %arg9[%swap3A_213, %swap3A_214], %swap3A_217 {strides = array<i32>} : memref<16x1024xf32, #tpu.memory_space<vmem>>, vector<1x16xf32>,
      %mul3A_218 = arith.constant 16 : i32
      %mul3A_219 = arith.muli %scan3A_180, %mul3A_218 : i32
      %get3A_220 = arith.constant 2 : i32
      %get3A_221 = arith.index_cast %get3A_220 : i32 to index
      %get3A_222 = arith.index_cast %mul3A_219 : i32 to index
      %get3A_223 = tpu.vector_load %arg9[%get3A_221, %get3A_222] {strides = array<i32>} : memref<16x1024xf32, #tpu.memory_space<vmem>>, vector<1x16xf32>,
      %get3A_224 = vector.shape_cast %get3A_223 : vector<1x16xf32> to vector<16xf32>
      %get3A_225 = arith.constant 2 : i32
      %get3A_226 = arith.index_cast %get3A_225 : i32 to index
      %get3A_227 = arith.index_cast %mul3A_219 : i32 to index
      %get3A_228 = tpu.vector_load %arg11[%get3A_226, %get3A_227] {strides = array<i32>} : memref<16x1024xf32, #tpu.memory_space<vmem>>, vector<1x16xf32>,
      %get3A_229 = vector.shape_cast %get3A_228 : vector<1x16xf32> to vector<16xf32>
      %add3A_230 = arith.addf %get3A_224, %get3A_229 : vector<16xf32>
      %swap3A_231 = arith.constant 2 : i32
      %swap3A_232 = arith.index_cast %swap3A_231 : i32 to index
      %swap3A_233 = arith.index_cast %mul3A_219 : i32 to index
      %swap3A_234 = tpu.vector_load %arg9[%swap3A_232, %swap3A_233] {strides = array<i32>} : memref<16x1024xf32, #tpu.memory_space<vmem>>, vector<1x16xf32>,
      %swap3A_235 = vector.shape_cast %swap3A_234 : vector<1x16xf32> to vector<16xf32>
      %swap3A_236 = vector.shape_cast %add3A_230 : vector<16xf32> to vector<1x16xf32>
      tpu.vector_store %arg9[%swap3A_232, %swap3A_233], %swap3A_236 {strides = array<i32>} : memref<16x1024xf32, #tpu.memory_space<vmem>>, vector<1x16xf32>,
      %mul3A_237 = arith.constant 16 : i32
      %mul3A_238 = arith.muli %scan3A_180, %mul3A_237 : i32
      %get3A_239 = arith.constant 3 : i32
      %get3A_240 = arith.index_cast %get3A_239 : i32 to index
      %get3A_241 = arith.index_cast %mul3A_238 : i32 to index
      %get3A_242 = tpu.vector_load %arg9[%get3A_240, %get3A_241] {strides = array<i32>} : memref<16x1024xf32, #tpu.memory_space<vmem>>, vector<1x16xf32>,
      %get3A_243 = vector.shape_cast %get3A_242 : vector<1x16xf32> to vector<16xf32>
      %get3A_244 = arith.constant 3 : i32
      %get3A_245 = arith.index_cast %get3A_244 : i32 to index
      %get3A_246 = arith.index_cast %mul3A_238 : i32 to index
      %get3A_247 = tpu.vector_load %arg11[%get3A_245, %get3A_246] {strides = array<i32>} : memref<16x1024xf32, #tpu.memory_space<vmem>>, vector<1x16xf32>,
      %get3A_248 = vector.shape_cast %get3A_247 : vector<1x16xf32> to vector<16xf32>
      %add3A_249 = arith.addf %get3A_243, %get3A_248 : vector<16xf32>
      %swap3A_250 = arith.constant 3 : i32
      %swap3A_251 = arith.index_cast %swap3A_250 : i32 to index
      %swap3A_252 = arith.index_cast %mul3A_238 : i32 to index
      %swap3A_253 = tpu.vector_load %arg9[%swap3A_251, %swap3A_252] {strides = array<i32>} : memref<16x1024xf32, #tpu.memory_space<vmem>>, vector<1x16xf32>,
      %swap3A_254 = vector.shape_cast %swap3A_253 : vector<1x16xf32> to vector<16xf32>
      %swap3A_255 = vector.shape_cast %add3A_249 : vector<16xf32> to vector<1x16xf32>
      tpu.vector_store %arg9[%swap3A_251, %swap3A_252], %swap3A_255 {strides = array<i32>} : memref<16x1024xf32, #tpu.memory_space<vmem>>, vector<1x16xf32>,
      %mul3A_256 = arith.constant 16 : i32
      %mul3A_257 = arith.muli %scan3A_180, %mul3A_256 : i32
      %get3A_258 = arith.constant 4 : i32
      %get3A_259 = arith.index_cast %get3A_258 : i32 to index
      %get3A_260 = arith.index_cast %mul3A_257 : i32 to index
      %get3A_261 = tpu.vector_load %arg9[%get3A_259, %get3A_260] {strides = array<i32>} : memref<16x1024xf32, #tpu.memory_space<vmem>>, vector<1x16xf32>,
      %get3A_262 = vector.shape_cast %get3A_261 : vector<1x16xf32> to vector<16xf32>
      %get3A_263 = arith.constant 4 : i32
      %get3A_264 = arith.index_cast %get3A_263 : i32 to index
      %get3A_265 = arith.index_cast %mul3A_257 : i32 to index
      %get3A_266 = tpu.vector_load %arg11[%get3A_264, %get3A_265] {strides = array<i32>} : memref<16x1024xf32, #tpu.memory_space<vmem>>, vector<1x16xf32>,
      %get3A_267 = vector.shape_cast %get3A_266 : vector<1x16xf32> to vector<16xf32>
      %add3A_268 = arith.addf %get3A_262, %get3A_267 : vector<16xf32>
      %swap3A_269 = arith.constant 4 : i32
      %swap3A_270 = arith.index_cast %swap3A_269 : i32 to index
      %swap3A_271 = arith.index_cast %mul3A_257 : i32 to index
      %swap3A_272 = tpu.vector_load %arg9[%swap3A_270, %swap3A_271] {strides = array<i32>} : memref<16x1024xf32, #tpu.memory_space<vmem>>, vector<1x16xf32>,
      %swap3A_273 = vector.shape_cast %swap3A_272 : vector<1x16xf32> to vector<16xf32>
      %swap3A_274 = vector.shape_cast %add3A_268 : vector<16xf32> to vector<1x16xf32>
      tpu.vector_store %arg9[%swap3A_270, %swap3A_271], %swap3A_274 {strides = array<i32>} : memref<16x1024xf32, #tpu.memory_space<vmem>>, vector<1x16xf32>,
      %mul3A_275 = arith.constant 16 : i32
      %mul3A_276 = arith.muli %scan3A_180, %mul3A_275 : i32
      %get3A_277 = arith.constant 5 : i32
      %get3A_278 = arith.index_cast %get3A_277 : i32 to index
      %get3A_279 = arith.index_cast %mul3A_276 : i32 to index
      %get3A_280 = tpu.vector_load %arg9[%get3A_278, %get3A_279] {strides = array<i32>} : memref<16x1024xf32, #tpu.memory_space<vmem>>, vector<1x16xf32>,
      %get3A_281 = vector.shape_cast %get3A_280 : vector<1x16xf32> to vector<16xf32>
      %get3A_282 = arith.constant 5 : i32
      %get3A_283 = arith.index_cast %get3A_282 : i32 to index
      %get3A_284 = arith.index_cast %mul3A_276 : i32 to index
      %get3A_285 = tpu.vector_load %arg11[%get3A_283, %get3A_284] {strides = array<i32>} : memref<16x1024xf32, #tpu.memory_space<vmem>>, vector<1x16xf32>,
      %get3A_286 = vector.shape_cast %get3A_285 : vector<1x16xf32> to vector<16xf32>
      %add3A_287 = arith.addf %get3A_281, %get3A_286 : vector<16xf32>
      %swap3A_288 = arith.constant 5 : i32
      %swap3A_289 = arith.index_cast %swap3A_288 : i32 to index
      %swap3A_290 = arith.index_cast %mul3A_276 : i32 to index
      %swap3A_291 = tpu.vector_load %arg9[%swap3A_289, %swap3A_290] {strides = array<i32>} : memref<16x1024xf32, #tpu.memory_space<vmem>>, vector<1x16xf32>,
      %swap3A_292 = vector.shape_cast %swap3A_291 : vector<1x16xf32> to vector<16xf32>
      %swap3A_293 = vector.shape_cast %add3A_287 : vector<16xf32> to vector<1x16xf32>
      tpu.vector_store %arg9[%swap3A_289, %swap3A_290], %swap3A_293 {strides = array<i32>} : memref<16x1024xf32, #tpu.memory_space<vmem>>, vector<1x16xf32>,
      %mul3A_294 = arith.constant 16 : i32
      %mul3A_295 = arith.muli %scan3A_180, %mul3A_294 : i32
      %get3A_296 = arith.constant 6 : i32
      %get3A_297 = arith.index_cast %get3A_296 : i32 to index
      %get3A_298 = arith.index_cast %mul3A_295 : i32 to index
      %get3A_299 = tpu.vector_load %arg9[%get3A_297, %get3A_298] {strides = array<i32>} : memref<16x1024xf32, #tpu.memory_space<vmem>>, vector<1x16xf32>,
      %get3A_300 = vector.shape_cast %get3A_299 : vector<1x16xf32> to vector<16xf32>
      %get3A_301 = arith.constant 6 : i32
      %get3A_302 = arith.index_cast %get3A_301 : i32 to index
      %get3A_303 = arith.index_cast %mul3A_295 : i32 to index
      %get3A_304 = tpu.vector_load %arg11[%get3A_302, %get3A_303] {strides = array<i32>} : memref<16x1024xf32, #tpu.memory_space<vmem>>, vector<1x16xf32>,
      %get3A_305 = vector.shape_cast %get3A_304 : vector<1x16xf32> to vector<16xf32>
      %add3A_306 = arith.addf %get3A_300, %get3A_305 : vector<16xf32>
      %swap3A_307 = arith.constant 6 : i32
      %swap3A_308 = arith.index_cast %swap3A_307 : i32 to index
      %swap3A_309 = arith.index_cast %mul3A_295 : i32 to index
      %swap3A_310 = tpu.vector_load %arg9[%swap3A_308, %swap3A_309] {strides = array<i32>} : memref<16x1024xf32, #tpu.memory_space<vmem>>, vector<1x16xf32>,
      %swap3A_311 = vector.shape_cast %swap3A_310 : vector<1x16xf32> to vector<16xf32>
      %swap3A_312 = vector.shape_cast %add3A_306 : vector<16xf32> to vector<1x16xf32>
      tpu.vector_store %arg9[%swap3A_308, %swap3A_309], %swap3A_312 {strides = array<i32>} : memref<16x1024xf32, #tpu.memory_space<vmem>>, vector<1x16xf32>,
      %mul3A_313 = arith.constant 16 : i32
      %mul3A_314 = arith.muli %scan3A_180, %mul3A_313 : i32
      %get3A_315 = arith.constant 7 : i32
      %get3A_316 = arith.index_cast %get3A_315 : i32 to index
      %get3A_317 = arith.index_cast %mul3A_314 : i32 to index
      %get3A_318 = tpu.vector_load %arg9[%get3A_316, %get3A_317] {strides = array<i32>} : memref<16x1024xf32, #tpu.memory_space<vmem>>, vector<1x16xf32>,
      %get3A_319 = vector.shape_cast %get3A_318 : vector<1x16xf32> to vector<16xf32>
      %get3A_320 = arith.constant 7 : i32
      %get3A_321 = arith.index_cast %get3A_320 : i32 to index
      %get3A_322 = arith.index_cast %mul3A_314 : i32 to index
      %get3A_323 = tpu.vector_load %arg11[%get3A_321, %get3A_322] {strides = array<i32>} : memref<16x1024xf32, #tpu.memory_space<vmem>>, vector<1x16xf32>,
      %get3A_324 = vector.shape_cast %get3A_323 : vector<1x16xf32> to vector<16xf32>
      %add3A_325 = arith.addf %get3A_319, %get3A_324 : vector<16xf32>
      %swap3A_326 = arith.constant 7 : i32
      %swap3A_327 = arith.index_cast %swap3A_326 : i32 to index
      %swap3A_328 = arith.index_cast %mul3A_314 : i32 to index
      %swap3A_329 = tpu.vector_load %arg9[%swap3A_327, %swap3A_328] {strides = array<i32>} : memref<16x1024xf32, #tpu.memory_space<vmem>>, vector<1x16xf32>,
      %swap3A_330 = vector.shape_cast %swap3A_329 : vector<1x16xf32> to vector<16xf32>
      %swap3A_331 = vector.shape_cast %add3A_325 : vector<16xf32> to vector<1x16xf32>
      tpu.vector_store %arg9[%swap3A_327, %swap3A_328], %swap3A_331 {strides = array<i32>} : memref<16x1024xf32, #tpu.memory_space<vmem>>, vector<1x16xf32>,
      %mul3A_332 = arith.constant 16 : i32
      %mul3A_333 = arith.muli %scan3A_180, %mul3A_332 : i32
      %get3A_334 = arith.constant 8 : i32
      %get3A_335 = arith.index_cast %get3A_334 : i32 to index
      %get3A_336 = arith.index_cast %mul3A_333 : i32 to index
      %get3A_337 = tpu.vector_load %arg9[%get3A_335, %get3A_336] {strides = array<i32>} : memref<16x1024xf32, #tpu.memory_space<vmem>>, vector<1x16xf32>,
      %get3A_338 = vector.shape_cast %get3A_337 : vector<1x16xf32> to vector<16xf32>
      %get3A_339 = arith.constant 8 : i32
      %get3A_340 = arith.index_cast %get3A_339 : i32 to index
      %get3A_341 = arith.index_cast %mul3A_333 : i32 to index
      %get3A_342 = tpu.vector_load %arg11[%get3A_340, %get3A_341] {strides = array<i32>} : memref<16x1024xf32, #tpu.memory_space<vmem>>, vector<1x16xf32>,
      %get3A_343 = vector.shape_cast %get3A_342 : vector<1x16xf32> to vector<16xf32>
      %add3A_344 = arith.addf %get3A_338, %get3A_343 : vector<16xf32>
      %swap3A_345 = arith.constant 8 : i32
      %swap3A_346 = arith.index_cast %swap3A_345 : i32 to index
      %swap3A_347 = arith.index_cast %mul3A_333 : i32 to index
      %swap3A_348 = tpu.vector_load %arg9[%swap3A_346, %swap3A_347] {strides = array<i32>} : memref<16x1024xf32, #tpu.memory_space<vmem>>, vector<1x16xf32>,
      %swap3A_349 = vector.shape_cast %swap3A_348 : vector<1x16xf32> to vector<16xf32>
      %swap3A_350 = vector.shape_cast %add3A_344 : vector<16xf32> to vector<1x16xf32>
      tpu.vector_store %arg9[%swap3A_346, %swap3A_347], %swap3A_350 {strides = array<i32>} : memref<16x1024xf32, #tpu.memory_space<vmem>>, vector<1x16xf32>,
      %mul3A_351 = arith.constant 16 : i32
      %mul3A_352 = arith.muli %scan3A_180, %mul3A_351 : i32
      %get3A_353 = arith.constant 9 : i32
      %get3A_354 = arith.index_cast %get3A_353 : i32 to index
      %get3A_355 = arith.index_cast %mul3A_352 : i32 to index
      %get3A_356 = tpu.vector_load %arg9[%get3A_354, %get3A_355] {strides = array<i32>} : memref<16x1024xf32, #tpu.memory_space<vmem>>, vector<1x16xf32>,
      %get3A_357 = vector.shape_cast %get3A_356 : vector<1x16xf32> to vector<16xf32>
      %get3A_358 = arith.constant 9 : i32
      %get3A_359 = arith.index_cast %get3A_358 : i32 to index
      %get3A_360 = arith.index_cast %mul3A_352 : i32 to index
      %get3A_361 = tpu.vector_load %arg11[%get3A_359, %get3A_360] {strides = array<i32>} : memref<16x1024xf32, #tpu.memory_space<vmem>>, vector<1x16xf32>,
      %get3A_362 = vector.shape_cast %get3A_361 : vector<1x16xf32> to vector<16xf32>
      %add3A_363 = arith.addf %get3A_357, %get3A_362 : vector<16xf32>
      %swap3A_364 = arith.constant 9 : i32
      %swap3A_365 = arith.index_cast %swap3A_364 : i32 to index
      %swap3A_366 = arith.index_cast %mul3A_352 : i32 to index
      %swap3A_367 = tpu.vector_load %arg9[%swap3A_365, %swap3A_366] {strides = array<i32>} : memref<16x1024xf32, #tpu.memory_space<vmem>>, vector<1x16xf32>,
      %swap3A_368 = vector.shape_cast %swap3A_367 : vector<1x16xf32> to vector<16xf32>
      %swap3A_369 = vector.shape_cast %add3A_363 : vector<16xf32> to vector<1x16xf32>
      tpu.vector_store %arg9[%swap3A_365, %swap3A_366], %swap3A_369 {strides = array<i32>} : memref<16x1024xf32, #tpu.memory_space<vmem>>, vector<1x16xf32>,
      %mul3A_370 = arith.constant 16 : i32
      %mul3A_371 = arith.muli %scan3A_180, %mul3A_370 : i32
      %get3A_372 = arith.constant 10 : i32
      %get3A_373 = arith.index_cast %get3A_372 : i32 to index
      %get3A_374 = arith.index_cast %mul3A_371 : i32 to index
      %get3A_375 = tpu.vector_load %arg9[%get3A_373, %get3A_374] {strides = array<i32>} : memref<16x1024xf32, #tpu.memory_space<vmem>>, vector<1x16xf32>,
      %get3A_376 = vector.shape_cast %get3A_375 : vector<1x16xf32> to vector<16xf32>
      %get3A_377 = arith.constant 10 : i32
      %get3A_378 = arith.index_cast %get3A_377 : i32 to index
      %get3A_379 = arith.index_cast %mul3A_371 : i32 to index
      %get3A_380 = tpu.vector_load %arg11[%get3A_378, %get3A_379] {strides = array<i32>} : memref<16x1024xf32, #tpu.memory_space<vmem>>, vector<1x16xf32>,
      %get3A_381 = vector.shape_cast %get3A_380 : vector<1x16xf32> to vector<16xf32>
      %add3A_382 = arith.addf %get3A_376, %get3A_381 : vector<16xf32>
      %swap3A_383 = arith.constant 10 : i32
      %swap3A_384 = arith.index_cast %swap3A_383 : i32 to index
      %swap3A_385 = arith.index_cast %mul3A_371 : i32 to index
      %swap3A_386 = tpu.vector_load %arg9[%swap3A_384, %swap3A_385] {strides = array<i32>} : memref<16x1024xf32, #tpu.memory_space<vmem>>, vector<1x16xf32>,
      %swap3A_387 = vector.shape_cast %swap3A_386 : vector<1x16xf32> to vector<16xf32>
      %swap3A_388 = vector.shape_cast %add3A_382 : vector<16xf32> to vector<1x16xf32>
      tpu.vector_store %arg9[%swap3A_384, %swap3A_385], %swap3A_388 {strides = array<i32>} : memref<16x1024xf32, #tpu.memory_space<vmem>>, vector<1x16xf32>,
      %mul3A_389 = arith.constant 16 : i32
      %mul3A_390 = arith.muli %scan3A_180, %mul3A_389 : i32
      %get3A_391 = arith.constant 11 : i32
      %get3A_392 = arith.index_cast %get3A_391 : i32 to index
      %get3A_393 = arith.index_cast %mul3A_390 : i32 to index
      %get3A_394 = tpu.vector_load %arg9[%get3A_392, %get3A_393] {strides = array<i32>} : memref<16x1024xf32, #tpu.memory_space<vmem>>, vector<1x16xf32>,
      %get3A_395 = vector.shape_cast %get3A_394 : vector<1x16xf32> to vector<16xf32>
      %get3A_396 = arith.constant 11 : i32
      %get3A_397 = arith.index_cast %get3A_396 : i32 to index
      %get3A_398 = arith.index_cast %mul3A_390 : i32 to index
      %get3A_399 = tpu.vector_load %arg11[%get3A_397, %get3A_398] {strides = array<i32>} : memref<16x1024xf32, #tpu.memory_space<vmem>>, vector<1x16xf32>,
      %get3A_400 = vector.shape_cast %get3A_399 : vector<1x16xf32> to vector<16xf32>
      %add3A_401 = arith.addf %get3A_395, %get3A_400 : vector<16xf32>
      %swap3A_402 = arith.constant 11 : i32
      %swap3A_403 = arith.index_cast %swap3A_402 : i32 to index
      %swap3A_404 = arith.index_cast %mul3A_390 : i32 to index
      %swap3A_405 = tpu.vector_load %arg9[%swap3A_403, %swap3A_404] {strides = array<i32>} : memref<16x1024xf32, #tpu.memory_space<vmem>>, vector<1x16xf32>,
      %swap3A_406 = vector.shape_cast %swap3A_405 : vector<1x16xf32> to vector<16xf32>
      %swap3A_407 = vector.shape_cast %add3A_401 : vector<16xf32> to vector<1x16xf32>
      tpu.vector_store %arg9[%swap3A_403, %swap3A_404], %swap3A_407 {strides = array<i32>} : memref<16x1024xf32, #tpu.memory_space<vmem>>, vector<1x16xf32>,
      %mul3A_408 = arith.constant 16 : i32
      %mul3A_409 = arith.muli %scan3A_180, %mul3A_408 : i32
      %get3A_410 = arith.constant 12 : i32
      %get3A_411 = arith.index_cast %get3A_410 : i32 to index
      %get3A_412 = arith.index_cast %mul3A_409 : i32 to index
      %get3A_413 = tpu.vector_load %arg9[%get3A_411, %get3A_412] {strides = array<i32>} : memref<16x1024xf32, #tpu.memory_space<vmem>>, vector<1x16xf32>,
      %get3A_414 = vector.shape_cast %get3A_413 : vector<1x16xf32> to vector<16xf32>
      %get3A_415 = arith.constant 12 : i32
      %get3A_416 = arith.index_cast %get3A_415 : i32 to index
      %get3A_417 = arith.index_cast %mul3A_409 : i32 to index
      %get3A_418 = tpu.vector_load %arg11[%get3A_416, %get3A_417] {strides = array<i32>} : memref<16x1024xf32, #tpu.memory_space<vmem>>, vector<1x16xf32>,
      %get3A_419 = vector.shape_cast %get3A_418 : vector<1x16xf32> to vector<16xf32>
      %add3A_420 = arith.addf %get3A_414, %get3A_419 : vector<16xf32>
      %swap3A_421 = arith.constant 12 : i32
      %swap3A_422 = arith.index_cast %swap3A_421 : i32 to index
      %swap3A_423 = arith.index_cast %mul3A_409 : i32 to index
      %swap3A_424 = tpu.vector_load %arg9[%swap3A_422, %swap3A_423] {strides = array<i32>} : memref<16x1024xf32, #tpu.memory_space<vmem>>, vector<1x16xf32>,
      %swap3A_425 = vector.shape_cast %swap3A_424 : vector<1x16xf32> to vector<16xf32>
      %swap3A_426 = vector.shape_cast %add3A_420 : vector<16xf32> to vector<1x16xf32>
      tpu.vector_store %arg9[%swap3A_422, %swap3A_423], %swap3A_426 {strides = array<i32>} : memref<16x1024xf32, #tpu.memory_space<vmem>>, vector<1x16xf32>,
      %mul3A_427 = arith.constant 16 : i32
      %mul3A_428 = arith.muli %scan3A_180, %mul3A_427 : i32
      %get3A_429 = arith.constant 13 : i32
      %get3A_430 = arith.index_cast %get3A_429 : i32 to index
      %get3A_431 = arith.index_cast %mul3A_428 : i32 to index
      %get3A_432 = tpu.vector_load %arg9[%get3A_430, %get3A_431] {strides = array<i32>} : memref<16x1024xf32, #tpu.memory_space<vmem>>, vector<1x16xf32>,
      %get3A_433 = vector.shape_cast %get3A_432 : vector<1x16xf32> to vector<16xf32>
      %get3A_434 = arith.constant 13 : i32
      %get3A_435 = arith.index_cast %get3A_434 : i32 to index
      %get3A_436 = arith.index_cast %mul3A_428 : i32 to index
      %get3A_437 = tpu.vector_load %arg11[%get3A_435, %get3A_436] {strides = array<i32>} : memref<16x1024xf32, #tpu.memory_space<vmem>>, vector<1x16xf32>,
      %get3A_438 = vector.shape_cast %get3A_437 : vector<1x16xf32> to vector<16xf32>
      %add3A_439 = arith.addf %get3A_433, %get3A_438 : vector<16xf32>
      %swap3A_440 = arith.constant 13 : i32
      %swap3A_441 = arith.index_cast %swap3A_440 : i32 to index
      %swap3A_442 = arith.index_cast %mul3A_428 : i32 to index
      %swap3A_443 = tpu.vector_load %arg9[%swap3A_441, %swap3A_442] {strides = array<i32>} : memref<16x1024xf32, #tpu.memory_space<vmem>>, vector<1x16xf32>,
      %swap3A_444 = vector.shape_cast %swap3A_443 : vector<1x16xf32> to vector<16xf32>
      %swap3A_445 = vector.shape_cast %add3A_439 : vector<16xf32> to vector<1x16xf32>
      tpu.vector_store %arg9[%swap3A_441, %swap3A_442], %swap3A_445 {strides = array<i32>} : memref<16x1024xf32, #tpu.memory_space<vmem>>, vector<1x16xf32>,
      %mul3A_446 = arith.constant 16 : i32
      %mul3A_447 = arith.muli %scan3A_180, %mul3A_446 : i32
      %get3A_448 = arith.constant 14 : i32
      %get3A_449 = arith.index_cast %get3A_448 : i32 to index
      %get3A_450 = arith.index_cast %mul3A_447 : i32 to index
      %get3A_451 = tpu.vector_load %arg9[%get3A_449, %get3A_450] {strides = array<i32>} : memref<16x1024xf32, #tpu.memory_space<vmem>>, vector<1x16xf32>,
      %get3A_452 = vector.shape_cast %get3A_451 : vector<1x16xf32> to vector<16xf32>
      %get3A_453 = arith.constant 14 : i32
      %get3A_454 = arith.index_cast %get3A_453 : i32 to index
      %get3A_455 = arith.index_cast %mul3A_447 : i32 to index
      %get3A_456 = tpu.vector_load %arg11[%get3A_454, %get3A_455] {strides = array<i32>} : memref<16x1024xf32, #tpu.memory_space<vmem>>, vector<1x16xf32>,
      %get3A_457 = vector.shape_cast %get3A_456 : vector<1x16xf32> to vector<16xf32>
      %add3A_458 = arith.addf %get3A_452, %get3A_457 : vector<16xf32>
      %swap3A_459 = arith.constant 14 : i32
      %swap3A_460 = arith.index_cast %swap3A_459 : i32 to index
      %swap3A_461 = arith.index_cast %mul3A_447 : i32 to index
      %swap3A_462 = tpu.vector_load %arg9[%swap3A_460, %swap3A_461] {strides = array<i32>} : memref<16x1024xf32, #tpu.memory_space<vmem>>, vector<1x16xf32>,
      %swap3A_463 = vector.shape_cast %swap3A_462 : vector<1x16xf32> to vector<16xf32>
      %swap3A_464 = vector.shape_cast %add3A_458 : vector<16xf32> to vector<1x16xf32>
      tpu.vector_store %arg9[%swap3A_460, %swap3A_461], %swap3A_464 {strides = array<i32>} : memref<16x1024xf32, #tpu.memory_space<vmem>>, vector<1x16xf32>,
      %mul3A_465 = arith.constant 16 : i32
      %mul3A_466 = arith.muli %scan3A_180, %mul3A_465 : i32
      %get3A_467 = arith.constant 15 : i32
      %get3A_468 = arith.index_cast %get3A_467 : i32 to index
      %get3A_469 = arith.index_cast %mul3A_466 : i32 to index
      %get3A_470 = tpu.vector_load %arg9[%get3A_468, %get3A_469] {strides = array<i32>} : memref<16x1024xf32, #tpu.memory_space<vmem>>, vector<1x16xf32>,
      %get3A_471 = vector.shape_cast %get3A_470 : vector<1x16xf32> to vector<16xf32>
      %get3A_472 = arith.constant 15 : i32
      %get3A_473 = arith.index_cast %get3A_472 : i32 to index
      %get3A_474 = arith.index_cast %mul3A_466 : i32 to index
      %get3A_475 = tpu.vector_load %arg11[%get3A_473, %get3A_474] {strides = array<i32>} : memref<16x1024xf32, #tpu.memory_space<vmem>>, vector<1x16xf32>,
      %get3A_476 = vector.shape_cast %get3A_475 : vector<1x16xf32> to vector<16xf32>
      %add3A_477 = arith.addf %get3A_471, %get3A_476 : vector<16xf32>
      %swap3A_478 = arith.constant 15 : i32
      %swap3A_479 = arith.index_cast %swap3A_478 : i32 to index
      %swap3A_480 = arith.index_cast %mul3A_466 : i32 to index
      %swap3A_481 = tpu.vector_load %arg9[%swap3A_479, %swap3A_480] {strides = array<i32>} : memref<16x1024xf32, #tpu.memory_space<vmem>>, vector<1x16xf32>,
      %swap3A_482 = vector.shape_cast %swap3A_481 : vector<1x16xf32> to vector<16xf32>
      %swap3A_483 = vector.shape_cast %add3A_477 : vector<16xf32> to vector<1x16xf32>
      tpu.vector_store %arg9[%swap3A_479, %swap3A_480], %swap3A_483 {strides = array<i32>} : memref<16x1024xf32, #tpu.memory_space<vmem>>, vector<1x16xf32>,
      %scan3A_484 = arith.constant 0 : i32
      scf.yield %scan3A_484 : i32
    }
    %scan3A_165 = arith.constant 64 : i32
    %add3A_166 = arith.constant 48 : i32
    %add3A_167 = arith.addi %mul3A_2, %add3A_166 : i32
    %dma_start3A_168 = arith.constant 0 : i32
    %dma_start3A_169 = tpu.memref_slice %arg5[%add3A_167, %dma_start3A_168] : memref<2048x1024xf32, #tpu.memory_space<hbm>> -> memref<16x1024xf32, #tpu.memory_space<hbm>>
    %dma_start3A_170 = arith.constant 0 : i32
    %dma_start3A_171 = tpu.memref_slice %arg5[%add3A_167, %dma_start3A_170] : memref<2048x1024xf32, #tpu.memory_space<hbm>> -> memref<16x1024xf32, #tpu.memory_space<hbm>>
    tpu.enqueue_dma source(%arg9 : memref<16x1024xf32, #tpu.memory_space<vmem>>) target(%dma_start3A_171 : memref<16x1024xf32, #tpu.memory_space<hbm>>) target_semaphore(%arg17 : memref<!tpu.dma_semaphore, #tpu.memory_space<semaphore_mem>>)
    %dma_wait3A_172 = arith.constant 0 : i32
    %dma_wait3A_173 = tpu.memref_slice %arg5[%add3A_140, %dma_wait3A_172] : memref<2048x1024xf32, #tpu.memory_space<hbm>> -> memref<16x1024xf32, #tpu.memory_space<hbm>>
    %dma_wait3A_174 = arith.constant 0 : i32
    %dma_wait3A_175 = tpu.memref_slice %arg5[%add3A_140, %dma_wait3A_174] : memref<2048x1024xf32, #tpu.memory_space<hbm>> -> memref<16x1024xf32, #tpu.memory_space<hbm>>
    tpu.wait_dma2 semaphore(%arg16 : memref<!tpu.dma_semaphore, #tpu.memory_space<semaphore_mem>>) src(%arg8 : memref<16x1024xf32, #tpu.memory_space<vmem>>) dst(%dma_wait3A_175 : memref<16x1024xf32, #tpu.memory_space<hbm>>)
    %dma_wait3A_176 = arith.constant 0 : i32
    %dma_wait3A_177 = tpu.memref_slice %arg5[%add3A_167, %dma_wait3A_176] : memref<2048x1024xf32, #tpu.memory_space<hbm>> -> memref<16x1024xf32, #tpu.memory_space<hbm>>
    %dma_wait3A_178 = arith.constant 0 : i32
    %dma_wait3A_179 = tpu.memref_slice %arg5[%add3A_167, %dma_wait3A_178] : memref<2048x1024xf32, #tpu.memory_space<hbm>> -> memref<16x1024xf32, #tpu.memory_space<hbm>>
    tpu.wait_dma2 semaphore(%arg17 : memref<!tpu.dma_semaphore, #tpu.memory_space<semaphore_mem>>) src(%arg9 : memref<16x1024xf32, #tpu.memory_space<vmem>>) dst(%dma_wait3A_179 : memref<16x1024xf32, #tpu.memory_space<hbm>>)
    return
  }
}

#map = affine_map<(d0, d1) -> (0, 0)>
module attributes {stable_mosaic.version = 14 : i64} {
  func.func @_dispatch_body(%arg0: i32, %arg1: i32, %arg2: memref<2048x1024xf32, #tpu.memory_space<hbm>>, %arg3: memref<32x64xi32, #tpu.memory_space<hbm>>, %arg4: memref<32x64xi32, #tpu.memory_space<hbm>>, %arg5: memref<6144x1024xf32, #tpu.memory_space<hbm>>, %arg6: memref<2x64xi32, #tpu.memory_space<vmem>>, %arg7: memref<64x1024xf32, #tpu.memory_space<vmem>>, %arg8: memref<!tpu.dma_semaphore, #tpu.memory_space<semaphore_mem>>, %arg9: memref<!tpu.dma_semaphore, #tpu.memory_space<semaphore_mem>>) attributes {dimension_semantics = [#tpu.dimension_semantics<core_parallel>, #tpu.dimension_semantics<subcore_parallel>], iteration_bounds = array<i64: 2, 16>, scalar_prefetch = 0 : i64, scratch_operands = 4 : i64, tpu.core_type = #tpu.core_type<sc_vector_subcore>, window_params = [{transform_indices = #map}, {transform_indices = #map}, {transform_indices = #map}, {transform_indices = #map}]} {
    %mul3A = arith.constant 2 : i32
    %mul3A_0 = arith.muli %arg1, %mul3A : i32
    %add3A = arith.addi %mul3A_0, %arg0 : i32
    %mul3A_1 = arith.constant 64 : i32
    %mul3A_2 = arith.muli %add3A, %mul3A_1 : i32
    %dma_start3A = arith.constant 0 : i32
    %dma_start3A_3 = tpu.memref_slice %arg2[%mul3A_2, %dma_start3A] : memref<2048x1024xf32, #tpu.memory_space<hbm>> -> memref<64x1024xf32, #tpu.memory_space<hbm>>
    %dma_start3A_4 = arith.constant 0 : i32
    %dma_start3A_5 = tpu.memref_slice %arg2[%mul3A_2, %dma_start3A_4] : memref<2048x1024xf32, #tpu.memory_space<hbm>> -> memref<64x1024xf32, #tpu.memory_space<hbm>>
    tpu.enqueue_dma source(%dma_start3A_5 : memref<64x1024xf32, #tpu.memory_space<hbm>>) target(%arg7 : memref<64x1024xf32, #tpu.memory_space<vmem>>) target_semaphore(%arg8 : memref<!tpu.dma_semaphore, #tpu.memory_space<semaphore_mem>>)
    %run_scoped3A = arith.constant 0 : i32
    "tpu.region"() ({
      %run_scoped3A_38 = tpu.sem_alloc : memref<!tpu.dma_semaphore, #tpu.memory_space<semaphore_mem>>
      %dma_start3A_39 = arith.constant 0 : i32
      %dma_start3A_40 = tpu.memref_slice %arg6[%run_scoped3A, %dma_start3A_39] : memref<2x64xi32, #tpu.memory_space<vmem>> -> memref<1x64xi32, #tpu.memory_space<vmem>>
      %dma_start3A_41 = tpu.memref_squeeze %dma_start3A_40 : memref<1x64xi32, #tpu.memory_space<vmem>> -> memref<64xi32, #tpu.memory_space<vmem>>
      %dma_start3A_42 = arith.constant 0 : i32
      %dma_start3A_43 = tpu.memref_slice %arg3[%add3A, %dma_start3A_42] : memref<32x64xi32, #tpu.memory_space<hbm>> -> memref<1x64xi32, #tpu.memory_space<hbm>>
      %dma_start3A_44 = tpu.memref_squeeze %dma_start3A_43 : memref<1x64xi32, #tpu.memory_space<hbm>> -> memref<64xi32, #tpu.memory_space<hbm>>
      %dma_start3A_45 = arith.constant 0 : i32
      %dma_start3A_46 = tpu.memref_slice %arg6[%run_scoped3A, %dma_start3A_45] : memref<2x64xi32, #tpu.memory_space<vmem>> -> memref<1x64xi32, #tpu.memory_space<vmem>>
      %dma_start3A_47 = tpu.memref_squeeze %dma_start3A_46 : memref<1x64xi32, #tpu.memory_space<vmem>> -> memref<64xi32, #tpu.memory_space<vmem>>
      %dma_start3A_48 = arith.constant 0 : i32
      %dma_start3A_49 = tpu.memref_slice %arg3[%add3A, %dma_start3A_48] : memref<32x64xi32, #tpu.memory_space<hbm>> -> memref<1x64xi32, #tpu.memory_space<hbm>>
      %dma_start3A_50 = tpu.memref_squeeze %dma_start3A_49 : memref<1x64xi32, #tpu.memory_space<hbm>> -> memref<64xi32, #tpu.memory_space<hbm>>
      tpu.enqueue_dma source(%dma_start3A_50 : memref<64xi32, #tpu.memory_space<hbm>>) target(%dma_start3A_47 : memref<64xi32, #tpu.memory_space<vmem>>) target_semaphore(%run_scoped3A_38 : memref<!tpu.dma_semaphore, #tpu.memory_space<semaphore_mem>>)
      %dma_wait3A_51 = arith.constant 0 : i32
      %dma_wait3A_52 = tpu.memref_slice %arg6[%run_scoped3A, %dma_wait3A_51] : memref<2x64xi32, #tpu.memory_space<vmem>> -> memref<1x64xi32, #tpu.memory_space<vmem>>
      %dma_wait3A_53 = tpu.memref_squeeze %dma_wait3A_52 : memref<1x64xi32, #tpu.memory_space<vmem>> -> memref<64xi32, #tpu.memory_space<vmem>>
      %dma_wait3A_54 = arith.constant 0 : i32
      %dma_wait3A_55 = tpu.memref_slice %arg3[%add3A, %dma_wait3A_54] : memref<32x64xi32, #tpu.memory_space<hbm>> -> memref<1x64xi32, #tpu.memory_space<hbm>>
      %dma_wait3A_56 = tpu.memref_squeeze %dma_wait3A_55 : memref<1x64xi32, #tpu.memory_space<hbm>> -> memref<64xi32, #tpu.memory_space<hbm>>
      %dma_wait3A_57 = arith.constant 0 : i32
      %dma_wait3A_58 = tpu.memref_slice %arg6[%run_scoped3A, %dma_wait3A_57] : memref<2x64xi32, #tpu.memory_space<vmem>> -> memref<1x64xi32, #tpu.memory_space<vmem>>
      %dma_wait3A_59 = tpu.memref_squeeze %dma_wait3A_58 : memref<1x64xi32, #tpu.memory_space<vmem>> -> memref<64xi32, #tpu.memory_space<vmem>>
      %dma_wait3A_60 = arith.constant 0 : i32
      %dma_wait3A_61 = tpu.memref_slice %arg3[%add3A, %dma_wait3A_60] : memref<32x64xi32, #tpu.memory_space<hbm>> -> memref<1x64xi32, #tpu.memory_space<hbm>>
      %dma_wait3A_62 = tpu.memref_squeeze %dma_wait3A_61 : memref<1x64xi32, #tpu.memory_space<hbm>> -> memref<64xi32, #tpu.memory_space<hbm>>
      tpu.wait_dma2 semaphore(%run_scoped3A_38 : memref<!tpu.dma_semaphore, #tpu.memory_space<semaphore_mem>>) src(%dma_wait3A_62 : memref<64xi32, #tpu.memory_space<hbm>>) dst(%dma_wait3A_59 : memref<64xi32, #tpu.memory_space<vmem>>)
      tpu.yield
    }) : () -> ()
    %run_scoped3A_6 = arith.constant 1 : i32
    "tpu.region"() ({
      %run_scoped3A_38 = tpu.sem_alloc : memref<!tpu.dma_semaphore, #tpu.memory_space<semaphore_mem>>
      %dma_start3A_39 = arith.constant 0 : i32
      %dma_start3A_40 = tpu.memref_slice %arg6[%run_scoped3A_6, %dma_start3A_39] : memref<2x64xi32, #tpu.memory_space<vmem>> -> memref<1x64xi32, #tpu.memory_space<vmem>>
      %dma_start3A_41 = tpu.memref_squeeze %dma_start3A_40 : memref<1x64xi32, #tpu.memory_space<vmem>> -> memref<64xi32, #tpu.memory_space<vmem>>
      %dma_start3A_42 = arith.constant 0 : i32
      %dma_start3A_43 = tpu.memref_slice %arg4[%add3A, %dma_start3A_42] : memref<32x64xi32, #tpu.memory_space<hbm>> -> memref<1x64xi32, #tpu.memory_space<hbm>>
      %dma_start3A_44 = tpu.memref_squeeze %dma_start3A_43 : memref<1x64xi32, #tpu.memory_space<hbm>> -> memref<64xi32, #tpu.memory_space<hbm>>
      %dma_start3A_45 = arith.constant 0 : i32
      %dma_start3A_46 = tpu.memref_slice %arg6[%run_scoped3A_6, %dma_start3A_45] : memref<2x64xi32, #tpu.memory_space<vmem>> -> memref<1x64xi32, #tpu.memory_space<vmem>>
      %dma_start3A_47 = tpu.memref_squeeze %dma_start3A_46 : memref<1x64xi32, #tpu.memory_space<vmem>> -> memref<64xi32, #tpu.memory_space<vmem>>
      %dma_start3A_48 = arith.constant 0 : i32
      %dma_start3A_49 = tpu.memref_slice %arg4[%add3A, %dma_start3A_48] : memref<32x64xi32, #tpu.memory_space<hbm>> -> memref<1x64xi32, #tpu.memory_space<hbm>>
      %dma_start3A_50 = tpu.memref_squeeze %dma_start3A_49 : memref<1x64xi32, #tpu.memory_space<hbm>> -> memref<64xi32, #tpu.memory_space<hbm>>
      tpu.enqueue_dma source(%dma_start3A_50 : memref<64xi32, #tpu.memory_space<hbm>>) target(%dma_start3A_47 : memref<64xi32, #tpu.memory_space<vmem>>) target_semaphore(%run_scoped3A_38 : memref<!tpu.dma_semaphore, #tpu.memory_space<semaphore_mem>>)
      %dma_wait3A_51 = arith.constant 0 : i32
      %dma_wait3A_52 = tpu.memref_slice %arg6[%run_scoped3A_6, %dma_wait3A_51] : memref<2x64xi32, #tpu.memory_space<vmem>> -> memref<1x64xi32, #tpu.memory_space<vmem>>
      %dma_wait3A_53 = tpu.memref_squeeze %dma_wait3A_52 : memref<1x64xi32, #tpu.memory_space<vmem>> -> memref<64xi32, #tpu.memory_space<vmem>>
      %dma_wait3A_54 = arith.constant 0 : i32
      %dma_wait3A_55 = tpu.memref_slice %arg4[%add3A, %dma_wait3A_54] : memref<32x64xi32, #tpu.memory_space<hbm>> -> memref<1x64xi32, #tpu.memory_space<hbm>>
      %dma_wait3A_56 = tpu.memref_squeeze %dma_wait3A_55 : memref<1x64xi32, #tpu.memory_space<hbm>> -> memref<64xi32, #tpu.memory_space<hbm>>
      %dma_wait3A_57 = arith.constant 0 : i32
      %dma_wait3A_58 = tpu.memref_slice %arg6[%run_scoped3A_6, %dma_wait3A_57] : memref<2x64xi32, #tpu.memory_space<vmem>> -> memref<1x64xi32, #tpu.memory_space<vmem>>
      %dma_wait3A_59 = tpu.memref_squeeze %dma_wait3A_58 : memref<1x64xi32, #tpu.memory_space<vmem>> -> memref<64xi32, #tpu.memory_space<vmem>>
      %dma_wait3A_60 = arith.constant 0 : i32
      %dma_wait3A_61 = tpu.memref_slice %arg4[%add3A, %dma_wait3A_60] : memref<32x64xi32, #tpu.memory_space<hbm>> -> memref<1x64xi32, #tpu.memory_space<hbm>>
      %dma_wait3A_62 = tpu.memref_squeeze %dma_wait3A_61 : memref<1x64xi32, #tpu.memory_space<hbm>> -> memref<64xi32, #tpu.memory_space<hbm>>
      tpu.wait_dma2 semaphore(%run_scoped3A_38 : memref<!tpu.dma_semaphore, #tpu.memory_space<semaphore_mem>>) src(%dma_wait3A_62 : memref<64xi32, #tpu.memory_space<hbm>>) dst(%dma_wait3A_59 : memref<64xi32, #tpu.memory_space<vmem>>)
      tpu.yield
    }) : () -> ()
    %dma_wait3A = arith.constant 0 : i32
    %dma_wait3A_7 = tpu.memref_slice %arg2[%mul3A_2, %dma_wait3A] : memref<2048x1024xf32, #tpu.memory_space<hbm>> -> memref<64x1024xf32, #tpu.memory_space<hbm>>
    %dma_wait3A_8 = arith.constant 0 : i32
    %dma_wait3A_9 = tpu.memref_slice %arg2[%mul3A_2, %dma_wait3A_8] : memref<2048x1024xf32, #tpu.memory_space<hbm>> -> memref<64x1024xf32, #tpu.memory_space<hbm>>
    tpu.wait_dma2 semaphore(%arg8 : memref<!tpu.dma_semaphore, #tpu.memory_space<semaphore_mem>>) src(%dma_wait3A_9 : memref<64x1024xf32, #tpu.memory_space<hbm>>) dst(%arg7 : memref<64x1024xf32, #tpu.memory_space<vmem>>)
    %dma_start3A_10 = arith.constant 0 : i32
    %dma_start3A_11 = arith.constant 0 : i32
    %dma_start3A_12 = tpu.memref_slice %arg6[%dma_start3A_10, %dma_start3A_11] : memref<2x64xi32, #tpu.memory_space<vmem>> -> memref<1x64xi32, #tpu.memory_space<vmem>>
    %dma_start3A_13 = tpu.memref_squeeze %dma_start3A_12 : memref<1x64xi32, #tpu.memory_space<vmem>> -> memref<64xi32, #tpu.memory_space<vmem>>
    %dma_start3A_14 = arith.constant 0 : i32
    %dma_start3A_15 = arith.constant 0 : i32
    %dma_start3A_16 = tpu.memref_slice %arg5[%dma_start3A_14, %dma_start3A_15] : memref<6144x1024xf32, #tpu.memory_space<hbm>> -> memref<6144x1024xf32, #tpu.memory_space<hbm>>
    tpu.enqueue_indirect_dma source(%arg7 : memref<64x1024xf32, #tpu.memory_space<vmem>>) target(%dma_start3A_16 : memref<6144x1024xf32, #tpu.memory_space<hbm>>) offsets(%dma_start3A_13 : memref<64xi32, #tpu.memory_space<vmem>>) semaphore(%arg8 : memref<!tpu.dma_semaphore, #tpu.memory_space<semaphore_mem>>)
    %dma_start3A_17 = arith.constant 1 : i32
    %dma_start3A_18 = arith.constant 0 : i32
    %dma_start3A_19 = tpu.memref_slice %arg6[%dma_start3A_17, %dma_start3A_18] : memref<2x64xi32, #tpu.memory_space<vmem>> -> memref<1x64xi32, #tpu.memory_space<vmem>>
    %dma_start3A_20 = tpu.memref_squeeze %dma_start3A_19 : memref<1x64xi32, #tpu.memory_space<vmem>> -> memref<64xi32, #tpu.memory_space<vmem>>
    %dma_start3A_21 = arith.constant 0 : i32
    %dma_start3A_22 = arith.constant 0 : i32
    %dma_start3A_23 = tpu.memref_slice %arg5[%dma_start3A_21, %dma_start3A_22] : memref<6144x1024xf32, #tpu.memory_space<hbm>> -> memref<6144x1024xf32, #tpu.memory_space<hbm>>
    tpu.enqueue_indirect_dma source(%arg7 : memref<64x1024xf32, #tpu.memory_space<vmem>>) target(%dma_start3A_23 : memref<6144x1024xf32, #tpu.memory_space<hbm>>) offsets(%dma_start3A_20 : memref<64xi32, #tpu.memory_space<vmem>>) semaphore(%arg9 : memref<!tpu.dma_semaphore, #tpu.memory_space<semaphore_mem>>)
    %dma_wait3A_24 = arith.constant 0 : i32
    %dma_wait3A_25 = arith.constant 0 : i32
    %dma_wait3A_26 = tpu.memref_slice %arg6[%dma_wait3A_24, %dma_wait3A_25] : memref<2x64xi32, #tpu.memory_space<vmem>> -> memref<1x64xi32, #tpu.memory_space<vmem>>
    %dma_wait3A_27 = tpu.memref_squeeze %dma_wait3A_26 : memref<1x64xi32, #tpu.memory_space<vmem>> -> memref<64xi32, #tpu.memory_space<vmem>>
    %dma_wait3A_28 = arith.constant 0 : i32
    %dma_wait3A_29 = arith.constant 0 : i32
    %dma_wait3A_30 = tpu.memref_slice %arg5[%dma_wait3A_28, %dma_wait3A_29] : memref<6144x1024xf32, #tpu.memory_space<hbm>> -> memref<6144x1024xf32, #tpu.memory_space<hbm>>
    tpu.wait_indirect_dma semaphore(%arg8 : memref<!tpu.dma_semaphore, #tpu.memory_space<semaphore_mem>>) src(%arg7 : memref<64x1024xf32, #tpu.memory_space<vmem>>) dst(%dma_wait3A_30 : memref<6144x1024xf32, #tpu.memory_space<hbm>>)
    %dma_wait3A_31 = arith.constant 1 : i32
    %dma_wait3A_32 = arith.constant 0 : i32
    %dma_wait3A_33 = tpu.memref_slice %arg6[%dma_wait3A_31, %dma_wait3A_32] : memref<2x64xi32, #tpu.memory_space<vmem>> -> memref<1x64xi32, #tpu.memory_space<vmem>>
    %dma_wait3A_34 = tpu.memref_squeeze %dma_wait3A_33 : memref<1x64xi32, #tpu.memory_space<vmem>> -> memref<64xi32, #tpu.memory_space<vmem>>
    %dma_wait3A_35 = arith.constant 0 : i32
    %dma_wait3A_36 = arith.constant 0 : i32
    %dma_wait3A_37 = tpu.memref_slice %arg5[%dma_wait3A_35, %dma_wait3A_36] : memref<6144x1024xf32, #tpu.memory_space<hbm>> -> memref<6144x1024xf32, #tpu.memory_space<hbm>>
    tpu.wait_indirect_dma semaphore(%arg9 : memref<!tpu.dma_semaphore, #tpu.memory_space<semaphore_mem>>) src(%arg7 : memref<64x1024xf32, #tpu.memory_space<vmem>>) dst(%dma_wait3A_37 : memref<6144x1024xf32, #tpu.memory_space<hbm>>)
    return
  }
}

module attributes {stable_mosaic.version = 14 : i64} {
  func.func @_router_body(%arg0: memref<2048x1024xf32, #tpu.memory_space<vmem>>, %arg1: memref<1024x128xf32, #tpu.memory_space<vmem>>, %arg2: memref<2048x128xi32, #tpu.memory_space<vmem>>, %arg3: memref<2048x128xi32, #tpu.memory_space<vmem>>, %arg4: memref<2048x128xf32, #tpu.memory_space<vmem>>, %arg5: memref<2048x128xf32, #tpu.memory_space<vmem>>, %arg6: memref<32x128xi32, #tpu.memory_space<vmem>>) attributes {dimension_semantics = [], scalar_prefetch = 0 : i64, scratch_operands = 0 : i64, tpu.core_type = #tpu.core_type<tc>} {
    %get3A = arith.constant 0 : index
    %get3A_0 = arith.constant 0 : index
    %get3A_1 = vector.load %arg0[%get3A, %get3A_0] : memref<2048x1024xf32, #tpu.memory_space<vmem>>, vector<2048x1024xf32>
    %get3A_2 = arith.constant 0 : index
    %get3A_3 = arith.constant 0 : index
    %get3A_4 = vector.load %arg1[%get3A_2, %get3A_3] : memref<1024x128xf32, #tpu.memory_space<vmem>>, vector<1024x128xf32>
    %dot_general3A = arith.constant dense<0.000000e+00> : vector<2048x128xf32>
    %dot_general3A_5 = tpu.matmul %get3A_1, %get3A_4, %dot_general3A {dimension_numbers = #tpu.dot_dimension_numbers<[1], [0], [0], [1], [0, 0, 1, 1], [], []>, transpose_lhs_hint = false} : vector<2048x1024xf32>, vector<1024x128xf32>, vector<2048x128xf32> -> vector<2048x128xf32>
    %div3A = arith.constant 3.000000e+01 : f32
    %div3A_6 = vector.broadcast %div3A : f32 to vector<2048x128xf32>
    %div3A_7 = arith.divf %dot_general3A_5, %div3A_6 : vector<2048x128xf32>
    %tanh3A = math.tanh %div3A_7 : vector<2048x128xf32>
    %iota3A = tpu.iota {dimensions = array<i32: 1>} : vector<2048x128xi32>
    %lt3A = arith.constant 8 : i32
    %lt3A_8 = vector.broadcast %lt3A : i32 to vector<2048x128xi32>
    %lt3A_9 = arith.cmpi slt, %iota3A, %lt3A_8 : vector<2048x128xi32>
    %jit3A = arith.constant -1.000000e+30 : f32
    %broadcast_in_dim3A = vector.broadcast %jit3A : f32 to vector<2048x128xf32>
    %select_n3A = arith.select %lt3A_9, %tanh3A, %broadcast_in_dim3A : vector<2048x128xi1>, vector<2048x128xf32>
    %reduce_max3A = arith.constant dense<0xFF800000> : vector<2048xf32>
    %reduce_max3A_10 = vector.multi_reduction <maximumf>, %select_n3A, %reduce_max3A [1] : vector<2048x128xf32> to vector<2048xf32>
    %broadcast_in_dim3A_11 = vector.shape_cast %reduce_max3A_10 : vector<2048xf32> to vector<2048x1xf32>
    %eq3A = vector.broadcast %broadcast_in_dim3A_11 : vector<2048x1xf32> to vector<2048x128xf32>
    %eq3A_12 = arith.cmpf oeq, %select_n3A, %eq3A : vector<2048x128xf32>
    %jit3A_13 = arith.constant 128 : i32
    %broadcast_in_dim3A_14 = vector.broadcast %jit3A_13 : i32 to vector<2048x128xi32>
    %select_n3A_15 = arith.select %eq3A_12, %iota3A, %broadcast_in_dim3A_14 : vector<2048x128xi1>, vector<2048x128xi32>
    %reduce_min3A = arith.constant dense<2147483647> : vector<2048xi32>
    %reduce_min3A_16 = vector.multi_reduction <minsi>, %select_n3A_15, %reduce_min3A [1] : vector<2048x128xi32> to vector<2048xi32>
    %broadcast_in_dim3A_17 = vector.shape_cast %reduce_min3A_16 : vector<2048xi32> to vector<2048x1xi32>
    %eq3A_18 = vector.broadcast %broadcast_in_dim3A_17 : vector<2048x1xi32> to vector<2048x128xi32>
    %eq3A_19 = arith.cmpi eq, %iota3A, %eq3A_18 : vector<2048x128xi32>
    %jit3A_20 = arith.constant -1.000000e+30 : f32
    %broadcast_in_dim3A_21 = vector.broadcast %jit3A_20 : f32 to vector<2048x128xf32>
    %select_n3A_22 = arith.select %eq3A_19, %broadcast_in_dim3A_21, %select_n3A : vector<2048x128xi1>, vector<2048x128xf32>
    %reduce_max3A_23 = arith.constant dense<0xFF800000> : vector<2048xf32>
    %reduce_max3A_24 = vector.multi_reduction <maximumf>, %select_n3A_22, %reduce_max3A_23 [1] : vector<2048x128xf32> to vector<2048xf32>
    %broadcast_in_dim3A_25 = vector.shape_cast %reduce_max3A_24 : vector<2048xf32> to vector<2048x1xf32>
    %eq3A_26 = vector.broadcast %broadcast_in_dim3A_25 : vector<2048x1xf32> to vector<2048x128xf32>
    %eq3A_27 = arith.cmpf oeq, %select_n3A_22, %eq3A_26 : vector<2048x128xf32>
    %jit3A_28 = arith.constant 128 : i32
    %broadcast_in_dim3A_29 = vector.broadcast %jit3A_28 : i32 to vector<2048x128xi32>
    %select_n3A_30 = arith.select %eq3A_27, %iota3A, %broadcast_in_dim3A_29 : vector<2048x128xi1>, vector<2048x128xi32>
    %reduce_min3A_31 = arith.constant dense<2147483647> : vector<2048xi32>
    %reduce_min3A_32 = vector.multi_reduction <minsi>, %select_n3A_30, %reduce_min3A_31 [1] : vector<2048x128xi32> to vector<2048xi32>
    %broadcast_in_dim3A_33 = vector.shape_cast %reduce_min3A_32 : vector<2048xi32> to vector<2048x1xi32>
    %sub3A = arith.subf %broadcast_in_dim3A_25, %broadcast_in_dim3A_11 : vector<2048x1xf32>
    %exp3A = math.exp %sub3A : vector<2048x1xf32>
    %add3A = arith.constant 1.000000e+00 : f32
    %add3A_34 = vector.broadcast %add3A : f32 to vector<2048x1xf32>
    %add3A_35 = arith.addf %add3A_34, %exp3A : vector<2048x1xf32>
    %div3A_36 = arith.constant 1.000000e+00 : f32
    %div3A_37 = vector.broadcast %div3A_36 : f32 to vector<2048x1xf32>
    %div3A_38 = arith.divf %div3A_37, %add3A_35 : vector<2048x1xf32>
    %sub3A_39 = arith.constant 1.000000e+00 : f32
    %sub3A_40 = vector.broadcast %sub3A_39 : f32 to vector<2048x1xf32>
    %sub3A_41 = arith.subf %sub3A_40, %div3A_38 : vector<2048x1xf32>
    %eq3A_42 = vector.broadcast %broadcast_in_dim3A_17 : vector<2048x1xi32> to vector<2048x128xi32>
    %eq3A_43 = arith.cmpi eq, %iota3A, %eq3A_42 : vector<2048x128xi32>
    %jit3A_44 = arith.constant 1 : i32
    %jit3A_45 = arith.constant 0 : i32
    %broadcast_in_dim3A_46 = vector.broadcast %jit3A_44 : i32 to vector<2048x128xi32>
    %broadcast_in_dim3A_47 = vector.broadcast %jit3A_45 : i32 to vector<2048x128xi32>
    %select_n3A_48 = arith.select %eq3A_43, %broadcast_in_dim3A_46, %broadcast_in_dim3A_47 : vector<2048x128xi1>, vector<2048x128xi32>
    %eq3A_49 = vector.broadcast %broadcast_in_dim3A_33 : vector<2048x1xi32> to vector<2048x128xi32>
    %eq3A_50 = arith.cmpi eq, %iota3A, %eq3A_49 : vector<2048x128xi32>
    %jit3A_51 = arith.constant 1 : i32
    %jit3A_52 = arith.constant 0 : i32
    %broadcast_in_dim3A_53 = vector.broadcast %jit3A_51 : i32 to vector<2048x128xi32>
    %broadcast_in_dim3A_54 = vector.broadcast %jit3A_52 : i32 to vector<2048x128xi32>
    %select_n3A_55 = arith.select %eq3A_50, %broadcast_in_dim3A_53, %broadcast_in_dim3A_54 : vector<2048x128xi1>, vector<2048x128xi32>
    %add3A_56 = arith.addi %select_n3A_48, %select_n3A_55 : vector<2048x128xi32>
    %broadcast_in_dim3A_57 = arith.constant 0 : i32
    %broadcast_in_dim3A_58 = vector.broadcast %broadcast_in_dim3A_57 : i32 to vector<1x128xi32>
    %slice3A = vector.extract_strided_slice %add3A_56 {offsets = [0, 0], sizes = [2047, 128], strides = [1, 1]} : vector<2048x128xi32> to vector<2047x128xi32>
    %concatenate3A = tpu.concatenate %broadcast_in_dim3A_58, %slice3A in 0 : vector<1x128xi32>, vector<2047x128xi32> -> vector<2048x128xi32>
    %add3A_59 = arith.addi %add3A_56, %concatenate3A : vector<2048x128xi32>
    %broadcast_in_dim3A_60 = arith.constant 0 : i32
    %broadcast_in_dim3A_61 = vector.broadcast %broadcast_in_dim3A_60 : i32 to vector<2x128xi32>
    %slice3A_62 = vector.extract_strided_slice %add3A_59 {offsets = [0, 0], sizes = [2046, 128], strides = [1, 1]} : vector<2048x128xi32> to vector<2046x128xi32>
    %concatenate3A_63 = tpu.concatenate %broadcast_in_dim3A_61, %slice3A_62 in 0 : vector<2x128xi32>, vector<2046x128xi32> -> vector<2048x128xi32>
    %add3A_64 = arith.addi %add3A_59, %concatenate3A_63 : vector<2048x128xi32>
    %broadcast_in_dim3A_65 = arith.constant 0 : i32
    %broadcast_in_dim3A_66 = vector.broadcast %broadcast_in_dim3A_65 : i32 to vector<4x128xi32>
    %slice3A_67 = vector.extract_strided_slice %add3A_64 {offsets = [0, 0], sizes = [2044, 128], strides = [1, 1]} : vector<2048x128xi32> to vector<2044x128xi32>
    %concatenate3A_68 = tpu.concatenate %broadcast_in_dim3A_66, %slice3A_67 in 0 : vector<4x128xi32>, vector<2044x128xi32> -> vector<2048x128xi32>
    %add3A_69 = arith.addi %add3A_64, %concatenate3A_68 : vector<2048x128xi32>
    %broadcast_in_dim3A_70 = arith.constant 0 : i32
    %broadcast_in_dim3A_71 = vector.broadcast %broadcast_in_dim3A_70 : i32 to vector<8x128xi32>
    %slice3A_72 = vector.extract_strided_slice %add3A_69 {offsets = [0, 0], sizes = [2040, 128], strides = [1, 1]} : vector<2048x128xi32> to vector<2040x128xi32>
    %concatenate3A_73 = tpu.concatenate %broadcast_in_dim3A_71, %slice3A_72 in 0 : vector<8x128xi32>, vector<2040x128xi32> -> vector<2048x128xi32>
    %add3A_74 = arith.addi %add3A_69, %concatenate3A_73 : vector<2048x128xi32>
    %broadcast_in_dim3A_75 = arith.constant 0 : i32
    %broadcast_in_dim3A_76 = vector.broadcast %broadcast_in_dim3A_75 : i32 to vector<16x128xi32>
    %slice3A_77 = vector.extract_strided_slice %add3A_74 {offsets = [0, 0], sizes = [2032, 128], strides = [1, 1]} : vector<2048x128xi32> to vector<2032x128xi32>
    %concatenate3A_78 = tpu.concatenate %broadcast_in_dim3A_76, %slice3A_77 in 0 : vector<16x128xi32>, vector<2032x128xi32> -> vector<2048x128xi32>
    %add3A_79 = arith.addi %add3A_74, %concatenate3A_78 : vector<2048x128xi32>
    %broadcast_in_dim3A_80 = arith.constant 0 : i32
    %broadcast_in_dim3A_81 = vector.broadcast %broadcast_in_dim3A_80 : i32 to vector<32x128xi32>
    %slice3A_82 = vector.extract_strided_slice %add3A_79 {offsets = [0, 0], sizes = [2016, 128], strides = [1, 1]} : vector<2048x128xi32> to vector<2016x128xi32>
    %concatenate3A_83 = tpu.concatenate %broadcast_in_dim3A_81, %slice3A_82 in 0 : vector<32x128xi32>, vector<2016x128xi32> -> vector<2048x128xi32>
    %add3A_84 = arith.addi %add3A_79, %concatenate3A_83 : vector<2048x128xi32>
    %broadcast_in_dim3A_85 = arith.constant 0 : i32
    %broadcast_in_dim3A_86 = vector.broadcast %broadcast_in_dim3A_85 : i32 to vector<64x128xi32>
    %slice3A_87 = vector.extract_strided_slice %add3A_84 {offsets = [0, 0], sizes = [1984, 128], strides = [1, 1]} : vector<2048x128xi32> to vector<1984x128xi32>
    %concatenate3A_88 = tpu.concatenate %broadcast_in_dim3A_86, %slice3A_87 in 0 : vector<64x128xi32>, vector<1984x128xi32> -> vector<2048x128xi32>
    %add3A_89 = arith.addi %add3A_84, %concatenate3A_88 : vector<2048x128xi32>
    %broadcast_in_dim3A_90 = arith.constant 0 : i32
    %broadcast_in_dim3A_91 = vector.broadcast %broadcast_in_dim3A_90 : i32 to vector<128x128xi32>
    %slice3A_92 = vector.extract_strided_slice %add3A_89 {offsets = [0, 0], sizes = [1920, 128], strides = [1, 1]} : vector<2048x128xi32> to vector<1920x128xi32>
    %concatenate3A_93 = tpu.concatenate %broadcast_in_dim3A_91, %slice3A_92 in 0 : vector<128x128xi32>, vector<1920x128xi32> -> vector<2048x128xi32>
    %add3A_94 = arith.addi %add3A_89, %concatenate3A_93 : vector<2048x128xi32>
    %broadcast_in_dim3A_95 = arith.constant 0 : i32
    %broadcast_in_dim3A_96 = vector.broadcast %broadcast_in_dim3A_95 : i32 to vector<256x128xi32>
    %slice3A_97 = vector.extract_strided_slice %add3A_94 {offsets = [0, 0], sizes = [1792, 128], strides = [1, 1]} : vector<2048x128xi32> to vector<1792x128xi32>
    %concatenate3A_98 = tpu.concatenate %broadcast_in_dim3A_96, %slice3A_97 in 0 : vector<256x128xi32>, vector<1792x128xi32> -> vector<2048x128xi32>
    %add3A_99 = arith.addi %add3A_94, %concatenate3A_98 : vector<2048x128xi32>
    %broadcast_in_dim3A_100 = arith.constant 0 : i32
    %broadcast_in_dim3A_101 = vector.broadcast %broadcast_in_dim3A_100 : i32 to vector<512x128xi32>
    %slice3A_102 = vector.extract_strided_slice %add3A_99 {offsets = [0, 0], sizes = [1536, 128], strides = [1, 1]} : vector<2048x128xi32> to vector<1536x128xi32>
    %concatenate3A_103 = tpu.concatenate %broadcast_in_dim3A_101, %slice3A_102 in 0 : vector<512x128xi32>, vector<1536x128xi32> -> vector<2048x128xi32>
    %add3A_104 = arith.addi %add3A_99, %concatenate3A_103 : vector<2048x128xi32>
    %broadcast_in_dim3A_105 = arith.constant 0 : i32
    %broadcast_in_dim3A_106 = vector.broadcast %broadcast_in_dim3A_105 : i32 to vector<1024x128xi32>
    %slice3A_107 = vector.extract_strided_slice %add3A_104 {offsets = [0, 0], sizes = [1024, 128], strides = [1, 1]} : vector<2048x128xi32> to vector<1024x128xi32>
    %concatenate3A_108 = tpu.concatenate %broadcast_in_dim3A_106, %slice3A_107 in 0 : vector<1024x128xi32>, vector<1024x128xi32> -> vector<2048x128xi32>
    %add3A_109 = arith.addi %add3A_104, %concatenate3A_108 : vector<2048x128xi32>
    %sub3A_110 = arith.subi %add3A_109, %add3A_56 : vector<2048x128xi32>
    %slice3A_111 = vector.extract_strided_slice %add3A_109 {offsets = [2047, 0], sizes = [1, 128], strides = [1, 1]} : vector<2048x128xi32> to vector<1x128xi32>
    %add3A_112 = arith.constant 255 : i32
    %add3A_113 = vector.broadcast %add3A_112 : i32 to vector<1x128xi32>
    %add3A_114 = arith.addi %slice3A_111, %add3A_113 : vector<1x128xi32>
    %jit3A_115 = arith.constant 256 : i32
    %div3A_116 = vector.broadcast %jit3A_115 : i32 to vector<1x128xi32>
    %div3A_117 = arith.divsi %add3A_114, %div3A_116 : vector<1x128xi32>
    %sign3A = arith.constant 0 : i32
    %sign3A_118 = vector.broadcast %sign3A : i32 to vector<1x128xi32>
    %sign3A_119 = arith.cmpi sgt, %add3A_114, %sign3A_118 : vector<1x128xi32>
    %sign3A_120 = arith.extui %sign3A_119 : vector<1x128xi1> to vector<1x128xi32>
    %sign3A_121 = arith.constant 0 : i32
    %sign3A_122 = vector.broadcast %sign3A_121 : i32 to vector<1x128xi32>
    %sign3A_123 = arith.cmpi slt, %add3A_114, %sign3A_122 : vector<1x128xi32>
    %sign3A_124 = arith.extui %sign3A_123 : vector<1x128xi1> to vector<1x128xi32>
    %sign3A_125 = arith.subi %sign3A_120, %sign3A_124 : vector<1x128xi32>
    %sign3A_126 = arith.constant 0 : i32
    %sign3A_127 = arith.cmpi sgt, %jit3A_115, %sign3A_126 : i32
    %sign3A_128 = arith.extui %sign3A_127 : i1 to i32
    %sign3A_129 = arith.constant 0 : i32
    %sign3A_130 = arith.cmpi slt, %jit3A_115, %sign3A_129 : i32
    %sign3A_131 = arith.extui %sign3A_130 : i1 to i32
    %sign3A_132 = arith.subi %sign3A_128, %sign3A_131 : i32
    %ne3A = vector.broadcast %sign3A_132 : i32 to vector<1x128xi32>
    %ne3A_133 = arith.cmpi ne, %sign3A_125, %ne3A : vector<1x128xi32>
    %rem3A = vector.broadcast %jit3A_115 : i32 to vector<1x128xi32>
    %rem3A_134 = arith.remsi %add3A_114, %rem3A : vector<1x128xi32>
    %ne3A_135 = arith.constant 0 : i32
    %ne3A_136 = vector.broadcast %ne3A_135 : i32 to vector<1x128xi32>
    %ne3A_137 = arith.cmpi ne, %rem3A_134, %ne3A_136 : vector<1x128xi32>
    %and3A = arith.andi %ne3A_133, %ne3A_137 : vector<1x128xi1>
    %sub3A_138 = arith.constant 1 : i32
    %sub3A_139 = vector.broadcast %sub3A_138 : i32 to vector<1x128xi32>
    %sub3A_140 = arith.subi %div3A_117, %sub3A_139 : vector<1x128xi32>
    %select_n3A_141 = arith.select %and3A, %sub3A_140, %div3A_117 : vector<1x128xi1>, vector<1x128xi32>
    %broadcast_in_dim3A_142 = arith.constant 0 : i32
    %broadcast_in_dim3A_143 = vector.broadcast %broadcast_in_dim3A_142 : i32 to vector<1x1xi32>
    %slice3A_144 = vector.extract_strided_slice %select_n3A_141 {offsets = [0, 0], sizes = [1, 127], strides = [1, 1]} : vector<1x128xi32> to vector<1x127xi32>
    %concatenate3A_145 = tpu.concatenate %broadcast_in_dim3A_143, %slice3A_144 in 1 : vector<1x1xi32>, vector<1x127xi32> -> vector<1x128xi32>
    %add3A_146 = arith.addi %select_n3A_141, %concatenate3A_145 : vector<1x128xi32>
    %broadcast_in_dim3A_147 = arith.constant 0 : i32
    %broadcast_in_dim3A_148 = vector.broadcast %broadcast_in_dim3A_147 : i32 to vector<1x2xi32>
    %slice3A_149 = vector.extract_strided_slice %add3A_146 {offsets = [0, 0], sizes = [1, 126], strides = [1, 1]} : vector<1x128xi32> to vector<1x126xi32>
    %concatenate3A_150 = tpu.concatenate %broadcast_in_dim3A_148, %slice3A_149 in 1 : vector<1x2xi32>, vector<1x126xi32> -> vector<1x128xi32>
    %add3A_151 = arith.addi %add3A_146, %concatenate3A_150 : vector<1x128xi32>
    %broadcast_in_dim3A_152 = arith.constant 0 : i32
    %broadcast_in_dim3A_153 = vector.broadcast %broadcast_in_dim3A_152 : i32 to vector<1x4xi32>
    %slice3A_154 = vector.extract_strided_slice %add3A_151 {offsets = [0, 0], sizes = [1, 124], strides = [1, 1]} : vector<1x128xi32> to vector<1x124xi32>
    %concatenate3A_155 = tpu.concatenate %broadcast_in_dim3A_153, %slice3A_154 in 1 : vector<1x4xi32>, vector<1x124xi32> -> vector<1x128xi32>
    %add3A_156 = arith.addi %add3A_151, %concatenate3A_155 : vector<1x128xi32>
    %broadcast_in_dim3A_157 = arith.constant 0 : i32
    %broadcast_in_dim3A_158 = vector.broadcast %broadcast_in_dim3A_157 : i32 to vector<1x8xi32>
    %slice3A_159 = vector.extract_strided_slice %add3A_156 {offsets = [0, 0], sizes = [1, 120], strides = [1, 1]} : vector<1x128xi32> to vector<1x120xi32>
    %concatenate3A_160 = tpu.concatenate %broadcast_in_dim3A_158, %slice3A_159 in 1 : vector<1x8xi32>, vector<1x120xi32> -> vector<1x128xi32>
    %add3A_161 = arith.addi %add3A_156, %concatenate3A_160 : vector<1x128xi32>
    %broadcast_in_dim3A_162 = arith.constant 0 : i32
    %broadcast_in_dim3A_163 = vector.broadcast %broadcast_in_dim3A_162 : i32 to vector<1x16xi32>
    %slice3A_164 = vector.extract_strided_slice %add3A_161 {offsets = [0, 0], sizes = [1, 112], strides = [1, 1]} : vector<1x128xi32> to vector<1x112xi32>
    %concatenate3A_165 = tpu.concatenate %broadcast_in_dim3A_163, %slice3A_164 in 1 : vector<1x16xi32>, vector<1x112xi32> -> vector<1x128xi32>
    %add3A_166 = arith.addi %add3A_161, %concatenate3A_165 : vector<1x128xi32>
    %broadcast_in_dim3A_167 = arith.constant 0 : i32
    %broadcast_in_dim3A_168 = vector.broadcast %broadcast_in_dim3A_167 : i32 to vector<1x32xi32>
    %slice3A_169 = vector.extract_strided_slice %add3A_166 {offsets = [0, 0], sizes = [1, 96], strides = [1, 1]} : vector<1x128xi32> to vector<1x96xi32>
    %concatenate3A_170 = tpu.concatenate %broadcast_in_dim3A_168, %slice3A_169 in 1 : vector<1x32xi32>, vector<1x96xi32> -> vector<1x128xi32>
    %add3A_171 = arith.addi %add3A_166, %concatenate3A_170 : vector<1x128xi32>
    %broadcast_in_dim3A_172 = arith.constant 0 : i32
    %broadcast_in_dim3A_173 = vector.broadcast %broadcast_in_dim3A_172 : i32 to vector<1x64xi32>
    %slice3A_174 = vector.extract_strided_slice %add3A_171 {offsets = [0, 0], sizes = [1, 64], strides = [1, 1]} : vector<1x128xi32> to vector<1x64xi32>
    %concatenate3A_175 = tpu.concatenate %broadcast_in_dim3A_173, %slice3A_174 in 1 : vector<1x64xi32>, vector<1x64xi32> -> vector<1x128xi32>
    %add3A_176 = arith.addi %add3A_171, %concatenate3A_175 : vector<1x128xi32>
    %sub3A_177 = arith.subi %add3A_176, %select_n3A_141 : vector<1x128xi32>
    %mul3A = arith.constant 256 : i32
    %mul3A_178 = vector.broadcast %mul3A : i32 to vector<1x128xi32>
    %mul3A_179 = arith.muli %sub3A_177, %mul3A_178 : vector<1x128xi32>
    %mul3A_180 = arith.muli %select_n3A_48, %sub3A_110 : vector<2048x128xi32>
    %reduce_sum3A = arith.constant dense<0> : vector<2048xi32>
    %reduce_sum3A_181 = vector.multi_reduction <add>, %mul3A_180, %reduce_sum3A [1] : vector<2048x128xi32> to vector<2048xi32>
    %broadcast_in_dim3A_182 = vector.shape_cast %reduce_sum3A_181 : vector<2048xi32> to vector<2048x1xi32>
    %mul3A_183 = arith.muli %select_n3A_55, %sub3A_110 : vector<2048x128xi32>
    %reduce_sum3A_184 = arith.constant dense<0> : vector<2048xi32>
    %reduce_sum3A_185 = vector.multi_reduction <add>, %mul3A_183, %reduce_sum3A_184 [1] : vector<2048x128xi32> to vector<2048xi32>
    %broadcast_in_dim3A_186 = vector.shape_cast %reduce_sum3A_185 : vector<2048xi32> to vector<2048x1xi32>
    %mul3A_187 = vector.broadcast %mul3A_179 : vector<1x128xi32> to vector<2048x128xi32>
    %mul3A_188 = arith.muli %select_n3A_48, %mul3A_187 : vector<2048x128xi32>
    %reduce_sum3A_189 = arith.constant dense<0> : vector<2048xi32>
    %reduce_sum3A_190 = vector.multi_reduction <add>, %mul3A_188, %reduce_sum3A_189 [1] : vector<2048x128xi32> to vector<2048xi32>
    %broadcast_in_dim3A_191 = vector.shape_cast %reduce_sum3A_190 : vector<2048xi32> to vector<2048x1xi32>
    %mul3A_192 = vector.broadcast %mul3A_179 : vector<1x128xi32> to vector<2048x128xi32>
    %mul3A_193 = arith.muli %select_n3A_55, %mul3A_192 : vector<2048x128xi32>
    %reduce_sum3A_194 = arith.constant dense<0> : vector<2048xi32>
    %reduce_sum3A_195 = vector.multi_reduction <add>, %mul3A_193, %reduce_sum3A_194 [1] : vector<2048x128xi32> to vector<2048xi32>
    %broadcast_in_dim3A_196 = vector.shape_cast %reduce_sum3A_195 : vector<2048xi32> to vector<2048x1xi32>
    %add3A_197 = arith.addi %broadcast_in_dim3A_182, %broadcast_in_dim3A_191 : vector<2048x1xi32>
    %add3A_198 = arith.addi %broadcast_in_dim3A_186, %broadcast_in_dim3A_196 : vector<2048x1xi32>
    %broadcast_in_dim3A_199 = vector.shape_cast %add3A_197 : vector<2048x1xi32> to vector<2048x1xi32>
    %broadcast_in_dim3A_200 = vector.broadcast %broadcast_in_dim3A_199 : vector<2048x1xi32> to vector<2048x128xi32>
    %swap3A = arith.constant 0 : index
    %swap3A_201 = arith.constant 0 : index
    %swap3A_202 = vector.load %arg2[%swap3A, %swap3A_201] : memref<2048x128xi32, #tpu.memory_space<vmem>>, vector<2048x128xi32>
    tpu.vector_store %arg2[%swap3A, %swap3A_201], %broadcast_in_dim3A_200 {strides = array<i32>} : memref<2048x128xi32, #tpu.memory_space<vmem>>, vector<2048x128xi32>,
    %broadcast_in_dim3A_203 = vector.shape_cast %add3A_198 : vector<2048x1xi32> to vector<2048x1xi32>
    %broadcast_in_dim3A_204 = vector.broadcast %broadcast_in_dim3A_203 : vector<2048x1xi32> to vector<2048x128xi32>
    %swap3A_205 = arith.constant 0 : index
    %swap3A_206 = arith.constant 0 : index
    %swap3A_207 = vector.load %arg3[%swap3A_205, %swap3A_206] : memref<2048x128xi32, #tpu.memory_space<vmem>>, vector<2048x128xi32>
    tpu.vector_store %arg3[%swap3A_205, %swap3A_206], %broadcast_in_dim3A_204 {strides = array<i32>} : memref<2048x128xi32, #tpu.memory_space<vmem>>, vector<2048x128xi32>,
    %broadcast_in_dim3A_208 = vector.shape_cast %div3A_38 : vector<2048x1xf32> to vector<2048x1xf32>
    %broadcast_in_dim3A_209 = vector.broadcast %broadcast_in_dim3A_208 : vector<2048x1xf32> to vector<2048x128xf32>
    %swap3A_210 = arith.constant 0 : index
    %swap3A_211 = arith.constant 0 : index
    %swap3A_212 = vector.load %arg4[%swap3A_210, %swap3A_211] : memref<2048x128xf32, #tpu.memory_space<vmem>>, vector<2048x128xf32>
    tpu.vector_store %arg4[%swap3A_210, %swap3A_211], %broadcast_in_dim3A_209 {strides = array<i32>} : memref<2048x128xf32, #tpu.memory_space<vmem>>, vector<2048x128xf32>,
    %broadcast_in_dim3A_213 = vector.shape_cast %sub3A_41 : vector<2048x1xf32> to vector<2048x1xf32>
    %broadcast_in_dim3A_214 = vector.broadcast %broadcast_in_dim3A_213 : vector<2048x1xf32> to vector<2048x128xf32>
    %swap3A_215 = arith.constant 0 : index
    %swap3A_216 = arith.constant 0 : index
    %swap3A_217 = vector.load %arg5[%swap3A_215, %swap3A_216] : memref<2048x128xf32, #tpu.memory_space<vmem>>, vector<2048x128xf32>
    tpu.vector_store %arg5[%swap3A_215, %swap3A_216], %broadcast_in_dim3A_214 {strides = array<i32>} : memref<2048x128xf32, #tpu.memory_space<vmem>>, vector<2048x128xf32>,
    %iota3A_218 = tpu.iota {dimensions = array<i32: 0>} : vector<32x128xi32>
    %iota3A_219 = tpu.iota {dimensions = array<i32: 1>} : vector<32x128xi32>
    %broadcast_in_dim3A_220 = vector.shape_cast %add3A_176 : vector<1x128xi32> to vector<1x128xi32>
    %broadcast_in_dim3A_221 = vector.broadcast %broadcast_in_dim3A_220 : vector<1x128xi32> to vector<32x128xi32>
    %ge3A = arith.cmpi sge, %iota3A_218, %broadcast_in_dim3A_221 : vector<32x128xi32>
    %lt3A_222 = arith.constant 8 : i32
    %lt3A_223 = vector.broadcast %lt3A_222 : i32 to vector<32x128xi32>
    %lt3A_224 = arith.cmpi slt, %iota3A_219, %lt3A_223 : vector<32x128xi32>
    %and3A_225 = arith.andi %ge3A, %lt3A_224 : vector<32x128xi1>
    %jit3A_226 = arith.constant 1 : i32
    %jit3A_227 = arith.constant 0 : i32
    %broadcast_in_dim3A_228 = vector.broadcast %jit3A_226 : i32 to vector<32x128xi32>
    %broadcast_in_dim3A_229 = vector.broadcast %jit3A_227 : i32 to vector<32x128xi32>
    %select_n3A_230 = arith.select %and3A_225, %broadcast_in_dim3A_228, %broadcast_in_dim3A_229 : vector<32x128xi1>, vector<32x128xi32>
    %reduce_sum3A_231 = arith.constant dense<0> : vector<32xi32>
    %reduce_sum3A_232 = vector.multi_reduction <add>, %select_n3A_230, %reduce_sum3A_231 [1] : vector<32x128xi32> to vector<32xi32>
    %broadcast_in_dim3A_233 = vector.shape_cast %reduce_sum3A_232 : vector<32xi32> to vector<32x1xi32>
    %broadcast_in_dim3A_234 = vector.shape_cast %broadcast_in_dim3A_233 : vector<32x1xi32> to vector<32x1xi32>
    %broadcast_in_dim3A_235 = vector.broadcast %broadcast_in_dim3A_234 : vector<32x1xi32> to vector<32x128xi32>
    %swap3A_236 = arith.constant 0 : index
    %swap3A_237 = arith.constant 0 : index
    %swap3A_238 = vector.load %arg6[%swap3A_236, %swap3A_237] : memref<32x128xi32, #tpu.memory_space<vmem>>, vector<32x128xi32>
    tpu.vector_store %arg6[%swap3A_236, %swap3A_237], %broadcast_in_dim3A_235 {strides = array<i32>} : memref<32x128xi32, #tpu.memory_space<vmem>>, vector<32x128xi32>,
    return
  }
}

module attributes {stable_mosaic.version = 14 : i64} {
  func.func @_gmm_body(%arg0: i32, %arg1: memref<24xi32, #tpu.memory_space<smem>>, %arg2: memref<256x1024xf32, #tpu.memory_space<vmem>>, %arg3: memref<1x1024x1024xf32, #tpu.memory_space<vmem>>, %arg4: memref<1x1024x1024xf32, #tpu.memory_space<vmem>>, %arg5: memref<256x128xf32, #tpu.memory_space<vmem>>, %arg6: memref<256x1024xf32, #tpu.memory_space<vmem>>) attributes {dimension_semantics = [#tpu.dimension_semantics<arbitrary>], iteration_bounds = array<i64: 24>, scalar_prefetch = 1 : i64, scratch_operands = 0 : i64, tpu.core_type = #tpu.core_type<tc>, window_params = [{transform_indices = @transform_0, window_bounds = array<i64: 256, 1024>}, {transform_indices = @transform_1, window_bounds = array<i64: 1, 1024, 1024>}, {transform_indices = @transform_2, window_bounds = array<i64: 1, 1024, 1024>}, {transform_indices = @transform_3, window_bounds = array<i64: 256, 128>}, {transform_indices = @transform_4, window_bounds = array<i64: 256, 1024>}]} {
    %get3A = arith.index_cast %arg0 : i32 to index
    %get3A_0 = memref.load %arg1[%get3A] : memref<24xi32, #tpu.memory_space<smem>>
    %lt3A = arith.constant 8 : i32
    %lt3A_1 = arith.cmpi slt, %get3A_0, %lt3A : i32
    %convert_element_type3A = arith.extui %lt3A_1 : i1 to i32
    %cond3A = arith.constant 0 : i32
    %cond3A_2 = arith.cmpi ne, %convert_element_type3A, %cond3A : i32
    scf.if %cond3A_2 {
      %get3A_3 = arith.constant 0 : index
      %get3A_4 = arith.constant 0 : index
      %get3A_5 = vector.load %arg2[%get3A_3, %get3A_4] : memref<256x1024xf32, #tpu.memory_space<vmem>>, vector<256x1024xf32>
      %get3A_6 = arith.constant 0 : index
      %get3A_7 = arith.constant 0 : index
      %get3A_8 = arith.constant 0 : index
      %get3A_9 = vector.load %arg3[%get3A_6, %get3A_7, %get3A_8] : memref<1x1024x1024xf32, #tpu.memory_space<vmem>>, vector<1x1024x1024xf32>
      %get3A_10 = vector.shape_cast %get3A_9 : vector<1x1024x1024xf32> to vector<1024x1024xf32>
      %dot_general3A = arith.constant dense<0.000000e+00> : vector<256x1024xf32>
      %dot_general3A_11 = tpu.matmul %get3A_5, %get3A_10, %dot_general3A {dimension_numbers = #tpu.dot_dimension_numbers<[1], [0], [0], [1], [0, 0, 1, 1], [], []>, transpose_lhs_hint = false} : vector<256x1024xf32>, vector<1024x1024xf32>, vector<256x1024xf32> -> vector<256x1024xf32>
      %integer_pow3A = arith.mulf %dot_general3A_11, %dot_general3A_11 : vector<256x1024xf32>
      %integer_pow3A_12 = arith.mulf %dot_general3A_11, %integer_pow3A : vector<256x1024xf32>
      %mul3A = arith.constant 4.471500e-02 : f32
      %mul3A_13 = vector.broadcast %mul3A : f32 to vector<256x1024xf32>
      %mul3A_14 = arith.mulf %mul3A_13, %integer_pow3A_12 : vector<256x1024xf32>
      %add3A = arith.addf %dot_general3A_11, %mul3A_14 : vector<256x1024xf32>
      %mul3A_15 = arith.constant 0.797884583 : f32
      %mul3A_16 = vector.broadcast %mul3A_15 : f32 to vector<256x1024xf32>
      %mul3A_17 = arith.mulf %mul3A_16, %add3A : vector<256x1024xf32>
      %tanh3A = math.tanh %mul3A_17 : vector<256x1024xf32>
      %add3A_18 = arith.constant 1.000000e+00 : f32
      %add3A_19 = vector.broadcast %add3A_18 : f32 to vector<256x1024xf32>
      %add3A_20 = arith.addf %add3A_19, %tanh3A : vector<256x1024xf32>
      %mul3A_21 = arith.constant 5.000000e-01 : f32
      %mul3A_22 = vector.broadcast %mul3A_21 : f32 to vector<256x1024xf32>
      %mul3A_23 = arith.mulf %mul3A_22, %add3A_20 : vector<256x1024xf32>
      %mul3A_24 = arith.mulf %dot_general3A_11, %mul3A_23 : vector<256x1024xf32>
      %get3A_25 = arith.constant 0 : index
      %get3A_26 = arith.constant 0 : index
      %get3A_27 = arith.constant 0 : index
      %get3A_28 = vector.load %arg4[%get3A_25, %get3A_26, %get3A_27] : memref<1x1024x1024xf32, #tpu.memory_space<vmem>>, vector<1x1024x1024xf32>
      %get3A_29 = vector.shape_cast %get3A_28 : vector<1x1024x1024xf32> to vector<1024x1024xf32>
      %dot_general3A_30 = arith.constant dense<0.000000e+00> : vector<256x1024xf32>
      %dot_general3A_31 = tpu.matmul %mul3A_24, %get3A_29, %dot_general3A_30 {dimension_numbers = #tpu.dot_dimension_numbers<[1], [0], [0], [1], [0, 0, 1, 1], [], []>, transpose_lhs_hint = false} : vector<256x1024xf32>, vector<1024x1024xf32>, vector<256x1024xf32> -> vector<256x1024xf32>
      %get3A_32 = arith.constant 0 : index
      %get3A_33 = arith.constant 0 : index
      %get3A_34 = vector.load %arg5[%get3A_32, %get3A_33] : memref<256x128xf32, #tpu.memory_space<vmem>>, vector<256x128xf32>
      %slice3A = vector.extract_strided_slice %get3A_34 {offsets = [0, 0], sizes = [256, 1], strides = [1, 1]} : vector<256x128xf32> to vector<256x1xf32>
      %mul3A_35 = vector.broadcast %slice3A : vector<256x1xf32> to vector<256x1024xf32>
      %mul3A_36 = arith.mulf %dot_general3A_31, %mul3A_35 : vector<256x1024xf32>
      %swap3A = arith.constant 0 : index
      %swap3A_37 = arith.constant 0 : index
      %swap3A_38 = vector.load %arg6[%swap3A, %swap3A_37] : memref<256x1024xf32, #tpu.memory_space<vmem>>, vector<256x1024xf32>
      tpu.vector_store %arg6[%swap3A, %swap3A_37], %mul3A_36 {strides = array<i32>} : memref<256x1024xf32, #tpu.memory_space<vmem>>, vector<256x1024xf32>,
    } else {
    }
    return
  }
  func.func @transform_0(%arg0: i32, %arg1: memref<24xi32, #tpu.memory_space<smem>>) -> (i32, i32) {
    %c0_i32 = arith.constant 0 : i32
    %c0_i32_0 = arith.constant 0 : i32
    return %arg0, %c0_i32 : i32, i32
  }
  func.func @transform_1(%arg0: i32, %arg1: memref<24xi32, #tpu.memory_space<smem>>) -> (i32, i32, i32) {
    %get3A = arith.index_cast %arg0 : i32 to index
    %get3A_0 = memref.load %arg1[%get3A] : memref<24xi32, #tpu.memory_space<smem>>
    %min3A = arith.constant 7 : i32
    %min3A_1 = arith.minsi %get3A_0, %min3A : i32
    %c0_i32 = arith.constant 0 : i32
    %c0_i32_2 = arith.constant 0 : i32
    %c0_i32_3 = arith.constant 0 : i32
    return %min3A_1, %c0_i32, %c0_i32_2 : i32, i32, i32
  }
  func.func @transform_2(%arg0: i32, %arg1: memref<24xi32, #tpu.memory_space<smem>>) -> (i32, i32, i32) {
    %get3A = arith.index_cast %arg0 : i32 to index
    %get3A_0 = memref.load %arg1[%get3A] : memref<24xi32, #tpu.memory_space<smem>>
    %min3A = arith.constant 7 : i32
    %min3A_1 = arith.minsi %get3A_0, %min3A : i32
    %c0_i32 = arith.constant 0 : i32
    %c0_i32_2 = arith.constant 0 : i32
    %c0_i32_3 = arith.constant 0 : i32
    return %min3A_1, %c0_i32, %c0_i32_2 : i32, i32, i32
  }
  func.func @transform_3(%arg0: i32, %arg1: memref<24xi32, #tpu.memory_space<smem>>) -> (i32, i32) {
    %c0_i32 = arith.constant 0 : i32
    %c0_i32_0 = arith.constant 0 : i32
    return %arg0, %c0_i32 : i32, i32
  }
  func.func @transform_4(%arg0: i32, %arg1: memref<24xi32, #tpu.memory_space<smem>>) -> (i32, i32) {
    %c0_i32 = arith.constant 0 : i32
    %c0_i32_0 = arith.constant 0 : i32
    return %arg0, %c0_i32 : i32, i32
  }
}

</mosaic_0001>

<sc_bundles>
// kernel: kernel.6.cloned.1.call-start
scs
__scs_entry_jumppad:
0x0: {  	(pc) =	sbr.rel $0x88, $3  }
0x1: {  	(tag) =	ssettag $0x0;
	lr =	simm.s32 $0x1  }
0x2: {  	[smem:$0x3F9D] =	sst lr;
	_ =	strace $0xD0000000  }
0x3: {  	_ = 	snop  }
0x4: {  	_ = 	snop  }
0x5: {  	_ = 	snop  }
0x6: {  	_ = 	snop  }
0x7: {  	_ = 	snop  }
__scs_overlays_trampoline_lowered:
0x8: {  	[smem:$0x3FAC] =	sst s0  }
0x9: {  	[smem:$0x3FAD] =	sst s1  }
0xa: {  	[smem:$0x3FAE] =	sst s2  }
0xb: {  	[smem:$0x3FAF] =	sst s3  }
0xc: {  	[smem:$0x3FB0] =	sst s4  }
0xd: {  	[smem:$0x3FB1] =	sst s5  }
0xe: {  	[smem:$0x3FB2] =	sst s6  }
0xf: {  	[smem:$0x3FB3] =	sst s7  }
0x10: {  	[smem:$0x3FB4] =	sst s8  }
0x11: {  	[smem:$0x3FB5] =	sst s9;
	s0 =	simm.s32 @!p0 $0x0  }
0x12: {  	s1 =	sld [smem:$0x3F9B];
	s0 =	simm.s32 @p0 $0x1  }
0x13: {  	[smem:$0x3FB6] =	sst s0;
	s0 =	simm.s32 @!p1 $0x0  }
0x14: {  	s2 =	sld [smem:$0x3F9A];
	s0 =	simm.s32 @p1 $0x1  }
0x15: {  	[smem:$0x3FB7] =	sst s0;
	s0 =	simm.s32 @!p2 $0x0  }
0x16: {  	s3 =	sld [smem:$0x3FDB];
	s0 =	simm.s32 @p2 $0x1  }
0x17: {  	s4 =	simm.s32 $0x1BF5;
	[smem:$0x3FB9] =	sst s0  }
0x18: {  	s0 =	sld [smem:$0x3F9C];
	_ =	swait.ge [sflag:s4], $0x0  }
0x19: {  	s7 =	sld [smem:$0x3F9D]  }
0x1a: {  	s8 =	sadd.s32 $0xFFFFE003, lr  }
0x1b: {  	s9 =	sadd.s32 $0xFFFFFEF7, lr;
	s5 =	simm.s32 $0xFFFFFFFF;
	p2 =	slt.u32 s8, $0xFFFFF086  }
0x1c: {  	p1 =	slt.u32 s9, $0xF7A;
	s5 =	simm.s32 @!p2 $0x0  }
0x1d: {  	s5 =	simm.s32 @p1 $0x1;
	p0 =	seq.s32 s7, s2  }
0x1e: {  	s7 =	smul.u32 @!p0 $0xF7A, s2;
	p2 =	seq.s32 @!p0 s5, $0x0  }
0x1f: {  	s9 =	smul.u32 $0xF7A, s1;
	s8 =	simm.s32 @!p0 $0x1BF5;
	p2 =	por !p2, p0  }
0x20: {  	[sflag:s8] =	ssyncset.s32 @!p0 $0xFFFFF086;
	s6 =	sadd.s32 @!p0 s3, s7;
	s7 =	simm.s32 @!p0 $0x108  }
0x21: {  	s3 =	sadd.s32 s3, s9;
	s6 =	sadd.s32 @!p0 $0x88, s6;
	s7 =	simm.s32 @p2 $0x1082  }
0x22: {  	[simem:s7], [sflag:s8] =	dma.local @!p0 [hbm:s6], $0xF7A  }
0x23: {  	s9 =	sor.u32 $0xD0000000, s2;
	s6 =	simm.s32 $0x108;
	_ =	swait.ge @!p0 [sflag:s8], $0x0  }
0x24: {  	s3 =	sadd.s32 $0x88, s3;
	s6 =	simm.s32 @!p1 $0x1082;
	[sflag:s4] =	ssyncset.s32 $0xFFFFF086  }
0x25: {  	[simem:s6], [sflag:s4] =	dma.local [hbm:s3], $0xF7A  }
0x26: {  	[smem:$0x3F9D] =	sst s1;
	(tag) =	ssettag s2;
	_ =	strace s9  }
0x27: {  	s1 =	sld [smem:$0x3FAD]  }
0x28: {  	s2 =	sld [smem:$0x3FAE]  }
0x29: {  	s4 =	sld [smem:$0x3FB0]  }
0x2a: {  	p0 =	seq.s32 s5, $0x0;
	s5 =	sld [smem:$0x3FB1]  }
0x2b: {  	s6 =	sld [smem:$0x3FB2]  }
0x2c: {  	s7 =	sld [smem:$0x3FB3]  }
0x2d: {  	s3 =	simm.s32 $0x108;
	s8 =	sld [smem:$0x3FB4]  }
0x2e: {  	s3 =	simm.s32 @!p0 $0x1082;
	s9 =	sld [smem:$0x3FB5]  }
0x2f: {  	lr =	sadd.s32 s0, s3;
	s0 =	sld [smem:$0x3FAC]  }
0x30: {  	s3 =	sld [smem:$0x3FAF]  }
0x31: {  	[smem:$0x3FB8] =	sst s10  }
0x32: {  	s10 =	sld [smem:$0x3FB6];
	_ =	sdelay $0x3  }
0x33: {  	p0 =	seq.s32 s10, $0x1;
	s10 =	sld [smem:$0x3FB8];
	_ =	sdelay $0x3  }
0x34: {  	[smem:$0x3FB8] =	sst s10  }
0x35: {  	s10 =	sld [smem:$0x3FB7];
	_ =	sdelay $0x3  }
0x36: {  	p1 =	seq.s32 s10, $0x1;
	s10 =	sld [smem:$0x3FB8];
	_ =	sdelay $0x3  }
0x37: {  	[smem:$0x3FB8] =	sst s10  }
0x38: {  	s10 =	sld [smem:$0x3FB9]  }
0x39: {  	_ = 	snop;
	(pc) =	sbr.ind lr, $3  }
0x3a: {  	_ = 	snop  }
0x3b: {  	_ = 	snop  }
0x3c: {  	p2 =	seq.s32 s10, $0x1;
	s10 =	sld [smem:$0x3FB8]  }
0x3d: {  	_ =	shalt  }
0x3e: {  	_ =	shalt  }
0x3f: {  	_ =	shalt  }
0x40: {  	_ =	shalt  }
0x41: {  	_ =	shalt  }
0x42: {  	_ =	shalt  }
0x43: {  	_ =	shalt  }
0x44: {  	_ =	shalt  }
0x45: {  	_ =	shalt  }
0x46: {  	_ =	shalt  }
0x47: {  	_ =	shalt  }
0x48: {  	_ =	shalt  }
0x49: {  	_ =	shalt  }
0x4a: {  	_ =	shalt  }
0x4b: {  	_ =	shalt  }
0x4c: {  	_ =	shalt  }
0x4d: {  	_ =	shalt  }
0x4e: {  	_ =	shalt  }
0x4f: {  	_ =	shalt  }
0x50: {  	_ =	shalt  }
0x51: {  	_ =	shalt  }
0x52: {  	_ =	shalt  }
0x53: {  	_ =	shalt  }
0x54: {  	_ =	shalt  }
0x55: {  	_ =	shalt  }
0x56: {  	_ =	shalt  }
0x57: {  	_ =	shalt  }
0x58: {  	_ =	shalt  }
0x59: {  	_ =	shalt  }
0x5a: {  	_ =	shalt  }
0x5b: {  	_ =	shalt  }
0x5c: {  	_ =	shalt  }
0x5d: {  	_ =	shalt  }
0x5e: {  	_ =	shalt  }
0x5f: {  	_ =	shalt  }
0x60: {  	_ =	shalt  }
0x61: {  	_ =	shalt  }
0x62: {  	_ =	shalt  }
0x63: {  	_ =	shalt  }
0x64: {  	_ =	shalt  }
0x65: {  	_ =	shalt  }
0x66: {  	_ =	shalt  }
0x67: {  	_ =	shalt  }
0x68: {  	_ =	shalt  }
0x69: {  	_ =	shalt  }
0x6a: {  	_ =	shalt  }
0x6b: {  	_ =	shalt  }
0x6c: {  	_ =	shalt  }
0x6d: {  	_ =	shalt  }
0x6e: {  	_ =	shalt  }
0x6f: {  	_ =	shalt  }
0x70: {  	_ =	shalt  }
0x71: {  	_ =	shalt  }
0x72: {  	_ =	shalt  }
0x73: {  	_ =	shalt  }
0x74: {  	_ =	shalt  }
0x75: {  	_ =	shalt  }
0x76: {  	_ =	shalt  }
0x77: {  	_ =	shalt  }
0x78: {  	_ =	shalt  }
0x79: {  	_ =	shalt  }
0x7a: {  	_ =	shalt  }
0x7b: {  	_ =	shalt  }
0x7c: {  	_ =	shalt  }
0x7d: {  	_ =	shalt  }
0x7e: {  	_ =	shalt  }
0x7f: {  	_ =	shalt  }
0x80: {  	_ =	shalt  }
0x81: {  	_ =	shalt  }
0x82: {  	_ =	shalt  }
0x83: {  	_ =	shalt  }
0x84: {  	_ =	shalt  }
0x85: {  	_ =	shalt  }
0x86: {  	_ =	shalt  }
0x87: {  	_ =	shalt  }
.Lfunc_end0:
.L_simem_size_0:
called_computation_lowered:
.L_overlay_start_0:
0x88: {  	s2 =	sld [smem:$0x3FD9]  }
0x89: {  	s3 =	sld [smem:$0x3FFE];
	_ =	sdelay $0x1  }
0x8a: {  	s1 =	srdreg.scid  }
0x8b: {  	s0 =	sand.u32 $0x1, s1  }
0x8c: {  	s17 =	sshll.u32 s0, $0xA;
	s2 =	sadd.s32 s3, s2  }
0x8d: {  	s2 =	sadd.s32 s2, s17  }
0x8e: {  	[smem:$0x3FC4] =	sst s2  }
0x8f: {  	_ = 	snop  }
0x90: {  	s2 =	sld [smem:$0x3FC9]  }
0x91: {  	s18 =	sld [smem:$0x3FD0];
	(tm) =	ssettm $0x1  }
0x92: {  	s4 =	sld [smem:$0x3FFB];
	_ =	sdelay $0x3  }
0x93: {  	_ =	strace s4  }
0x94: {  	s4 =	sld [smem:$0x3FFC];
	_ =	sdelay $0x3  }
0x95: {  	_ =	strace s4  }
0x96: {  	s4 =	sld [smem:$0x3FFD];
	_ =	sdelay $0x3  }
0x97: {  	_ =	strace s4  }
0x98: {  	_ =	strace $0x8FFFFFFF  }
0x99: {  	s19 =	sld [smem:$0x3FDB];
	_ =	sdelay $0x1  }
0x9a: {  	s5 =	simm.s32 $_scs_section_size  }
0x9b: {  	s6 =	simm.s32 $_size__tile_overlayer_lowered;
	s7 =	simm.s32 $_tile_overlayer_lowered  }
0x9c: {  	s22 =	simm.s32 $0x1BFF;
	s21 =	sshll.u32 s7, $0x1;
	s4 =	sadd.s32 s5, s19  }
0x9d: {  	s8 =	simm.s32 $0x0;
	s20 =	sshll.u32 s6, $0x1;
	s6 =	sadd.s32 s21, s4  }
0x9e: {  	[timem:s8], [sflag:s22] =	dma.local [hbm:s6], s20  }
0x9f: {  	_ =	swait.ge [sflag:s22], s20  }
0xa0: {  	s5 =	ssub.s32 $0x0, s20;
	[sflag:s22] =	ssyncset.done $0x0  }
0xa1: {  	[sflag:s22] =	ssyncadd.s32 s5;
	_ =	sdelay $0x1  }
0xa2: {  	s23 =	simm.s32 $0x1B8B  }
0xa3: {  	_ =	swait.ge [sflag:s23], $0x1  }
0xa4: {  	[sflag:s23] =	ssyncset.done $0x0  }
0xa5: {  	s25 =	simm.s32 $0x1B8E;
	s24 =	sld [smem:$0x3FFE];
	[sflag:s23] =	ssyncadd.s32 $0xFFFFFFFF  }
0xa6: {  	s26 =	simm.s32 $execute0_lowered;
	[smem:$0x3FD2] =	sst s25  }
0xa7: {  	s6 =	sshll.u32 s26, $0x1;
	_ =	strace $0x80000046;
	[dreg:$0x1] =	wrdreg $0xFFFFFFFF  }
0xa8: {  	s28 =	simm.s32 $_size_execute0_lowered;
	s4 =	sadd.s32 s4, s6;
	[dreg:$0x0] =	wrdreg $0x0  }
0xa9: {  	s6 =	sshll.u32 s28, $0x1;
	[dreg:$0x2] =	wrdreg s4  }
0xaa: {  	[dreg:$0x3] =	wrdreg s6  }
0xab: {  	[dreg:$0x4] =	wrdreg $0xC0  }
0xac: {  	_ =	task [dreg:s8], $0x5FFFF  }
0xad: {  	[dreg:$0x1] =	wrdreg $0xFFFFFFFF  }
0xae: {  	[dreg:$0x0] =	wrdreg $0x60  }
0xaf: {  	[dreg:$0x2] =	wrdreg s2  }
0xb0: {  	[dreg:$0x3] =	wrdreg s18  }
0xb1: {  	[dreg:$0x4] =	wrdreg s24  }
0xb2: {  	[dreg:$0x5] =	wrdreg $0x9  }
0xb3: {  	_ =	task.clear_ibuf [dreg:s8], $0x6FFFF;
	_ =	strace $0x90000046  }
0xb4: {  	s29 =	simm.s32 $0x9;
	_ =	strace $0x80000048  }
0xb5: {  	_ =	swait.ge [sflag:s29], $0x1  }
0xb6: {  	[sflag:s29] =	ssyncadd.s32 $0xFFFFFFFF  }
0xb7: {  	_ =	strace $0x90000048  }
0xb8: {  	_ =	sfence  }
0xb9: {  	s30 =	sld [smem:$0x0];
	_ =	sdelay $0x2  }
0xba: {  	s31 =	sshll.u32 s1, $0xD;
	s1 =	sshrl.u32 s1, $0x2  }
0xbb: {  	s3 =	sand.u32 $0x4000, s31;
	s1 =	sadd.s32 s1, s30  }
0xbc: {  	s0 =	sor.u32 s3, s0;
	s1 =	sshll.u32 s1, $0x11  }
0xbd: {  	s0 =	sor.u32 s1, s0  }
0xbe: {  	s0 =	sadd.s32 $0x8F2B, s0  }
0xbf: {  	[sflag:s0] =	ssyncadd.remote.s32 $0x1  }
0xc0: {  	_ =	sfence.sel $0xFFFF  }
0xc1: {  	[dreg:$0x0] =	wrdreg $0xFFFFFFFF;
	(pc) =	sbr.abs _section_cstart, $3  }
0xc2: {  	[dreg:$0x1] =	wrdreg $0xFFFFFFFF  }
0xc3: {  	_ =	task.clear_ibuf [dreg:s8], $0x2FFFF;
	_ =	strace $0x9FFFFFFF  }
0xc4: {  	(tm) =	ssettm $0x7FFFFFFF  }
0xc5: {  	_ =	shalt  }
tec
execute0_lowered:
.L_overlay_start_1:
0x0: {  	(tag) =	ssettag $0x1  }
0x1: {  	s0 =	rddreg [dreg:$0x0]  }
0x2: {  	s1 =	rddreg [dreg:$0x1]  }
0x3: {  	s6 =	rddreg [dreg:$0x2]  }
0x4: {  	s3 =	srdreg.scid;
	s5 =	stileid.u32  }
0x5: {  	s2 =	simm.s32 $0x0;
	s26 =	simm.s32 $0x80;
	s20 =	simm.s32 $0x100  }
0x6: {  	s28 =	simm.s32 $0x3900;
	s29 =	simm.s32 $0x4100;
	s30 =	simm.s32 $0x4900  }
0x7: {  	s31 =	simm.s32 $0x5100;
	s11 =	simm.s32 $0x6900;
	s12 =	simm.s32 $0x7100  }
0x8: {  	s13 =	simm.s32 $0x7900;
	s14 =	simm.s32 $0x8100;
	s15 =	simm.s32 $0x8900  }
0x9: {  	s16 =	simm.s32 $0x9100;
	s17 =	simm.s32 $0x9900;
	s18 =	simm.s32 $0xA100  }
0xa: {  	s19 =	simm.s32 $0xA900;
	s8 =	simm.s32 $0xB100;
	s9 =	simm.s32 $0xB900  }
0xb: {  	s10 =	simm.s32 $0xC100;
	s4 =	sand.u32 $0x1, s3;
	s21 =	sshll.u32 s5, $0x1  }
0xc: {  	[smem:$0x7FF] =	sst s2;
	s3 =	sadd.s32 $0x200, s6;
	s5 =	sor.u32 s4, s21  }
0xd: {  	_ =	strace $0x80000047;
	s4 =	ssub.s32 $0x2, s4;
	[dreg:$0x7] =	wrdreg s26  }
0xe: {  	s26 =	simm.s32 $0x3100;
	s7 =	sshll.u32 s5, $0xD;
	s5 =	sshll.u32 s5, $0x4  }
0xf: {  	s22 =	sshrl.u32 s4, $0x1;
	s0 =	sadd.s32 s0, s7;
	s23 =	sadd.s32 s1, s5  }
0x10: {  	s24 =	ssub.s32 s4, s22;
	s25 =	sadd.s32 s6, s5;
	[dreg:$0x4] =	wrdreg s0  }
0x11: {  	v2 =	vlaneseq.u32;
	s4 =	sadd.s32 $0x300, s6;
	s5 =	sadd.s32 $0x400, s6;
	[dreg:$0x5] =	wrdreg s23  }
0x12: {  	vm0 =	vmmov $0xffff;
	v1 =	vshrl.u32 v2, $0x3;
	s6 =	sadd.s32 $0x500, s6;
	[dreg:$0x6] =	wrdreg s25;
	s7 =	smax.u32 s24, $0x1  }
0x13: {  	v0 =	vand.u32 $0x7, v2;
	v2 =	vor.u32 $0x8, v2;
	v1 =	vmul.u32 $0x8, v1;
	s23 =	simm.s32 $0x1900;
	s24 =	simm.s32 $0x2100;
	s25 =	simm.s32 $0x2900  }
.LBB2_1:
0x14: {  	s21 =	rddreg [dreg:$0x4]  }
0x15: {  	[tilespmem:s20], [sflag:$0x1] =	stream.linear.gather [hbm4b:s21+s2], $0x10000, $0x38;
	[tilespmem:$0x10100] =	vst v63  }
0x16: {  	s22 =	rddreg [dreg:$0x5];
	s0 =	simm.s32 $0x3  }
0x17: {  	[tilespmem:s2], [sflag:$0x3] =	stream.linear.gather [hbm4b:s22+s2], $0x80, $0x38;
	[tilespmem:$0x10100] =	vst v63  }
0x18: {  	_ =	swait.ge [sflag:s0], $0x80  }
0x19: {  	s22 =	rddreg [dreg:$0x6];
	[sflag:s0] =	ssyncset.done $0x0  }
0x1a: {  	s1 =	rddreg [dreg:$0x7];
	[sflag:s0] =	ssyncadd.s32 $0xFFFFFF80  }
0x1b: {  	[tilespmem:s1], [sflag:$0x3] =	stream.linear.gather [hbm4b:s22+s2], $0x80, $0x38;
	[tilespmem:$0x10100] =	vst v63  }
0x1c: {  	_ =	swait.ge [sflag:s0], $0x80  }
0x1d: {  	[sflag:s0] =	ssyncset.done $0x0  }
0x1e: {  	[sflag:s0] =	ssyncadd.s32 $0xFFFFFF80;
	s0 =	simm.s32 $0x1  }
0x1f: {  	_ =	swait.ge [sflag:s0], $0x10000  }
0x20: {  	[sflag:s0] =	ssyncset.done $0x0  }
0x21: {  	[sflag:s0] =	ssyncadd.s32 $0xFFFF0000  }
0x22: {  	v3 =	vld [tilespmem:$0x0];
	_ =	sdelay $0x4  }
0x23: {  	v4 =	vshll.u32 v3, $0x3  }
0x24: {  	v3 =	vand.u32 $0x7, v3;
	v4 =	vand.u32 $0xFFFFFFC0, v4  }
0x25: {  	v3 =	vor.u32 v3, v4  }
0x26: {  	v4 =	vperm.xlane v3, v0;
	_ =	sdelay $0x1  }
0x27: {  	v4 =	vadd.s32 v1, v4;
	_ =	sdelay $0x4  }
0x28: {  	[hbm4b:s3+s2] =	stream.indirect_vreg.scatter [tilespmem:s20], [sflag:$0x1], $0x80, v4, vm0, $0xb8;
	[tilespmem:$0x10100] =	vst v63  }
0x29: {  	s21 =	simm.s32 $0x900;
	v3 =	vperm.xlane v3, v2  }
0x2a: {  	[hbm4b:s4+s2] =	stream.indirect_vreg.scatter [tilespmem:s21], [sflag:$0x1], $0x80, v4, vm0, $0xb8;
	[tilespmem:$0x10100] =	vst v63  }
0x2b: {  	s22 =	simm.s32 $0x1100;
	v3 =	vadd.s32 v1, v3  }
0x2c: {  	[hbm4b:s5+s2] =	stream.indirect_vreg.scatter [tilespmem:s22], [sflag:$0x1], $0x80, v4, vm0, $0xb8;
	[tilespmem:$0x10100] =	vst v63  }
0x2d: {  	_ = 	snop  }
0x2e: {  	[hbm4b:s6+s2] =	stream.indirect_vreg.scatter [tilespmem:s23], [sflag:$0x1], $0x80, v4, vm0, $0xb8;
	[tilespmem:$0x10100] =	vst v63  }
0x2f: {  	_ = 	snop  }
0x30: {  	[hbm4b:s3+s2] =	stream.indirect_vreg.scatter [tilespmem:s24], [sflag:$0x1], $0x80, v3, vm0, $0xb8;
	[tilespmem:$0x10100] =	vst v63  }
0x31: {  	_ = 	snop  }
0x32: {  	[hbm4b:s4+s2] =	stream.indirect_vreg.scatter [tilespmem:s25], [sflag:$0x1], $0x80, v3, vm0, $0xb8;
	[tilespmem:$0x10100] =	vst v63  }
0x33: {  	_ = 	snop  }
0x34: {  	[hbm4b:s5+s2] =	stream.indirect_vreg.scatter [tilespmem:s26], [sflag:$0x1], $0x80, v3, vm0, $0xb8;
	[tilespmem:$0x10100] =	vst v63  }
0x35: {  	_ = 	snop  }
0x36: {  	[hbm4b:s6+s2] =	stream.indirect_vreg.scatter [tilespmem:s28], [sflag:$0x1], $0x80, v3, vm0, $0xb8;
	[tilespmem:$0x10100] =	vst v63  }
0x37: {  	v3 =	vld [tilespmem:$0x10];
	_ =	sdelay $0x4  }
0x38: {  	v57 =	vshll.u32 v3, $0x3  }
0x39: {  	v3 =	vand.u32 $0x7, v3;
	v4 =	vand.u32 $0xFFFFFFC0, v57  }
0x3a: {  	v3 =	vor.u32 v3, v4  }
0x3b: {  	v4 =	vperm.xlane v3, v0;
	_ =	sdelay $0x1  }
0x3c: {  	v4 =	vadd.s32 v1, v4;
	_ =	sdelay $0x4  }
0x3d: {  	[hbm4b:s3+s2] =	stream.indirect_vreg.scatter [tilespmem:s29], [sflag:$0x1], $0x80, v4, vm0, $0xb8;
	[tilespmem:$0x10100] =	vst v63  }
0x3e: {  	v3 =	vperm.xlane v3, v2  }
0x3f: {  	[hbm4b:s4+s2] =	stream.indirect_vreg.scatter [tilespmem:s30], [sflag:$0x1], $0x80, v4, vm0, $0xb8;
	[tilespmem:$0x10100] =	vst v63  }
0x40: {  	v3 =	vadd.s32 v1, v3  }
0x41: {  	[hbm4b:s5+s2] =	stream.indirect_vreg.scatter [tilespmem:s31], [sflag:$0x1], $0x80, v4, vm0, $0xb8;
	[tilespmem:$0x10100] =	vst v63  }
0x42: {  	s1 =	simm.s32 $0x5900  }
0x43: {  	[hbm4b:s6+s2] =	stream.indirect_vreg.scatter [tilespmem:s1], [sflag:$0x1], $0x80, v4, vm0, $0xb8;
	[tilespmem:$0x10100] =	vst v63  }
0x44: {  	s1 =	simm.s32 $0x6100  }
0x45: {  	[hbm4b:s3+s2] =	stream.indirect_vreg.scatter [tilespmem:s1], [sflag:$0x1], $0x80, v3, vm0, $0xb8;
	[tilespmem:$0x10100] =	vst v63  }
0x46: {  	_ = 	snop  }
0x47: {  	[hbm4b:s4+s2] =	stream.indirect_vreg.scatter [tilespmem:s11], [sflag:$0x1], $0x80, v3, vm0, $0xb8;
	[tilespmem:$0x10100] =	vst v63  }
0x48: {  	_ = 	snop  }
0x49: {  	[hbm4b:s5+s2] =	stream.indirect_vreg.scatter [tilespmem:s12], [sflag:$0x1], $0x80, v3, vm0, $0xb8;
	[tilespmem:$0x10100] =	vst v63  }
0x4a: {  	_ = 	snop  }
0x4b: {  	[hbm4b:s6+s2] =	stream.indirect_vreg.scatter [tilespmem:s13], [sflag:$0x1], $0x80, v3, vm0, $0xb8;
	[tilespmem:$0x10100] =	vst v63  }
0x4c: {  	v3 =	vld [tilespmem:$0x20];
	_ =	sdelay $0x4  }
0x4d: {  	v58 =	vshll.u32 v3, $0x3  }
0x4e: {  	v3 =	vand.u32 $0x7, v3;
	v4 =	vand.u32 $0xFFFFFFC0, v58  }
0x4f: {  	v3 =	vor.u32 v3, v4  }
0x50: {  	v4 =	vperm.xlane v3, v0;
	_ =	sdelay $0x1  }
0x51: {  	v4 =	vadd.s32 v1, v4;
	_ =	sdelay $0x4  }
0x52: {  	[hbm4b:s3+s2] =	stream.indirect_vreg.scatter [tilespmem:s14], [sflag:$0x1], $0x80, v4, vm0, $0xb8;
	[tilespmem:$0x10100] =	vst v63  }
0x53: {  	v3 =	vperm.xlane v3, v2  }
0x54: {  	[hbm4b:s4+s2] =	stream.indirect_vreg.scatter [tilespmem:s15], [sflag:$0x1], $0x80, v4, vm0, $0xb8;
	[tilespmem:$0x10100] =	vst v63  }
0x55: {  	v3 =	vadd.s32 v1, v3  }
0x56: {  	[hbm4b:s5+s2] =	stream.indirect_vreg.scatter [tilespmem:s16], [sflag:$0x1], $0x80, v4, vm0, $0xb8;
	[tilespmem:$0x10100] =	vst v63  }
0x57: {  	_ = 	snop  }
0x58: {  	[hbm4b:s6+s2] =	stream.indirect_vreg.scatter [tilespmem:s17], [sflag:$0x1], $0x80, v4, vm0, $0xb8;
	[tilespmem:$0x10100] =	vst v63  }
0x59: {  	_ = 	snop  }
0x5a: {  	[hbm4b:s3+s2] =	stream.indirect_vreg.scatter [tilespmem:s18], [sflag:$0x1], $0x80, v3, vm0, $0xb8;
	[tilespmem:$0x10100] =	vst v63  }
0x5b: {  	_ = 	snop  }
0x5c: {  	[hbm4b:s4+s2] =	stream.indirect_vreg.scatter [tilespmem:s19], [sflag:$0x1], $0x80, v3, vm0, $0xb8;
	[tilespmem:$0x10100] =	vst v63  }
0x5d: {  	_ = 	snop  }
0x5e: {  	[hbm4b:s5+s2] =	stream.indirect_vreg.scatter [tilespmem:s8], [sflag:$0x1], $0x80, v3, vm0, $0xb8;
	[tilespmem:$0x10100] =	vst v63  }
0x5f: {  	_ = 	snop  }
0x60: {  	[hbm4b:s6+s2] =	stream.indirect_vreg.scatter [tilespmem:s9], [sflag:$0x1], $0x80, v3, vm0, $0xb8;
	[tilespmem:$0x10100] =	vst v63  }
0x61: {  	v3 =	vld [tilespmem:$0x30];
	_ =	sdelay $0x4  }
0x62: {  	v59 =	vshll.u32 v3, $0x3  }
0x63: {  	v3 =	vand.u32 $0x7, v3;
	v4 =	vand.u32 $0xFFFFFFC0, v59  }
0x64: {  	v3 =	vor.u32 v3, v4  }
0x65: {  	v4 =	vperm.xlane v3, v0;
	_ =	sdelay $0x1  }
0x66: {  	v4 =	vadd.s32 v1, v4;
	_ =	sdelay $0x4  }
0x67: {  	[hbm4b:s3+s2] =	stream.indirect_vreg.scatter [tilespmem:s10], [sflag:$0x1], $0x80, v4, vm0, $0xb8;
	[tilespmem:$0x10100] =	vst v63  }
0x68: {  	s1 =	simm.s32 $0xC900;
	v3 =	vperm.xlane v3, v2  }
0x69: {  	[hbm4b:s4+s2] =	stream.indirect_vreg.scatter [tilespmem:s1], [sflag:$0x1], $0x80, v4, vm0, $0xb8;
	[tilespmem:$0x10100] =	vst v63  }
0x6a: {  	v3 =	vadd.s32 v1, v3;
	s1 =	simm.s32 $0xD100  }
0x6b: {  	[hbm4b:s5+s2] =	stream.indirect_vreg.scatter [tilespmem:s1], [sflag:$0x1], $0x80, v4, vm0, $0xb8;
	[tilespmem:$0x10100] =	vst v63  }
0x6c: {  	s1 =	simm.s32 $0xD900  }
0x6d: {  	[hbm4b:s6+s2] =	stream.indirect_vreg.scatter [tilespmem:s1], [sflag:$0x1], $0x80, v4, vm0, $0xb8;
	[tilespmem:$0x10100] =	vst v63  }
0x6e: {  	s1 =	simm.s32 $0xE100  }
0x6f: {  	[hbm4b:s3+s2] =	stream.indirect_vreg.scatter [tilespmem:s1], [sflag:$0x1], $0x80, v3, vm0, $0xb8;
	[tilespmem:$0x10100] =	vst v63  }
0x70: {  	s1 =	simm.s32 $0xE900  }
0x71: {  	[hbm4b:s4+s2] =	stream.indirect_vreg.scatter [tilespmem:s1], [sflag:$0x1], $0x80, v3, vm0, $0xb8;
	[tilespmem:$0x10100] =	vst v63  }
0x72: {  	s1 =	simm.s32 $0xF100  }
0x73: {  	[hbm4b:s5+s2] =	stream.indirect_vreg.scatter [tilespmem:s1], [sflag:$0x1], $0x80, v3, vm0, $0xb8;
	[tilespmem:$0x10100] =	vst v63  }
0x74: {  	s1 =	simm.s32 $0xF900  }
0x75: {  	[hbm4b:s6+s2] =	stream.indirect_vreg.scatter [tilespmem:s1], [sflag:$0x1], $0x80, v3, vm0, $0xb8;
	[tilespmem:$0x10100] =	vst v63  }
0x76: {  	v3 =	vld [tilespmem:$0x80];
	_ =	sdelay $0x4  }
0x77: {  	v60 =	vshll.u32 v3, $0x3  }
0x78: {  	v3 =	vand.u32 $0x7, v3;
	v4 =	vand.u32 $0xFFFFFFC0, v60  }
0x79: {  	v3 =	vor.u32 v3, v4  }
0x7a: {  	v4 =	vperm.xlane v3, v0;
	_ =	sdelay $0x1  }
0x7b: {  	v4 =	vadd.s32 v1, v4;
	_ =	sdelay $0x4  }
0x7c: {  	[hbm4b:s3+s2] =	stream.indirect_vreg.scatter [tilespmem:s20], [sflag:$0x2], $0x80, v4, vm0, $0xb8;
	[tilespmem:$0x10100] =	vst v63  }
0x7d: {  	v3 =	vperm.xlane v3, v2  }
0x7e: {  	[hbm4b:s4+s2] =	stream.indirect_vreg.scatter [tilespmem:s21], [sflag:$0x2], $0x80, v4, vm0, $0xb8;
	[tilespmem:$0x10100] =	vst v63  }
0x7f: {  	v3 =	vadd.s32 v1, v3  }
0x80: {  	[hbm4b:s5+s2] =	stream.indirect_vreg.scatter [tilespmem:s22], [sflag:$0x2], $0x80, v4, vm0, $0xb8;
	[tilespmem:$0x10100] =	vst v63  }
0x81: {  	_ = 	snop  }
0x82: {  	[hbm4b:s6+s2] =	stream.indirect_vreg.scatter [tilespmem:s23], [sflag:$0x2], $0x80, v4, vm0, $0xb8;
	[tilespmem:$0x10100] =	vst v63  }
0x83: {  	_ = 	snop  }
0x84: {  	[hbm4b:s3+s2] =	stream.indirect_vreg.scatter [tilespmem:s24], [sflag:$0x2], $0x80, v3, vm0, $0xb8;
	[tilespmem:$0x10100] =	vst v63  }
0x85: {  	_ = 	snop  }
0x86: {  	[hbm4b:s4+s2] =	stream.indirect_vreg.scatter [tilespmem:s25], [sflag:$0x2], $0x80, v3, vm0, $0xb8;
	[tilespmem:$0x10100] =	vst v63  }
0x87: {  	_ = 	snop  }
0x88: {  	[hbm4b:s5+s2] =	stream.indirect_vreg.scatter [tilespmem:s26], [sflag:$0x2], $0x80, v3, vm0, $0xb8;
	[tilespmem:$0x10100] =	vst v63  }
0x89: {  	_ = 	snop  }
0x8a: {  	[hbm4b:s6+s2] =	stream.indirect_vreg.scatter [tilespmem:s28], [sflag:$0x2], $0x80, v3, vm0, $0xb8;
	[tilespmem:$0x10100] =	vst v63  }
0x8b: {  	v3 =	vld [tilespmem:$0x90];
	_ =	sdelay $0x4  }
0x8c: {  	v61 =	vshll.u32 v3, $0x3  }
0x8d: {  	v3 =	vand.u32 $0x7, v3;
	v4 =	vand.u32 $0xFFFFFFC0, v61  }
0x8e: {  	v3 =	vor.u32 v3, v4  }
0x8f: {  	v4 =	vperm.xlane v3, v0;
	_ =	sdelay $0x1  }
0x90: {  	v4 =	vadd.s32 v1, v4;
	_ =	sdelay $0x4  }
0x91: {  	[hbm4b:s3+s2] =	stream.indirect_vreg.scatter [tilespmem:s29], [sflag:$0x2], $0x80, v4, vm0, $0xb8;
	[tilespmem:$0x10100] =	vst v63  }
0x92: {  	v3 =	vperm.xlane v3, v2  }
0x93: {  	[hbm4b:s4+s2] =	stream.indirect_vreg.scatter [tilespmem:s30], [sflag:$0x2], $0x80, v4, vm0, $0xb8;
	[tilespmem:$0x10100] =	vst v63  }
0x94: {  	v3 =	vadd.s32 v1, v3  }
0x95: {  	[hbm4b:s5+s2] =	stream.indirect_vreg.scatter [tilespmem:s31], [sflag:$0x2], $0x80, v4, vm0, $0xb8;
	[tilespmem:$0x10100] =	vst v63  }
0x96: {  	s21 =	simm.s32 $0x5900  }
0x97: {  	[hbm4b:s6+s2] =	stream.indirect_vreg.scatter [tilespmem:s21], [sflag:$0x2], $0x80, v4, vm0, $0xb8;
	[tilespmem:$0x10100] =	vst v63  }
0x98: {  	s22 =	simm.s32 $0x6100  }
0x99: {  	[hbm4b:s3+s2] =	stream.indirect_vreg.scatter [tilespmem:s22], [sflag:$0x2], $0x80, v3, vm0, $0xb8;
	[tilespmem:$0x10100] =	vst v63  }
0x9a: {  	_ = 	snop  }
0x9b: {  	[hbm4b:s4+s2] =	stream.indirect_vreg.scatter [tilespmem:s11], [sflag:$0x2], $0x80, v3, vm0, $0xb8;
	[tilespmem:$0x10100] =	vst v63  }
0x9c: {  	_ = 	snop  }
0x9d: {  	[hbm4b:s5+s2] =	stream.indirect_vreg.scatter [tilespmem:s12], [sflag:$0x2], $0x80, v3, vm0, $0xb8;
	[tilespmem:$0x10100] =	vst v63  }
0x9e: {  	_ = 	snop  }
0x9f: {  	[hbm4b:s6+s2] =	stream.indirect_vreg.scatter [tilespmem:s13], [sflag:$0x2], $0x80, v3, vm0, $0xb8;
	[tilespmem:$0x10100] =	vst v63  }
0xa0: {  	v3 =	vld [tilespmem:$0xA0];
	_ =	sdelay $0x4  }
0xa1: {  	v62 =	vshll.u32 v3, $0x3  }
0xa2: {  	v3 =	vand.u32 $0x7, v3;
	v4 =	vand.u32 $0xFFFFFFC0, v62  }
0xa3: {  	v3 =	vor.u32 v3, v4  }
0xa4: {  	v4 =	vperm.xlane v3, v0;
	_ =	sdelay $0x1  }
0xa5: {  	v4 =	vadd.s32 v1, v4;
	_ =	sdelay $0x4  }
0xa6: {  	[hbm4b:s3+s2] =	stream.indirect_vreg.scatter [tilespmem:s14], [sflag:$0x2], $0x80, v4, vm0, $0xb8;
	[tilespmem:$0x10100] =	vst v63  }
0xa7: {  	v3 =	vperm.xlane v3, v2  }
0xa8: {  	[hbm4b:s4+s2] =	stream.indirect_vreg.scatter [tilespmem:s15], [sflag:$0x2], $0x80, v4, vm0, $0xb8;
	[tilespmem:$0x10100] =	vst v63  }
0xa9: {  	v3 =	vadd.s32 v1, v3  }
0xaa: {  	[hbm4b:s5+s2] =	stream.indirect_vreg.scatter [tilespmem:s16], [sflag:$0x2], $0x80, v4, vm0, $0xb8;
	[tilespmem:$0x10100] =	vst v63  }
0xab: {  	_ = 	snop  }
0xac: {  	[hbm4b:s6+s2] =	stream.indirect_vreg.scatter [tilespmem:s17], [sflag:$0x2], $0x80, v4, vm0, $0xb8;
	[tilespmem:$0x10100] =	vst v63  }
0xad: {  	_ = 	snop  }
0xae: {  	[hbm4b:s3+s2] =	stream.indirect_vreg.scatter [tilespmem:s18], [sflag:$0x2], $0x80, v3, vm0, $0xb8;
	[tilespmem:$0x10100] =	vst v63  }
0xaf: {  	_ = 	snop  }
0xb0: {  	[hbm4b:s4+s2] =	stream.indirect_vreg.scatter [tilespmem:s19], [sflag:$0x2], $0x80, v3, vm0, $0xb8;
	[tilespmem:$0x10100] =	vst v63  }
0xb1: {  	_ = 	snop  }
0xb2: {  	[hbm4b:s5+s2] =	stream.indirect_vreg.scatter [tilespmem:s8], [sflag:$0x2], $0x80, v3, vm0, $0xb8;
	[tilespmem:$0x10100] =	vst v63  }
0xb3: {  	_ = 	snop  }
0xb4: {  	[hbm4b:s6+s2] =	stream.indirect_vreg.scatter [tilespmem:s9], [sflag:$0x2], $0x80, v3, vm0, $0xb8;
	[tilespmem:$0x10100] =	vst v63  }
0xb5: {  	v3 =	vld [tilespmem:$0xB0];
	_ =	sdelay $0x4  }
0xb6: {  	v63 =	vshll.u32 v3, $0x3  }
0xb7: {  	v3 =	vand.u32 $0x7, v3;
	v4 =	vand.u32 $0xFFFFFFC0, v63  }
0xb8: {  	v3 =	vor.u32 v3, v4  }
0xb9: {  	v4 =	vperm.xlane v3, v0;
	_ =	sdelay $0x1  }
0xba: {  	v4 =	vadd.s32 v1, v4;
	_ =	sdelay $0x4  }
0xbb: {  	[hbm4b:s3+s2] =	stream.indirect_vreg.scatter [tilespmem:s10], [sflag:$0x2], $0x80, v4, vm0, $0xb8;
	[tilespmem:$0x10100] =	vst v63  }
0xbc: {  	s21 =	simm.s32 $0xC900;
	v3 =	vperm.xlane v3, v2  }
0xbd: {  	[hbm4b:s4+s2] =	stream.indirect_vreg.scatter [tilespmem:s21], [sflag:$0x2], $0x80, v4, vm0, $0xb8;
	[tilespmem:$0x10100] =	vst v63  }
0xbe: {  	s22 =	simm.s32 $0xD100;
	v3 =	vadd.s32 v1, v3  }
0xbf: {  	[hbm4b:s5+s2] =	stream.indirect_vreg.scatter [tilespmem:s22], [sflag:$0x2], $0x80, v4, vm0, $0xb8;
	[tilespmem:$0x10100] =	vst v63  }
0xc0: {  	s21 =	simm.s32 $0xD900  }
0xc1: {  	[hbm4b:s6+s2] =	stream.indirect_vreg.scatter [tilespmem:s21], [sflag:$0x2], $0x80, v4, vm0, $0xb8;
	[tilespmem:$0x10100] =	vst v63  }
0xc2: {  	s22 =	simm.s32 $0xE100  }
0xc3: {  	[hbm4b:s3+s2] =	stream.indirect_vreg.scatter [tilespmem:s22], [sflag:$0x2], $0x80, v3, vm0, $0xb8;
	[tilespmem:$0x10100] =	vst v63  }
0xc4: {  	s21 =	simm.s32 $0xE900  }
0xc5: {  	[hbm4b:s4+s2] =	stream.indirect_vreg.scatter [tilespmem:s21], [sflag:$0x2], $0x80, v3, vm0, $0xb8;
	[tilespmem:$0x10100] =	vst v63  }
0xc6: {  	s22 =	simm.s32 $0xF100  }
0xc7: {  	[hbm4b:s5+s2] =	stream.indirect_vreg.scatter [tilespmem:s22], [sflag:$0x2], $0x80, v3, vm0, $0xb8;
	[tilespmem:$0x10100] =	vst v63  }
0xc8: {  	s21 =	simm.s32 $0xF900  }
0xc9: {  	[hbm4b:s6+s2] =	stream.indirect_vreg.scatter [tilespmem:s21], [sflag:$0x2], $0x80, v3, vm0, $0xb8;
	[tilespmem:$0x10100] =	vst v63  }
0xca: {  	p0 =	sne.s32 s7, $0x1;
	_ =	swait.ge [sflag:s0], $0x10000  }
.Ltmp0:
0xcb: {  	[sflag:s0] =	ssyncset.done $0x0;
	(pc) =	sbr.rel @p0 .LBB2_1-.Ltmp0, $4  }
0xcc: {  	s22 =	simm.s32 $0x2;
	[sflag:s0] =	ssyncadd.s32 $0xFFFF0000  }
0xcd: {  	_ =	swait.ge [sflag:s22], $0x10000  }
0xce: {  	[sflag:s22] =	ssyncset.done $0x0  }
0xcf: {  	s7 =	sadd.s32 $0xFFFFFFFF, s7;
	[sflag:s22] =	ssyncadd.s32 $0xFFFF0000  }
0xd0: {  	_ =	sfence.sel $0x180000  }
0xd1: {  	[bflag:$0x0] =	sbarrier.arrive $0xFFFF  }
0xd2: {  	_ =	strace $0x90000047  }
0xd3: {  	s0 =	stileid.u32;
	[bflag:$0x2] =	sbarrier.arrive $0xFFFF  }
0xd4: {  	p0 =	sne.s32 s0, $0x0;
	s0 =	rddreg [dreg:$0x3]  }
0xd5: {  	s0 =	sadd.s32 @!p0 $0x100000, s0  }
0xd6: {  	[sflag:s0] =	ssyncadd.tile.s32 @!p0 $0x1;
	_ =	shalt  }
.Lfunc_end2:
_tile_overlayer_lowered:
.L_overlay_start_2:
0xd7: {  	(tag) =	ssettag $0x2  }
0xd8: {  	s0 =	rddreg [dreg:$0x0];
	s2 =	stileid.u32  }
0xd9: {  	s1 =	rddreg [dreg:$0x1];
	p0 =	sne.s32 s2, $0x0  }
0xda: {  	s3 =	rddreg [dreg:$0x2];
	[bflag:$0x3] =	sbarrier.arrive $0xFFFF;
	s2 =	simm.s32 @!p0 $0x1C03  }
0xdb: {  	[timem:s3], [sflag:s2] =	dma.local @!p0 [hbm:s0], s1  }
0xdc: {  	s0 =	simm.s32 @!p0 $0x3  }
0xdd: {  	_ =	swait.ge @!p0 [sflag:s0], s1  }
0xde: {  	s1 =	ssub.s32 @!p0 $0x0, s1;
	[sflag:s0] =	ssyncset.done @!p0 $0x0  }
0xdf: {  	[sflag:s0] =	ssyncadd.s32 @!p0 s1  }
0xe0: {  	[bflag:$0x3] =	sbarrier.arrive $0xFFFF  }
0xe1: {  	_ =	shalt  }

// kernel: kernel.9.cloned.1.call-start
scs
__scs_entry_jumppad:
0x0: {  	(pc) =	sbr.rel $0x88, $3  }
0x1: {  	(tag) =	ssettag $0x0;
	lr =	simm.s32 $0x1  }
0x2: {  	[smem:$0x3F9D] =	sst lr;
	_ =	strace $0xD0000000  }
0x3: {  	_ = 	snop  }
0x4: {  	_ = 	snop  }
0x5: {  	_ = 	snop  }
0x6: {  	_ = 	snop  }
0x7: {  	_ = 	snop  }
__scs_overlays_trampoline_lowered:
0x8: {  	[smem:$0x3FAC] =	sst s0  }
0x9: {  	[smem:$0x3FAD] =	sst s1  }
0xa: {  	[smem:$0x3FAE] =	sst s2  }
0xb: {  	[smem:$0x3FAF] =	sst s3  }
0xc: {  	[smem:$0x3FB0] =	sst s4  }
0xd: {  	[smem:$0x3FB1] =	sst s5  }
0xe: {  	[smem:$0x3FB2] =	sst s6  }
0xf: {  	[smem:$0x3FB3] =	sst s7  }
0x10: {  	[smem:$0x3FB4] =	sst s8  }
0x11: {  	[smem:$0x3FB5] =	sst s9;
	s0 =	simm.s32 @!p0 $0x0  }
0x12: {  	s1 =	sld [smem:$0x3F9B];
	s0 =	simm.s32 @p0 $0x1  }
0x13: {  	[smem:$0x3FB6] =	sst s0;
	s0 =	simm.s32 @!p1 $0x0  }
0x14: {  	s2 =	sld [smem:$0x3F9A];
	s0 =	simm.s32 @p1 $0x1  }
0x15: {  	[smem:$0x3FB7] =	sst s0;
	s0 =	simm.s32 @!p2 $0x0  }
0x16: {  	s3 =	sld [smem:$0x3FDB];
	s0 =	simm.s32 @p2 $0x1  }
0x17: {  	s4 =	simm.s32 $0x1BF5;
	[smem:$0x3FB9] =	sst s0  }
0x18: {  	s0 =	sld [smem:$0x3F9C];
	_ =	swait.ge [sflag:s4], $0x0  }
0x19: {  	s7 =	sld [smem:$0x3F9D]  }
0x1a: {  	s8 =	sadd.s32 $0xFFFFE003, lr  }
0x1b: {  	s9 =	sadd.s32 $0xFFFFFEF7, lr;
	s5 =	simm.s32 $0xFFFFFFFF;
	p2 =	slt.u32 s8, $0xFFFFF086  }
0x1c: {  	p1 =	slt.u32 s9, $0xF7A;
	s5 =	simm.s32 @!p2 $0x0  }
0x1d: {  	s5 =	simm.s32 @p1 $0x1;
	p0 =	seq.s32 s7, s2  }
0x1e: {  	s7 =	smul.u32 @!p0 $0xF7A, s2;
	p2 =	seq.s32 @!p0 s5, $0x0  }
0x1f: {  	s9 =	smul.u32 $0xF7A, s1;
	s8 =	simm.s32 @!p0 $0x1BF5;
	p2 =	por !p2, p0  }
0x20: {  	[sflag:s8] =	ssyncset.s32 @!p0 $0xFFFFF086;
	s6 =	sadd.s32 @!p0 s3, s7;
	s7 =	simm.s32 @!p0 $0x108  }
0x21: {  	s3 =	sadd.s32 s3, s9;
	s6 =	sadd.s32 @!p0 $0x88, s6;
	s7 =	simm.s32 @p2 $0x1082  }
0x22: {  	[simem:s7], [sflag:s8] =	dma.local @!p0 [hbm:s6], $0xF7A  }
0x23: {  	s9 =	sor.u32 $0xD0000000, s2;
	s6 =	simm.s32 $0x108;
	_ =	swait.ge @!p0 [sflag:s8], $0x0  }
0x24: {  	s3 =	sadd.s32 $0x88, s3;
	s6 =	simm.s32 @!p1 $0x1082;
	[sflag:s4] =	ssyncset.s32 $0xFFFFF086  }
0x25: {  	[simem:s6], [sflag:s4] =	dma.local [hbm:s3], $0xF7A  }
0x26: {  	[smem:$0x3F9D] =	sst s1;
	(tag) =	ssettag s2;
	_ =	strace s9  }
0x27: {  	s1 =	sld [smem:$0x3FAD]  }
0x28: {  	s2 =	sld [smem:$0x3FAE]  }
0x29: {  	s4 =	sld [smem:$0x3FB0]  }
0x2a: {  	p0 =	seq.s32 s5, $0x0;
	s5 =	sld [smem:$0x3FB1]  }
0x2b: {  	s6 =	sld [smem:$0x3FB2]  }
0x2c: {  	s7 =	sld [smem:$0x3FB3]  }
0x2d: {  	s3 =	simm.s32 $0x108;
	s8 =	sld [smem:$0x3FB4]  }
0x2e: {  	s3 =	simm.s32 @!p0 $0x1082;
	s9 =	sld [smem:$0x3FB5]  }
0x2f: {  	lr =	sadd.s32 s0, s3;
	s0 =	sld [smem:$0x3FAC]  }
0x30: {  	s3 =	sld [smem:$0x3FAF]  }
0x31: {  	[smem:$0x3FB8] =	sst s10  }
0x32: {  	s10 =	sld [smem:$0x3FB6];
	_ =	sdelay $0x3  }
0x33: {  	p0 =	seq.s32 s10, $0x1;
	s10 =	sld [smem:$0x3FB8];
	_ =	sdelay $0x3  }
0x34: {  	[smem:$0x3FB8] =	sst s10  }
0x35: {  	s10 =	sld [smem:$0x3FB7];
	_ =	sdelay $0x3  }
0x36: {  	p1 =	seq.s32 s10, $0x1;
	s10 =	sld [smem:$0x3FB8];
	_ =	sdelay $0x3  }
0x37: {  	[smem:$0x3FB8] =	sst s10  }
0x38: {  	s10 =	sld [smem:$0x3FB9]  }
0x39: {  	_ = 	snop;
	(pc) =	sbr.ind lr, $3  }
0x3a: {  	_ = 	snop  }
0x3b: {  	_ = 	snop  }
0x3c: {  	p2 =	seq.s32 s10, $0x1;
	s10 =	sld [smem:$0x3FB8]  }
0x3d: {  	_ =	shalt  }
0x3e: {  	_ =	shalt  }
0x3f: {  	_ =	shalt  }
0x40: {  	_ =	shalt  }
0x41: {  	_ =	shalt  }
0x42: {  	_ =	shalt  }
0x43: {  	_ =	shalt  }
0x44: {  	_ =	shalt  }
0x45: {  	_ =	shalt  }
0x46: {  	_ =	shalt  }
0x47: {  	_ =	shalt  }
0x48: {  	_ =	shalt  }
0x49: {  	_ =	shalt  }
0x4a: {  	_ =	shalt  }
0x4b: {  	_ =	shalt  }
0x4c: {  	_ =	shalt  }
0x4d: {  	_ =	shalt  }
0x4e: {  	_ =	shalt  }
0x4f: {  	_ =	shalt  }
0x50: {  	_ =	shalt  }
0x51: {  	_ =	shalt  }
0x52: {  	_ =	shalt  }
0x53: {  	_ =	shalt  }
0x54: {  	_ =	shalt  }
0x55: {  	_ =	shalt  }
0x56: {  	_ =	shalt  }
0x57: {  	_ =	shalt  }
0x58: {  	_ =	shalt  }
0x59: {  	_ =	shalt  }
0x5a: {  	_ =	shalt  }
0x5b: {  	_ =	shalt  }
0x5c: {  	_ =	shalt  }
0x5d: {  	_ =	shalt  }
0x5e: {  	_ =	shalt  }
0x5f: {  	_ =	shalt  }
0x60: {  	_ =	shalt  }
0x61: {  	_ =	shalt  }
0x62: {  	_ =	shalt  }
0x63: {  	_ =	shalt  }
0x64: {  	_ =	shalt  }
0x65: {  	_ =	shalt  }
0x66: {  	_ =	shalt  }
0x67: {  	_ =	shalt  }
0x68: {  	_ =	shalt  }
0x69: {  	_ =	shalt  }
0x6a: {  	_ =	shalt  }
0x6b: {  	_ =	shalt  }
0x6c: {  	_ =	shalt  }
0x6d: {  	_ =	shalt  }
0x6e: {  	_ =	shalt  }
0x6f: {  	_ =	shalt  }
0x70: {  	_ =	shalt  }
0x71: {  	_ =	shalt  }
0x72: {  	_ =	shalt  }
0x73: {  	_ =	shalt  }
0x74: {  	_ =	shalt  }
0x75: {  	_ =	shalt  }
0x76: {  	_ =	shalt  }
0x77: {  	_ =	shalt  }
0x78: {  	_ =	shalt  }
0x79: {  	_ =	shalt  }
0x7a: {  	_ =	shalt  }
0x7b: {  	_ =	shalt  }
0x7c: {  	_ =	shalt  }
0x7d: {  	_ =	shalt  }
0x7e: {  	_ =	shalt  }
0x7f: {  	_ =	shalt  }
0x80: {  	_ =	shalt  }
0x81: {  	_ =	shalt  }
0x82: {  	_ =	shalt  }
0x83: {  	_ =	shalt  }
0x84: {  	_ =	shalt  }
0x85: {  	_ =	shalt  }
0x86: {  	_ =	shalt  }
0x87: {  	_ =	shalt  }
.Lfunc_end0:
.L_simem_size_0:
called_computation.1_lowered:
.L_overlay_start_0:
0x88: {  	s2 =	sld [smem:$0x3FD9]  }
0x89: {  	s3 =	sld [smem:$0x3FFE];
	_ =	sdelay $0x1  }
0x8a: {  	s1 =	srdreg.scid  }
0x8b: {  	s0 =	sand.u32 $0x1, s1  }
0x8c: {  	s17 =	sshll.u32 s0, $0xA;
	s2 =	sadd.s32 s3, s2  }
0x8d: {  	s2 =	sadd.s32 s2, s17  }
0x8e: {  	[smem:$0x3FC4] =	sst s2  }
0x8f: {  	_ = 	snop  }
0x90: {  	s2 =	sld [smem:$0x3FD0];
	(tm) =	ssettm $0x1  }
0x91: {  	s18 =	sld [smem:$0x3FFB];
	_ =	sdelay $0x3  }
0x92: {  	_ =	strace s18  }
0x93: {  	s3 =	sld [smem:$0x3FFC];
	_ =	sdelay $0x3  }
0x94: {  	_ =	strace s3  }
0x95: {  	s3 =	sld [smem:$0x3FFD];
	_ =	sdelay $0x3  }
0x96: {  	_ =	strace s3  }
0x97: {  	_ =	strace $0x8FFFFFFF  }
0x98: {  	s19 =	sld [smem:$0x3FDB];
	_ =	sdelay $0x1  }
0x99: {  	s4 =	simm.s32 $_scs_section_size  }
0x9a: {  	s5 =	simm.s32 $_size__tile_overlayer_lowered;
	s6 =	simm.s32 $_tile_overlayer_lowered  }
0x9b: {  	s22 =	simm.s32 $0x1BFF;
	s21 =	sshll.u32 s6, $0x1;
	s3 =	sadd.s32 s4, s19  }
0x9c: {  	s7 =	simm.s32 $0x0;
	s20 =	sshll.u32 s5, $0x1;
	s5 =	sadd.s32 s21, s3  }
0x9d: {  	[timem:s7], [sflag:s22] =	dma.local [hbm:s5], s20  }
0x9e: {  	_ =	swait.ge [sflag:s22], s20  }
0x9f: {  	s4 =	ssub.s32 $0x0, s20;
	[sflag:s22] =	ssyncset.done $0x0  }
0xa0: {  	[sflag:s22] =	ssyncadd.s32 s4;
	_ =	sdelay $0x1  }
0xa1: {  	s23 =	simm.s32 $0x1B8B  }
0xa2: {  	_ =	swait.ge [sflag:s23], $0x1  }
0xa3: {  	[sflag:s23] =	ssyncset.done $0x0  }
0xa4: {  	s25 =	simm.s32 $0x1B8E;
	s24 =	sld [smem:$0x3FFE];
	[sflag:s23] =	ssyncadd.s32 $0xFFFFFFFF  }
0xa5: {  	s26 =	simm.s32 $execute0_lowered;
	[smem:$0x3FD2] =	sst s25  }
0xa6: {  	s5 =	sshll.u32 s26, $0x1;
	_ =	strace $0x80000049;
	[dreg:$0x1] =	wrdreg $0xFFFFFFFF  }
0xa7: {  	s28 =	simm.s32 $_size_execute0_lowered;
	s3 =	sadd.s32 s3, s5;
	[dreg:$0x0] =	wrdreg $0x0  }
0xa8: {  	s5 =	sshll.u32 s28, $0x1;
	[dreg:$0x2] =	wrdreg s3  }
0xa9: {  	[dreg:$0x3] =	wrdreg s5  }
0xaa: {  	[dreg:$0x4] =	wrdreg $0xC0  }
0xab: {  	_ =	task [dreg:s7], $0x5FFFF  }
0xac: {  	[dreg:$0x1] =	wrdreg $0xFFFFFFFF  }
0xad: {  	[dreg:$0x0] =	wrdreg $0x60  }
0xae: {  	[dreg:$0x2] =	wrdreg s24  }
0xaf: {  	[dreg:$0x3] =	wrdreg s2  }
0xb0: {  	[dreg:$0x4] =	wrdreg $0x9  }
0xb1: {  	_ =	task.clear_ibuf [dreg:s7], $0x5FFFF;
	_ =	strace $0x90000049  }
0xb2: {  	s29 =	simm.s32 $0x9;
	_ =	strace $0x8000004B  }
0xb3: {  	_ =	swait.ge [sflag:s29], $0x1  }
0xb4: {  	[sflag:s29] =	ssyncadd.s32 $0xFFFFFFFF  }
0xb5: {  	_ =	strace $0x9000004B  }
0xb6: {  	_ =	sfence  }
0xb7: {  	s30 =	sld [smem:$0x0];
	_ =	sdelay $0x2  }
0xb8: {  	s31 =	sshll.u32 s1, $0xD;
	s1 =	sshrl.u32 s1, $0x2  }
0xb9: {  	s3 =	sand.u32 $0x4000, s31;
	s1 =	sadd.s32 s1, s30  }
0xba: {  	s0 =	sor.u32 s3, s0;
	s1 =	sshll.u32 s1, $0x11  }
0xbb: {  	s0 =	sor.u32 s1, s0  }
0xbc: {  	s0 =	sadd.s32 $0x8F2B, s0  }
0xbd: {  	[sflag:s0] =	ssyncadd.remote.s32 $0x1  }
0xbe: {  	_ =	sfence.sel $0xFFFF  }
0xbf: {  	[dreg:$0x0] =	wrdreg $0xFFFFFFFF;
	(pc) =	sbr.abs _section_cstart, $3  }
0xc0: {  	[dreg:$0x1] =	wrdreg $0xFFFFFFFF  }
0xc1: {  	_ =	task.clear_ibuf [dreg:s7], $0x2FFFF;
	_ =	strace $0x9FFFFFFF  }
0xc2: {  	(tm) =	ssettm $0x7FFFFFFF  }
0xc3: {  	_ =	shalt  }
tec
execute0_lowered:
.L_overlay_start_1:
0x0: {  	(tag) =	ssettag $0x1  }
0x1: {  	s0 =	rddreg [dreg:$0x0];
	s1 =	srdreg.scid  }
0x2: {  	s2 =	stileid.u32;
	s4 =	rddreg [dreg:$0x1];
	s14 =	simm.s32 $0x7  }
0x3: {  	s16 =	simm.s32 $0x400;
	s15 =	simm.s32 $0x3;
	s17 =	simm.s32 $0x4400  }
0x4: {  	s10 =	simm.s32 $0xE400;
	s28 =	simm.s32 $0xEC00;
	s11 =	simm.s32 $0xF400  }
0x5: {  	s29 =	simm.s32 $0xFC00;
	s12 =	simm.s32 $0x2;
	s30 =	simm.s32 $0x4  }
0x6: {  	s13 =	simm.s32 $0x5;
	s1 =	sand.u32 $0x1, s1;
	s3 =	sshll.u32 s2, $0x1  }
0x7: {  	s31 =	simm.s32 $0x6;
	s2 =	simm.s32 $0x0;
	s5 =	sor.u32 s1, s3  }
0x8: {  	s8 =	sadd.s32 $0xC1500, s0;
	[smem:$0x7FF] =	sst s2;
	s3 =	sshll.u32 s5, $0x6  }
0x9: {  	s1 =	ssub.s32 $0x2, s1;
	_ =	strace $0x8000004A;
	s6 =	sadd.s32 s3, s0  }
0xa: {  	s7 =	sshrl.u32 s1, $0x1;
	s5 =	sshll.u32 s5, $0xD;
	s22 =	sadd.s32 $0xC0200, s6  }
0xb: {  	s9 =	sadd.s32 s4, s5;
	s6 =	sadd.s32 $0xC0A00, s6;
	[dreg:$0x3] =	wrdreg s22  }
0xc: {  	s3 =	sadd.s32 $0xC1200, s0;
	s23 =	sadd.s32 $0x800, s9;
	[dreg:$0x4] =	wrdreg s6  }
0xd: {  	s1 =	ssub.s32 s1, s7;
	s24 =	sadd.s32 $0x1000, s9;
	[dreg:$0x5] =	wrdreg s23  }
0xe: {  	s7 =	sadd.s32 $0xC1400, s0;
	s25 =	sadd.s32 $0x1800, s9;
	[dreg:$0x6] =	wrdreg s24  }
0xf: {  	v2 =	vlaneseq.u32;
	s26 =	smax.u32 s1, $0x1;
	s1 =	simm.s32 $0x0;
	[dreg:$0x7] =	wrdreg s25  }
0x10: {  	vm0 =	vmmov $0xffff;
	v1 =	vshrl.u32 v2, $0x3;
	s6 =	sadd.s32 $0xC1300, s0;
	[dreg:$0x8] =	wrdreg s26;
	s0 =	simm.s32 $0x1  }
0x11: {  	v0 =	vand.u32 $0x7, v2;
	v2 =	vor.u32 $0x8, v2;
	v1 =	vmul.u32 $0x8, v1;
	s24 =	simm.s32 $0xCC00;
	s25 =	simm.s32 $0xD400;
	s26 =	simm.s32 $0xDC00  }
.LBB2_1:
0x12: {  	s4 =	rddreg [dreg:$0x3]  }
0x13: {  	[tilespmem:s2], [sflag:$0x7] =	stream.linear.gather [hbm4b:s4+s2], $0x200, $0x38;
	[tilespmem:$0x10400] =	vst v63  }
0x14: {  	_ =	swait.ge [sflag:s14], $0x200  }
0x15: {  	[sflag:s14] =	ssyncset.done $0x0  }
0x16: {  	s5 =	simm.s32 $0x200;
	s19 =	rddreg [dreg:$0x4];
	[sflag:s14] =	ssyncadd.s32 $0xFFFFFE00  }
0x17: {  	[tilespmem:s5], [sflag:$0x7] =	stream.linear.gather [hbm4b:s19+s2], $0x200, $0x38;
	[tilespmem:$0x10400] =	vst v63  }
0x18: {  	_ =	swait.ge [sflag:s14], $0x200  }
0x19: {  	[sflag:s14] =	ssyncset.done $0x0  }
0x1a: {  	[sflag:s14] =	ssyncadd.s32 $0xFFFFFE00  }
0x1b: {  	v3 =	vld [tilespmem:$0x0];
	_ =	sdelay $0x4  }
0x1c: {  	v4 =	vshll.u32 v3, $0x3  }
0x1d: {  	v3 =	vand.u32 $0x7, v3;
	v4 =	vand.u32 $0xFFFFFFC0, v4  }
0x1e: {  	v3 =	vor.u32 v3, v4  }
0x1f: {  	v4 =	vperm.xlane v3, v0;
	_ =	sdelay $0x1  }
0x20: {  	v4 =	vadd.s32 v1, v4;
	_ =	sdelay $0x4  }
0x21: {  	[tilespmem:s16], [sflag:$0x1] =	stream.indirect_vreg.gather [hbm4b:s3+s2], $0x80, v4, vm0, $0xb8;
	[tilespmem:$0x10400] =	vst v63  }
0x22: {  	s20 =	simm.s32 $0xC00;
	v3 =	vperm.xlane v3, v2  }
0x23: {  	[tilespmem:s20], [sflag:$0x1] =	stream.indirect_vreg.gather [hbm4b:s6+s2], $0x80, v4, vm0, $0xb8;
	[tilespmem:$0x10400] =	vst v63  }
0x24: {  	s21 =	simm.s32 $0x1400;
	v3 =	vadd.s32 v1, v3  }
0x25: {  	[tilespmem:s21], [sflag:$0x1] =	stream.indirect_vreg.gather [hbm4b:s7+s2], $0x80, v4, vm0, $0xb8;
	[tilespmem:$0x10400] =	vst v63  }
0x26: {  	s22 =	simm.s32 $0x1C00  }
0x27: {  	[tilespmem:s22], [sflag:$0x1] =	stream.indirect_vreg.gather [hbm4b:s8+s2], $0x80, v4, vm0, $0xb8;
	[tilespmem:$0x10400] =	vst v63  }
0x28: {  	s23 =	simm.s32 $0x2400  }
0x29: {  	[tilespmem:s23], [sflag:$0x1] =	stream.indirect_vreg.gather [hbm4b:s3+s2], $0x80, v3, vm0, $0xb8;
	[tilespmem:$0x10400] =	vst v63  }
0x2a: {  	s5 =	simm.s32 $0x2C00  }
0x2b: {  	[tilespmem:s5], [sflag:$0x1] =	stream.indirect_vreg.gather [hbm4b:s6+s2], $0x80, v3, vm0, $0xb8;
	[tilespmem:$0x10400] =	vst v63  }
0x2c: {  	s18 =	simm.s32 $0x3400  }
0x2d: {  	[tilespmem:s18], [sflag:$0x1] =	stream.indirect_vreg.gather [hbm4b:s7+s2], $0x80, v3, vm0, $0xb8;
	[tilespmem:$0x10400] =	vst v63  }
0x2e: {  	s19 =	simm.s32 $0x3C00  }
0x2f: {  	[tilespmem:s19], [sflag:$0x1] =	stream.indirect_vreg.gather [hbm4b:s8+s2], $0x80, v3, vm0, $0xb8;
	[tilespmem:$0x10400] =	vst v63  }
0x30: {  	v3 =	vld [tilespmem:$0x200];
	_ =	sdelay $0x4  }
0x31: {  	v4 =	vshll.u32 v3, $0x3  }
0x32: {  	v3 =	vand.u32 $0x7, v3;
	v4 =	vand.u32 $0xFFFFFFC0, v4  }
0x33: {  	v3 =	vor.u32 v3, v4  }
0x34: {  	v4 =	vperm.xlane v3, v0;
	_ =	sdelay $0x1  }
0x35: {  	v4 =	vadd.s32 v1, v4;
	_ =	sdelay $0x3  }
0x36: {  	s20 =	simm.s32 $0x8400  }
0x37: {  	[tilespmem:s20], [sflag:$0x3] =	stream.indirect_vreg.gather [hbm4b:s3+s2], $0x80, v4, vm0, $0xb8;
	[tilespmem:$0x10400] =	vst v63  }
0x38: {  	s21 =	simm.s32 $0x8C00;
	v3 =	vperm.xlane v3, v2  }
0x39: {  	[tilespmem:s21], [sflag:$0x3] =	stream.indirect_vreg.gather [hbm4b:s6+s2], $0x80, v4, vm0, $0xb8;
	[tilespmem:$0x10400] =	vst v63  }
0x3a: {  	s22 =	simm.s32 $0x9400;
	v3 =	vadd.s32 v1, v3  }
0x3b: {  	[tilespmem:s22], [sflag:$0x3] =	stream.indirect_vreg.gather [hbm4b:s7+s2], $0x80, v4, vm0, $0xb8;
	[tilespmem:$0x10400] =	vst v63  }
0x3c: {  	s23 =	simm.s32 $0x9C00  }
0x3d: {  	[tilespmem:s23], [sflag:$0x3] =	stream.indirect_vreg.gather [hbm4b:s8+s2], $0x80, v4, vm0, $0xb8;
	[tilespmem:$0x10400] =	vst v63  }
0x3e: {  	s5 =	simm.s32 $0xA400  }
0x3f: {  	[tilespmem:s5], [sflag:$0x3] =	stream.indirect_vreg.gather [hbm4b:s3+s2], $0x80, v3, vm0, $0xb8;
	[tilespmem:$0x10400] =	vst v63  }
0x40: {  	s18 =	simm.s32 $0xAC00  }
0x41: {  	[tilespmem:s18], [sflag:$0x3] =	stream.indirect_vreg.gather [hbm4b:s6+s2], $0x80, v3, vm0, $0xb8;
	[tilespmem:$0x10400] =	vst v63  }
0x42: {  	s19 =	simm.s32 $0xB400  }
0x43: {  	[tilespmem:s19], [sflag:$0x3] =	stream.indirect_vreg.gather [hbm4b:s7+s2], $0x80, v3, vm0, $0xb8;
	[tilespmem:$0x10400] =	vst v63  }
0x44: {  	s20 =	simm.s32 $0xBC00  }
0x45: {  	[tilespmem:s20], [sflag:$0x3] =	stream.indirect_vreg.gather [hbm4b:s8+s2], $0x80, v3, vm0, $0xb8;
	[tilespmem:$0x10400] =	vst v63  }
0x46: {  	_ =	swait.ge [sflag:s0], $0x4000  }
0x47: {  	[sflag:s0] =	ssyncset.done $0x0  }
0x48: {  	[sflag:s0] =	ssyncadd.s32 $0xFFFFC000  }
0x49: {  	_ =	swait.ge [sflag:s15], $0x4000  }
0x4a: {  	[sflag:s15] =	ssyncset.done $0x0  }
0x4b: {  	[sflag:s15] =	ssyncadd.s32 $0xFFFFC000  }
0x4c: {  	v3 =	vld [tilespmem:$0x80];
	_ =	sdelay $0x4  }
0x4d: {  	v4 =	vshll.u32 v3, $0x3  }
0x4e: {  	v3 =	vand.u32 $0x7, v3;
	v4 =	vand.u32 $0xFFFFFFC0, v4  }
0x4f: {  	v3 =	vor.u32 v3, v4  }
0x50: {  	v4 =	vperm.xlane v3, v0;
	_ =	sdelay $0x1  }
0x51: {  	v4 =	vadd.s32 v1, v4;
	_ =	sdelay $0x4  }
0x52: {  	[tilespmem:s17], [sflag:$0x2] =	stream.indirect_vreg.gather [hbm4b:s3+s2], $0x80, v4, vm0, $0xb8;
	[tilespmem:$0x10400] =	vst v63  }
0x53: {  	s21 =	simm.s32 $0x4C00;
	v3 =	vperm.xlane v3, v2  }
0x54: {  	[tilespmem:s21], [sflag:$0x2] =	stream.indirect_vreg.gather [hbm4b:s6+s2], $0x80, v4, vm0, $0xb8;
	[tilespmem:$0x10400] =	vst v63  }
0x55: {  	s22 =	simm.s32 $0x5400;
	v3 =	vadd.s32 v1, v3  }
0x56: {  	[tilespmem:s22], [sflag:$0x2] =	stream.indirect_vreg.gather [hbm4b:s7+s2], $0x80, v4, vm0, $0xb8;
	[tilespmem:$0x10400] =	vst v63  }
0x57: {  	s23 =	simm.s32 $0x5C00  }
0x58: {  	[tilespmem:s23], [sflag:$0x2] =	stream.indirect_vreg.gather [hbm4b:s8+s2], $0x80, v4, vm0, $0xb8;
	[tilespmem:$0x10400] =	vst v63  }
0x59: {  	s5 =	simm.s32 $0x6400  }
0x5a: {  	[tilespmem:s5], [sflag:$0x2] =	stream.indirect_vreg.gather [hbm4b:s3+s2], $0x80, v3, vm0, $0xb8;
	[tilespmem:$0x10400] =	vst v63  }
0x5b: {  	s18 =	simm.s32 $0x6C00  }
0x5c: {  	[tilespmem:s18], [sflag:$0x2] =	stream.indirect_vreg.gather [hbm4b:s6+s2], $0x80, v3, vm0, $0xb8;
	[tilespmem:$0x10400] =	vst v63  }
0x5d: {  	s19 =	simm.s32 $0x7400  }
0x5e: {  	[tilespmem:s19], [sflag:$0x2] =	stream.indirect_vreg.gather [hbm4b:s7+s2], $0x80, v3, vm0, $0xb8;
	[tilespmem:$0x10400] =	vst v63  }
0x5f: {  	s20 =	simm.s32 $0x7C00  }
0x60: {  	[tilespmem:s20], [sflag:$0x2] =	stream.indirect_vreg.gather [hbm4b:s8+s2], $0x80, v3, vm0, $0xb8;
	[tilespmem:$0x10400] =	vst v63  }
0x61: {  	v3 =	vld [tilespmem:$0x280];
	_ =	sdelay $0x4  }
0x62: {  	v4 =	vshll.u32 v3, $0x3  }
0x63: {  	v3 =	vand.u32 $0x7, v3;
	v4 =	vand.u32 $0xFFFFFFC0, v4  }
0x64: {  	v3 =	vor.u32 v3, v4  }
0x65: {  	v4 =	vperm.xlane v3, v0;
	_ =	sdelay $0x1  }
0x66: {  	v4 =	vadd.s32 v1, v4;
	_ =	sdelay $0x3  }
0x67: {  	s21 =	simm.s32 $0xC400  }
0x68: {  	[tilespmem:s21], [sflag:$0x4] =	stream.indirect_vreg.gather [hbm4b:s3+s2], $0x80, v4, vm0, $0xb8;
	[tilespmem:$0x10400] =	vst v63  }
0x69: {  	v3 =	vperm.xlane v3, v2  }
0x6a: {  	[tilespmem:s24], [sflag:$0x4] =	stream.indirect_vreg.gather [hbm4b:s6+s2], $0x80, v4, vm0, $0xb8;
	[tilespmem:$0x10400] =	vst v63  }
0x6b: {  	v3 =	vadd.s32 v1, v3  }
0x6c: {  	[tilespmem:s25], [sflag:$0x4] =	stream.indirect_vreg.gather [hbm4b:s7+s2], $0x80, v4, vm0, $0xb8;
	[tilespmem:$0x10400] =	vst v63  }
0x6d: {  	_ = 	snop  }
0x6e: {  	[tilespmem:s26], [sflag:$0x4] =	stream.indirect_vreg.gather [hbm4b:s8+s2], $0x80, v4, vm0, $0xb8;
	[tilespmem:$0x10400] =	vst v63  }
0x6f: {  	_ = 	snop  }
0x70: {  	[tilespmem:s10], [sflag:$0x4] =	stream.indirect_vreg.gather [hbm4b:s3+s2], $0x80, v3, vm0, $0xb8;
	[tilespmem:$0x10400] =	vst v63  }
0x71: {  	_ = 	snop  }
0x72: {  	[tilespmem:s28], [sflag:$0x4] =	stream.indirect_vreg.gather [hbm4b:s6+s2], $0x80, v3, vm0, $0xb8;
	[tilespmem:$0x10400] =	vst v63  }
0x73: {  	s22 =	sand.u32 $0x70, s2;
	s23 =	sand.u32 $0x1C00, s2  }
0x74: {  	[tilespmem:s11], [sflag:$0x4] =	stream.indirect_vreg.gather [hbm4b:s7+s2], $0x80, v3, vm0, $0xb8;
	[tilespmem:$0x10400] =	vst v63  }
0x75: {  	s18 =	sor.u32 s22, s23  }
0x76: {  	[tilespmem:s29], [sflag:$0x4] =	stream.indirect_vreg.gather [hbm4b:s8+s2], $0x80, v3, vm0, $0xb8;
	[tilespmem:$0x10400] =	vst v63  }
0x77: {  	v3 =	vld [tilespmem:s18+$0x580]  }
0x78: {  	v4 =	vld [tilespmem:s18+$0x400]  }
0x79: {  	v5 =	vld [tilespmem:s18+$0x700]  }
0x7a: {  	v6 =	vld [tilespmem:s18+$0x600]  }
0x7b: {  	v7 =	vld [tilespmem:s18+$0x500]  }
0x7c: {  	v8 =	vld [tilespmem:s18+$0x680]  }
0x7d: {  	v9 =	vld [tilespmem:s18+$0x480]  }
0x7e: {  	v10 =	vld [tilespmem:s18+$0x8480]  }
0x7f: {  	s4 =	simm.s32 $0x10;
	s19 =	sor.u32 s2, s2;
	s20 =	simm.s32 $0x0;
	v11 =	vld [tilespmem:s18+$0x8680]  }
.LBB2_2:
0x80: {  	p0 =	sne.s32 s4, $0x3F0  }
0x81: {  	v12 =	vld [tilespmem:s18+$0x8580];
	s20 =	sadd.s32 $0x80, s20;
	s21 =	smov.u32 s4;
	s4 =	sadd.s32 $0x10, s4  }
0x82: {  	s5 =	sor.u32 s21, s20;
	v13 =	vld [tilespmem:s18+$0x8500]  }
0x83: {  	v14 =	vld [tilespmem:s18+$0x8600]  }
0x84: {  	v15 =	vld [tilespmem:s18+$0x8700]  }
0x85: {  	v9 =	vadd.f32 v10, v9;
	v16 =	vld [tilespmem:s18+$0x8400];
	v8 =	vadd.f32 v11, v8  }
0x86: {  	v3 =	vadd.f32 v12, v3  }
0x87: {  	v7 =	vadd.f32 v13, v7;
	[tilespmem:s18+$0x680] =	vst v8  }
0x88: {  	[tilespmem:s18+$0x580] =	vst v3;
	v3 =	vadd.f32 v14, v6  }
0x89: {  	[tilespmem:s18+$0x480] =	vst v9;
	v5 =	vadd.f32 v15, v5  }
0x8a: {  	v4 =	vadd.f32 v16, v4;
	[tilespmem:s18+$0x500] =	vst v7  }
0x8b: {  	[tilespmem:s18+$0x700] =	vst v5  }
0x8c: {  	[tilespmem:s18+$0x600] =	vst v3  }
0x8d: {  	s22 =	sor.u32 $0x380, s19;
	[tilespmem:s18+$0x400] =	vst v4  }
0x8e: {  	v3 =	vld [tilespmem:s22+$0x400]  }
0x8f: {  	v4 =	vld [tilespmem:s22+$0x8400];
	_ =	sdelay $0x4  }
0x90: {  	v3 =	vadd.f32 v4, v3;
	_ =	sdelay $0x1  }
0x91: {  	s21 =	sand.u32 $0x70, s21;
	s23 =	sand.u32 $0x1C00, s20;
	[tilespmem:s22+$0x400] =	vst v3  }
0x92: {  	s21 =	sor.u32 s21, s23;
	v3 =	vld [tilespmem:s18+$0x2400]  }
0x93: {  	v4 =	vld [tilespmem:s18+$0xA400]  }
0x94: {  	v5 =	vld [tilespmem:s18+$0x2480]  }
0x95: {  	v6 =	vld [tilespmem:s18+$0xA480]  }
0x96: {  	v7 =	vld [tilespmem:s18+$0xA700]  }
0x97: {  	v8 =	vld [tilespmem:s18+$0x2700]  }
0x98: {  	v3 =	vadd.f32 v4, v3;
	v4 =	vld [tilespmem:s18+$0xA680]  }
0x99: {  	v9 =	vld [tilespmem:s18+$0xA580]  }
0x9a: {  	[tilespmem:s18+$0x2400] =	vst v3;
	v3 =	vadd.f32 v6, v5;
	v5 =	vld [tilespmem:s18+$0xA600]  }
0x9b: {  	v6 =	vld [tilespmem:s18+$0x2680]  }
0x9c: {  	[tilespmem:s18+$0x2480] =	vst v3;
	v10 =	vld [tilespmem:s18+$0x2600];
	v3 =	vadd.f32 v7, v8  }
0x9d: {  	v7 =	vld [tilespmem:s18+$0x2580]  }
0x9e: {  	v8 =	vld [tilespmem:s18+$0xA500];
	[tilespmem:s18+$0x2700] =	vst v3  }
0x9f: {  	v11 =	vld [tilespmem:s18+$0x2500]  }
0xa0: {  	v3 =	vld [tilespmem:s21+$0x580];
	v4 =	vadd.f32 v4, v6  }
0xa1: {  	v5 =	vadd.f32 v5, v10  }
0xa2: {  	v6 =	vadd.f32 v9, v7;
	[tilespmem:s18+$0x2680] =	vst v4  }
0xa3: {  	[tilespmem:s18+$0x2600] =	vst v5  }
0xa4: {  	v4 =	vadd.f32 v8, v11  }
0xa5: {  	[tilespmem:s18+$0x2580] =	vst v6  }
0xa6: {  	s22 =	sor.u32 $0x2380, s19;
	s19 =	smov.u32 s5;
	[tilespmem:s18+$0x2500] =	vst v4;
	s18 =	smov.u32 s21  }
0xa7: {  	v8 =	vld [tilespmem:s22+$0x400]  }
0xa8: {  	v9 =	vld [tilespmem:s22+$0x8400];
	_ =	sdelay $0x1  }
0xa9: {  	v4 =	vld [tilespmem:s18+$0x400]  }
0xaa: {  	v5 =	vld [tilespmem:s18+$0x700]  }
0xab: {  	v6 =	vld [tilespmem:s18+$0x600]  }
.Ltmp0:
0xac: {  	v7 =	vld [tilespmem:s18+$0x500];
	v10 =	vadd.f32 v9, v8;
	(pc) =	sbr.rel @p0 .LBB2_2-.Ltmp0, $4  }
0xad: {  	v8 =	vld [tilespmem:s18+$0x680]  }
0xae: {  	v9 =	vld [tilespmem:s18+$0x480];
	[tilespmem:s22+$0x400] =	vst v10  }
0xaf: {  	v10 =	vld [tilespmem:s18+$0x8480]  }
0xb0: {  	v11 =	vld [tilespmem:s18+$0x8680]  }
0xb1: {  	v12 =	vld [tilespmem:s18+$0x8580]  }
0xb2: {  	v13 =	vld [tilespmem:s18+$0x8500]  }
0xb3: {  	v14 =	vld [tilespmem:s18+$0x8700]  }
0xb4: {  	v15 =	vld [tilespmem:s18+$0x8600];
	v9 =	vadd.f32 v10, v9  }
0xb5: {  	v8 =	vadd.f32 v11, v8;
	v11 =	vld [tilespmem:s18+$0x8400]  }
0xb6: {  	v3 =	vadd.f32 v12, v3;
	[tilespmem:s18+$0x480] =	vst v9  }
0xb7: {  	v7 =	vadd.f32 v13, v7;
	[tilespmem:s18+$0x680] =	vst v8  }
0xb8: {  	[tilespmem:s18+$0x580] =	vst v3;
	v3 =	vadd.f32 v14, v5  }
0xb9: {  	v5 =	vadd.f32 v15, v6;
	[tilespmem:s18+$0x500] =	vst v7  }
0xba: {  	v4 =	vadd.f32 v11, v4;
	[tilespmem:s18+$0x700] =	vst v3  }
0xbb: {  	[tilespmem:s18+$0x600] =	vst v5  }
0xbc: {  	s4 =	sor.u32 $0x380, s19;
	[tilespmem:s18+$0x400] =	vst v4  }
0xbd: {  	v3 =	vld [tilespmem:s4+$0x400]  }
0xbe: {  	v4 =	vld [tilespmem:s4+$0x8400];
	_ =	sdelay $0x4  }
0xbf: {  	v3 =	vadd.f32 v4, v3;
	_ =	sdelay $0x1  }
0xc0: {  	[tilespmem:s4+$0x400] =	vst v3  }
0xc1: {  	v3 =	vld [tilespmem:s18+$0x2400]  }
0xc2: {  	v4 =	vld [tilespmem:s18+$0xA400]  }
0xc3: {  	v5 =	vld [tilespmem:s18+$0x2480]  }
0xc4: {  	v6 =	vld [tilespmem:s18+$0xA480]  }
0xc5: {  	v7 =	vld [tilespmem:s18+$0xA700]  }
0xc6: {  	v8 =	vld [tilespmem:s18+$0xA580]  }
0xc7: {  	v9 =	vld [tilespmem:s18+$0x2700]  }
0xc8: {  	v10 =	vld [tilespmem:s18+$0x2600]  }
0xc9: {  	v11 =	vld [tilespmem:s18+$0xA500]  }
0xca: {  	v3 =	vadd.f32 v4, v3;
	v4 =	vld [tilespmem:s18+$0xA680]  }
0xcb: {  	v5 =	vadd.f32 v6, v5;
	v6 =	vld [tilespmem:s18+$0x2680]  }
0xcc: {  	[tilespmem:s18+$0x2400] =	vst v3;
	v3 =	vld [tilespmem:s18+$0xA600]  }
0xcd: {  	[tilespmem:s18+$0x2480] =	vst v5;
	v5 =	vld [tilespmem:s18+$0x2580]  }
0xce: {  	v63 =	vld [tilespmem:s18+$0x2500]  }
0xcf: {  	v7 =	vadd.f32 v7, v9  }
0xd0: {  	v4 =	vadd.f32 v4, v6  }
0xd1: {  	[tilespmem:s18+$0x2700] =	vst v7;
	v3 =	vadd.f32 v3, v10  }
0xd2: {  	v5 =	vadd.f32 v8, v5;
	[tilespmem:s18+$0x2680] =	vst v4  }
0xd3: {  	[tilespmem:s18+$0x2600] =	vst v3;
	v3 =	vadd.f32 v11, v63  }
0xd4: {  	[tilespmem:s18+$0x2580] =	vst v5  }
0xd5: {  	s19 =	sor.u32 $0x2380, s19;
	[tilespmem:s18+$0x2500] =	vst v3  }
0xd6: {  	v3 =	vld [tilespmem:s19+$0x400]  }
0xd7: {  	v4 =	vld [tilespmem:s19+$0x8400];
	_ =	sdelay $0x4  }
0xd8: {  	v3 =	vadd.f32 v4, v3;
	_ =	sdelay $0x1  }
0xd9: {  	[tilespmem:s19+$0x400] =	vst v3;
	s19 =	simm.s32 $0x0  }
0xda: {  	[hbm4b:s9+s19] =	stream.linear.scatter [tilespmem:s16], [sflag:$0x5], $0x4000, $0x38;
	[tilespmem:$0x10400] =	vst v63  }
0xdb: {  	_ =	swait.ge [sflag:s12], $0x4000  }
0xdc: {  	[sflag:s12] =	ssyncset.done $0x0  }
0xdd: {  	[sflag:s12] =	ssyncadd.s32 $0xFFFFC000  }
0xde: {  	_ =	swait.ge [sflag:s30], $0x4000  }
0xdf: {  	[sflag:s30] =	ssyncset.done $0x0  }
0xe0: {  	[sflag:s30] =	ssyncadd.s32 $0xFFFFC000  }
0xe1: {  	_ =	swait.ge [sflag:s13], $0x4000  }
0xe2: {  	[sflag:s13] =	ssyncset.done $0x0  }
0xe3: {  	[sflag:s13] =	ssyncadd.s32 $0xFFFFC000  }
0xe4: {  	v3 =	vld [tilespmem:$0x100];
	_ =	sdelay $0x4  }
0xe5: {  	v4 =	vshll.u32 v3, $0x3  }
0xe6: {  	v3 =	vand.u32 $0x7, v3;
	v4 =	vand.u32 $0xFFFFFFC0, v4  }
0xe7: {  	v3 =	vor.u32 v3, v4  }
0xe8: {  	v4 =	vperm.xlane v3, v0;
	_ =	sdelay $0x1  }
0xe9: {  	v4 =	vadd.s32 v1, v4;
	_ =	sdelay $0x4  }
0xea: {  	[tilespmem:s16], [sflag:$0x1] =	stream.indirect_vreg.gather [hbm4b:s3+s19], $0x80, v4, vm0, $0xb8;
	[tilespmem:$0x10400] =	vst v63  }
0xeb: {  	s20 =	simm.s32 $0xC00;
	v3 =	vperm.xlane v3, v2  }
0xec: {  	[tilespmem:s20], [sflag:$0x1] =	stream.indirect_vreg.gather [hbm4b:s6+s19], $0x80, v4, vm0, $0xb8;
	[tilespmem:$0x10400] =	vst v63  }
0xed: {  	s21 =	simm.s32 $0x1400;
	v3 =	vadd.s32 v1, v3  }
0xee: {  	[tilespmem:s21], [sflag:$0x1] =	stream.indirect_vreg.gather [hbm4b:s7+s19], $0x80, v4, vm0, $0xb8;
	[tilespmem:$0x10400] =	vst v63  }
0xef: {  	s22 =	simm.s32 $0x1C00  }
0xf0: {  	[tilespmem:s22], [sflag:$0x1] =	stream.indirect_vreg.gather [hbm4b:s8+s19], $0x80, v4, vm0, $0xb8;
	[tilespmem:$0x10400] =	vst v63  }
0xf1: {  	s23 =	simm.s32 $0x2400  }
0xf2: {  	[tilespmem:s23], [sflag:$0x1] =	stream.indirect_vreg.gather [hbm4b:s3+s19], $0x80, v3, vm0, $0xb8;
	[tilespmem:$0x10400] =	vst v63  }
0xf3: {  	s5 =	simm.s32 $0x2C00  }
0xf4: {  	[tilespmem:s5], [sflag:$0x1] =	stream.indirect_vreg.gather [hbm4b:s6+s19], $0x80, v3, vm0, $0xb8;
	[tilespmem:$0x10400] =	vst v63  }
0xf5: {  	s18 =	simm.s32 $0x3400  }
0xf6: {  	[tilespmem:s18], [sflag:$0x1] =	stream.indirect_vreg.gather [hbm4b:s7+s19], $0x80, v3, vm0, $0xb8;
	[tilespmem:$0x10400] =	vst v63  }
0xf7: {  	s20 =	simm.s32 $0x3C00  }
0xf8: {  	[tilespmem:s20], [sflag:$0x1] =	stream.indirect_vreg.gather [hbm4b:s8+s19], $0x80, v3, vm0, $0xb8;
	[tilespmem:$0x10400] =	vst v63  }
0xf9: {  	v3 =	vld [tilespmem:$0x300];
	_ =	sdelay $0x4  }
0xfa: {  	v4 =	vshll.u32 v3, $0x3  }
0xfb: {  	v3 =	vand.u32 $0x7, v3;
	v4 =	vand.u32 $0xFFFFFFC0, v4  }
0xfc: {  	v3 =	vor.u32 v3, v4  }
0xfd: {  	v4 =	vperm.xlane v3, v0;
	_ =	sdelay $0x1  }
0xfe: {  	v4 =	vadd.s32 v1, v4;
	_ =	sdelay $0x3  }
0xff: {  	s21 =	simm.s32 $0x8400  }
0x100: {  	[tilespmem:s21], [sflag:$0x3] =	stream.indirect_vreg.gather [hbm4b:s3+s19], $0x80, v4, vm0, $0xb8;
	[tilespmem:$0x10400] =	vst v63  }
0x101: {  	s22 =	simm.s32 $0x8C00;
	v3 =	vperm.xlane v3, v2  }
0x102: {  	[tilespmem:s22], [sflag:$0x3] =	stream.indirect_vreg.gather [hbm4b:s6+s19], $0x80, v4, vm0, $0xb8;
	[tilespmem:$0x10400] =	vst v63  }
0x103: {  	s23 =	simm.s32 $0x9400;
	v3 =	vadd.s32 v1, v3  }
0x104: {  	[tilespmem:s23], [sflag:$0x3] =	stream.indirect_vreg.gather [hbm4b:s7+s19], $0x80, v4, vm0, $0xb8;
	[tilespmem:$0x10400] =	vst v63  }
0x105: {  	s5 =	simm.s32 $0x9C00  }
0x106: {  	[tilespmem:s5], [sflag:$0x3] =	stream.indirect_vreg.gather [hbm4b:s8+s19], $0x80, v4, vm0, $0xb8;
	[tilespmem:$0x10400] =	vst v63  }
0x107: {  	s18 =	simm.s32 $0xA400  }
0x108: {  	[tilespmem:s18], [sflag:$0x3] =	stream.indirect_vreg.gather [hbm4b:s3+s19], $0x80, v3, vm0, $0xb8;
	[tilespmem:$0x10400] =	vst v63  }
0x109: {  	s20 =	simm.s32 $0xAC00  }
0x10a: {  	[tilespmem:s20], [sflag:$0x3] =	stream.indirect_vreg.gather [hbm4b:s6+s19], $0x80, v3, vm0, $0xb8;
	[tilespmem:$0x10400] =	vst v63  }
0x10b: {  	s21 =	simm.s32 $0xB400;
	s23 =	sand.u32 $0x70, s19;
	s5 =	sand.u32 $0x1C00, s19  }
0x10c: {  	[tilespmem:s21], [sflag:$0x3] =	stream.indirect_vreg.gather [hbm4b:s7+s19], $0x80, v3, vm0, $0xb8;
	[tilespmem:$0x10400] =	vst v63  }
0x10d: {  	s22 =	simm.s32 $0xBC00;
	s18 =	sor.u32 s23, s5  }
0x10e: {  	[tilespmem:s22], [sflag:$0x3] =	stream.indirect_vreg.gather [hbm4b:s8+s19], $0x80, v3, vm0, $0xb8;
	[tilespmem:$0x10400] =	vst v63  }
0x10f: {  	v3 =	vld [tilespmem:s18+$0x4580]  }
0x110: {  	v4 =	vld [tilespmem:s18+$0x4400]  }
0x111: {  	v5 =	vld [tilespmem:s18+$0x4700]  }
0x112: {  	v6 =	vld [tilespmem:s18+$0x4600]  }
0x113: {  	v7 =	vld [tilespmem:s18+$0x4500]  }
0x114: {  	v8 =	vld [tilespmem:s18+$0x4680]  }
0x115: {  	v9 =	vld [tilespmem:s18+$0x4480]  }
0x116: {  	v10 =	vld [tilespmem:s18+$0xC480]  }
0x117: {  	s4 =	sor.u32 s19, s19;
	s20 =	simm.s32 $0x10;
	v11 =	vld [tilespmem:s18+$0xC680]  }
.LBB2_4:
0x118: {  	p0 =	sne.s32 s20, $0x3F0  }
0x119: {  	v12 =	vld [tilespmem:s18+$0xC580];
	s19 =	sadd.s32 $0x80, s19;
	s21 =	smov.u32 s20;
	s20 =	sadd.s32 $0x10, s20  }
0x11a: {  	s5 =	sor.u32 s21, s19;
	v13 =	vld [tilespmem:s18+$0xC500]  }
0x11b: {  	v14 =	vld [tilespmem:s18+$0xC600]  }
0x11c: {  	v15 =	vld [tilespmem:s18+$0xC700]  }
0x11d: {  	v9 =	vadd.f32 v10, v9;
	v16 =	vld [tilespmem:s18+$0xC400];
	v8 =	vadd.f32 v11, v8  }
0x11e: {  	v3 =	vadd.f32 v12, v3  }
0x11f: {  	v7 =	vadd.f32 v13, v7;
	[tilespmem:s18+$0x4680] =	vst v8  }
0x120: {  	[tilespmem:s18+$0x4580] =	vst v3;
	v3 =	vadd.f32 v14, v6  }
0x121: {  	[tilespmem:s18+$0x4480] =	vst v9;
	v5 =	vadd.f32 v15, v5  }
0x122: {  	v4 =	vadd.f32 v16, v4;
	[tilespmem:s18+$0x4500] =	vst v7  }
0x123: {  	[tilespmem:s18+$0x4700] =	vst v5  }
0x124: {  	[tilespmem:s18+$0x4600] =	vst v3  }
0x125: {  	s22 =	sor.u32 $0x380, s4;
	[tilespmem:s18+$0x4400] =	vst v4  }
0x126: {  	v3 =	vld [tilespmem:s22+$0x4400]  }
0x127: {  	v4 =	vld [tilespmem:s22+$0xC400];
	_ =	sdelay $0x4  }
0x128: {  	v3 =	vadd.f32 v4, v3;
	_ =	sdelay $0x1  }
0x129: {  	s21 =	sand.u32 $0x70, s21;
	s23 =	sand.u32 $0x1C00, s19;
	[tilespmem:s22+$0x4400] =	vst v3  }
0x12a: {  	s21 =	sor.u32 s21, s23;
	v3 =	vld [tilespmem:s18+$0x6400]  }
0x12b: {  	v4 =	vld [tilespmem:s18+$0xE400]  }
0x12c: {  	v5 =	vld [tilespmem:s18+$0x6480]  }
0x12d: {  	v6 =	vld [tilespmem:s18+$0xE480]  }
0x12e: {  	v7 =	vld [tilespmem:s18+$0xE700]  }
0x12f: {  	v8 =	vld [tilespmem:s18+$0x6700]  }
0x130: {  	v3 =	vadd.f32 v4, v3;
	v4 =	vld [tilespmem:s18+$0xE680]  }
0x131: {  	v9 =	vld [tilespmem:s18+$0xE580]  }
0x132: {  	[tilespmem:s18+$0x6400] =	vst v3;
	v3 =	vadd.f32 v6, v5;
	v5 =	vld [tilespmem:s18+$0xE600]  }
0x133: {  	v6 =	vld [tilespmem:s18+$0x6680]  }
0x134: {  	[tilespmem:s18+$0x6480] =	vst v3;
	v10 =	vld [tilespmem:s18+$0x6600];
	v3 =	vadd.f32 v7, v8  }
0x135: {  	v7 =	vld [tilespmem:s18+$0x6580]  }
0x136: {  	v8 =	vld [tilespmem:s18+$0xE500];
	[tilespmem:s18+$0x6700] =	vst v3  }
0x137: {  	v11 =	vld [tilespmem:s18+$0x6500]  }
0x138: {  	v3 =	vld [tilespmem:s21+$0x4580];
	v4 =	vadd.f32 v4, v6  }
0x139: {  	v5 =	vadd.f32 v5, v10  }
0x13a: {  	v6 =	vadd.f32 v9, v7;
	[tilespmem:s18+$0x6680] =	vst v4  }
0x13b: {  	[tilespmem:s18+$0x6600] =	vst v5  }
0x13c: {  	v4 =	vadd.f32 v8, v11  }
0x13d: {  	[tilespmem:s18+$0x6580] =	vst v6  }
0x13e: {  	s22 =	sor.u32 $0x2380, s4;
	s4 =	smov.u32 s5;
	[tilespmem:s18+$0x6500] =	vst v4;
	s18 =	smov.u32 s21  }
0x13f: {  	v8 =	vld [tilespmem:s22+$0x4400]  }
0x140: {  	v9 =	vld [tilespmem:s22+$0xC400];
	_ =	sdelay $0x1  }
0x141: {  	v4 =	vld [tilespmem:s18+$0x4400]  }
0x142: {  	v5 =	vld [tilespmem:s18+$0x4700]  }
0x143: {  	v6 =	vld [tilespmem:s18+$0x4600]  }
.Ltmp1:
0x144: {  	v7 =	vld [tilespmem:s18+$0x4500];
	v10 =	vadd.f32 v9, v8;
	(pc) =	sbr.rel @p0 .LBB2_4-.Ltmp1, $4  }
0x145: {  	v8 =	vld [tilespmem:s18+$0x4680]  }
0x146: {  	v9 =	vld [tilespmem:s18+$0x4480];
	[tilespmem:s22+$0x4400] =	vst v10  }
0x147: {  	v10 =	vld [tilespmem:s18+$0xC480]  }
0x148: {  	v11 =	vld [tilespmem:s18+$0xC680]  }
0x149: {  	v12 =	vld [tilespmem:s18+$0xC580]  }
0x14a: {  	v13 =	vld [tilespmem:s18+$0xC500]  }
0x14b: {  	v14 =	vld [tilespmem:s18+$0xC700]  }
0x14c: {  	v15 =	vld [tilespmem:s18+$0xC600];
	v9 =	vadd.f32 v10, v9  }
0x14d: {  	v8 =	vadd.f32 v11, v8;
	v11 =	vld [tilespmem:s18+$0xC400]  }
0x14e: {  	v3 =	vadd.f32 v12, v3;
	[tilespmem:s18+$0x4480] =	vst v9  }
0x14f: {  	v7 =	vadd.f32 v13, v7;
	[tilespmem:s18+$0x4680] =	vst v8  }
0x150: {  	[tilespmem:s18+$0x4580] =	vst v3;
	v3 =	vadd.f32 v14, v5  }
0x151: {  	v5 =	vadd.f32 v15, v6;
	[tilespmem:s18+$0x4500] =	vst v7  }
0x152: {  	v4 =	vadd.f32 v11, v4;
	[tilespmem:s18+$0x4700] =	vst v3  }
0x153: {  	[tilespmem:s18+$0x4600] =	vst v5  }
0x154: {  	s5 =	sor.u32 $0x380, s4;
	[tilespmem:s18+$0x4400] =	vst v4  }
0x155: {  	v3 =	vld [tilespmem:s5+$0x4400]  }
0x156: {  	v4 =	vld [tilespmem:s5+$0xC400];
	_ =	sdelay $0x4  }
0x157: {  	v3 =	vadd.f32 v4, v3;
	_ =	sdelay $0x1  }
0x158: {  	[tilespmem:s5+$0x4400] =	vst v3  }
0x159: {  	v3 =	vld [tilespmem:s18+$0x6400]  }
0x15a: {  	v4 =	vld [tilespmem:s18+$0xE400]  }
0x15b: {  	v5 =	vld [tilespmem:s18+$0x6480]  }
0x15c: {  	v6 =	vld [tilespmem:s18+$0xE480]  }
0x15d: {  	v7 =	vld [tilespmem:s18+$0xE700]  }
0x15e: {  	v8 =	vld [tilespmem:s18+$0xE580]  }
0x15f: {  	v9 =	vld [tilespmem:s18+$0x6700]  }
0x160: {  	v10 =	vld [tilespmem:s18+$0x6600]  }
0x161: {  	v11 =	vld [tilespmem:s18+$0xE500]  }
0x162: {  	v3 =	vadd.f32 v4, v3;
	v4 =	vld [tilespmem:s18+$0xE680]  }
0x163: {  	v5 =	vadd.f32 v6, v5;
	v6 =	vld [tilespmem:s18+$0x6680]  }
0x164: {  	[tilespmem:s18+$0x6400] =	vst v3;
	v3 =	vld [tilespmem:s18+$0xE600]  }
0x165: {  	[tilespmem:s18+$0x6480] =	vst v5;
	v5 =	vld [tilespmem:s18+$0x6580]  }
0x166: {  	v63 =	vld [tilespmem:s18+$0x6500]  }
0x167: {  	v7 =	vadd.f32 v7, v9  }
0x168: {  	v4 =	vadd.f32 v4, v6  }
0x169: {  	[tilespmem:s18+$0x6700] =	vst v7;
	v3 =	vadd.f32 v3, v10  }
0x16a: {  	v5 =	vadd.f32 v8, v5;
	[tilespmem:s18+$0x6680] =	vst v4  }
0x16b: {  	[tilespmem:s18+$0x6600] =	vst v3;
	v3 =	vadd.f32 v11, v63  }
0x16c: {  	[tilespmem:s18+$0x6580] =	vst v5  }
0x16d: {  	s5 =	sor.u32 $0x2380, s4;
	[tilespmem:s18+$0x6500] =	vst v3  }
0x16e: {  	v3 =	vld [tilespmem:s5+$0x4400]  }
0x16f: {  	v4 =	vld [tilespmem:s5+$0xC400];
	_ =	sdelay $0x4  }
0x170: {  	v3 =	vadd.f32 v4, v3;
	_ =	sdelay $0x1  }
0x171: {  	s19 =	simm.s32 $0x0;
	s18 =	rddreg [dreg:$0x5];
	[tilespmem:s5+$0x4400] =	vst v3  }
0x172: {  	[hbm4b:s18+s19] =	stream.linear.scatter [tilespmem:s17], [sflag:$0x6], $0x4000, $0x38;
	[tilespmem:$0x10400] =	vst v63  }
0x173: {  	_ =	swait.ge [sflag:s0], $0x4000  }
0x174: {  	[sflag:s0] =	ssyncset.done $0x0  }
0x175: {  	[sflag:s0] =	ssyncadd.s32 $0xFFFFC000  }
0x176: {  	_ =	swait.ge [sflag:s15], $0x4000  }
0x177: {  	[sflag:s15] =	ssyncset.done $0x0  }
0x178: {  	[sflag:s15] =	ssyncadd.s32 $0xFFFFC000  }
0x179: {  	_ =	swait.ge [sflag:s31], $0x4000  }
0x17a: {  	[sflag:s31] =	ssyncset.done $0x0  }
0x17b: {  	[sflag:s31] =	ssyncadd.s32 $0xFFFFC000  }
0x17c: {  	v3 =	vld [tilespmem:$0x180];
	_ =	sdelay $0x4  }
0x17d: {  	v4 =	vshll.u32 v3, $0x3  }
0x17e: {  	v3 =	vand.u32 $0x7, v3;
	v4 =	vand.u32 $0xFFFFFFC0, v4  }
0x17f: {  	v3 =	vor.u32 v3, v4  }
0x180: {  	v4 =	vperm.xlane v3, v0;
	_ =	sdelay $0x1  }
0x181: {  	v4 =	vadd.s32 v1, v4;
	_ =	sdelay $0x4  }
0x182: {  	[tilespmem:s17], [sflag:$0x2] =	stream.indirect_vreg.gather [hbm4b:s3+s19], $0x80, v4, vm0, $0xb8;
	[tilespmem:$0x10400] =	vst v63  }
0x183: {  	s20 =	simm.s32 $0x4C00;
	v3 =	vperm.xlane v3, v2  }
0x184: {  	[tilespmem:s20], [sflag:$0x2] =	stream.indirect_vreg.gather [hbm4b:s6+s19], $0x80, v4, vm0, $0xb8;
	[tilespmem:$0x10400] =	vst v63  }
0x185: {  	s21 =	simm.s32 $0x5400;
	v3 =	vadd.s32 v1, v3  }
0x186: {  	[tilespmem:s21], [sflag:$0x2] =	stream.indirect_vreg.gather [hbm4b:s7+s19], $0x80, v4, vm0, $0xb8;
	[tilespmem:$0x10400] =	vst v63  }
0x187: {  	s22 =	simm.s32 $0x5C00  }
0x188: {  	[tilespmem:s22], [sflag:$0x2] =	stream.indirect_vreg.gather [hbm4b:s8+s19], $0x80, v4, vm0, $0xb8;
	[tilespmem:$0x10400] =	vst v63  }
0x189: {  	s23 =	simm.s32 $0x6400  }
0x18a: {  	[tilespmem:s23], [sflag:$0x2] =	stream.indirect_vreg.gather [hbm4b:s3+s19], $0x80, v3, vm0, $0xb8;
	[tilespmem:$0x10400] =	vst v63  }
0x18b: {  	s5 =	simm.s32 $0x6C00  }
0x18c: {  	[tilespmem:s5], [sflag:$0x2] =	stream.indirect_vreg.gather [hbm4b:s6+s19], $0x80, v3, vm0, $0xb8;
	[tilespmem:$0x10400] =	vst v63  }
0x18d: {  	s18 =	simm.s32 $0x7400  }
0x18e: {  	[tilespmem:s18], [sflag:$0x2] =	stream.indirect_vreg.gather [hbm4b:s7+s19], $0x80, v3, vm0, $0xb8;
	[tilespmem:$0x10400] =	vst v63  }
0x18f: {  	s20 =	simm.s32 $0x7C00  }
0x190: {  	[tilespmem:s20], [sflag:$0x2] =	stream.indirect_vreg.gather [hbm4b:s8+s19], $0x80, v3, vm0, $0xb8;
	[tilespmem:$0x10400] =	vst v63  }
0x191: {  	v3 =	vld [tilespmem:$0x380];
	_ =	sdelay $0x4  }
0x192: {  	v4 =	vshll.u32 v3, $0x3  }
0x193: {  	v3 =	vand.u32 $0x7, v3;
	v4 =	vand.u32 $0xFFFFFFC0, v4  }
0x194: {  	v3 =	vor.u32 v3, v4  }
0x195: {  	v4 =	vperm.xlane v3, v0;
	_ =	sdelay $0x1  }
0x196: {  	v4 =	vadd.s32 v1, v4;
	_ =	sdelay $0x3  }
0x197: {  	s21 =	simm.s32 $0xC400  }
0x198: {  	[tilespmem:s21], [sflag:$0x4] =	stream.indirect_vreg.gather [hbm4b:s3+s19], $0x80, v4, vm0, $0xb8;
	[tilespmem:$0x10400] =	vst v63  }
0x199: {  	v3 =	vperm.xlane v3, v2  }
0x19a: {  	[tilespmem:s24], [sflag:$0x4] =	stream.indirect_vreg.gather [hbm4b:s6+s19], $0x80, v4, vm0, $0xb8;
	[tilespmem:$0x10400] =	vst v63  }
0x19b: {  	v3 =	vadd.s32 v1, v3  }
0x19c: {  	[tilespmem:s25], [sflag:$0x4] =	stream.indirect_vreg.gather [hbm4b:s7+s19], $0x80, v4, vm0, $0xb8;
	[tilespmem:$0x10400] =	vst v63  }
0x19d: {  	_ = 	snop  }
0x19e: {  	[tilespmem:s26], [sflag:$0x4] =	stream.indirect_vreg.gather [hbm4b:s8+s19], $0x80, v4, vm0, $0xb8;
	[tilespmem:$0x10400] =	vst v63  }
0x19f: {  	_ = 	snop  }
0x1a0: {  	[tilespmem:s10], [sflag:$0x4] =	stream.indirect_vreg.gather [hbm4b:s3+s19], $0x80, v3, vm0, $0xb8;
	[tilespmem:$0x10400] =	vst v63  }
0x1a1: {  	_ = 	snop  }
0x1a2: {  	[tilespmem:s28], [sflag:$0x4] =	stream.indirect_vreg.gather [hbm4b:s6+s19], $0x80, v3, vm0, $0xb8;
	[tilespmem:$0x10400] =	vst v63  }
0x1a3: {  	s22 =	sand.u32 $0x70, s19;
	s23 =	sand.u32 $0x1C00, s19  }
0x1a4: {  	[tilespmem:s11], [sflag:$0x4] =	stream.indirect_vreg.gather [hbm4b:s7+s19], $0x80, v3, vm0, $0xb8;
	[tilespmem:$0x10400] =	vst v63  }
0x1a5: {  	s18 =	sor.u32 s22, s23  }
0x1a6: {  	[tilespmem:s29], [sflag:$0x4] =	stream.indirect_vreg.gather [hbm4b:s8+s19], $0x80, v3, vm0, $0xb8;
	[tilespmem:$0x10400] =	vst v63  }
0x1a7: {  	v3 =	vld [tilespmem:s18+$0x580]  }
0x1a8: {  	v4 =	vld [tilespmem:s18+$0x400]  }
0x1a9: {  	v5 =	vld [tilespmem:s18+$0x700]  }
0x1aa: {  	v6 =	vld [tilespmem:s18+$0x600]  }
0x1ab: {  	v7 =	vld [tilespmem:s18+$0x500]  }
0x1ac: {  	v8 =	vld [tilespmem:s18+$0x680]  }
0x1ad: {  	v9 =	vld [tilespmem:s18+$0x480]  }
0x1ae: {  	v10 =	vld [tilespmem:s18+$0x8480]  }
0x1af: {  	s4 =	sor.u32 s19, s19;
	s20 =	simm.s32 $0x10;
	v11 =	vld [tilespmem:s18+$0x8680]  }
.LBB2_6:
0x1b0: {  	p0 =	sne.s32 s20, $0x3F0  }
0x1b1: {  	v12 =	vld [tilespmem:s18+$0x8580];
	s19 =	sadd.s32 $0x80, s19;
	s21 =	smov.u32 s20;
	s20 =	sadd.s32 $0x10, s20  }
0x1b2: {  	s5 =	sor.u32 s21, s19;
	v13 =	vld [tilespmem:s18+$0x8500]  }
0x1b3: {  	v14 =	vld [tilespmem:s18+$0x8600]  }
0x1b4: {  	v15 =	vld [tilespmem:s18+$0x8700]  }
0x1b5: {  	v9 =	vadd.f32 v10, v9;
	v16 =	vld [tilespmem:s18+$0x8400];
	v8 =	vadd.f32 v11, v8  }
0x1b6: {  	v3 =	vadd.f32 v12, v3  }
0x1b7: {  	v7 =	vadd.f32 v13, v7;
	[tilespmem:s18+$0x680] =	vst v8  }
0x1b8: {  	[tilespmem:s18+$0x580] =	vst v3;
	v3 =	vadd.f32 v14, v6  }
0x1b9: {  	[tilespmem:s18+$0x480] =	vst v9;
	v5 =	vadd.f32 v15, v5  }
0x1ba: {  	v4 =	vadd.f32 v16, v4;
	[tilespmem:s18+$0x500] =	vst v7  }
0x1bb: {  	[tilespmem:s18+$0x700] =	vst v5  }
0x1bc: {  	[tilespmem:s18+$0x600] =	vst v3  }
0x1bd: {  	s22 =	sor.u32 $0x380, s4;
	[tilespmem:s18+$0x400] =	vst v4  }
0x1be: {  	v3 =	vld [tilespmem:s22+$0x400]  }
0x1bf: {  	v4 =	vld [tilespmem:s22+$0x8400];
	_ =	sdelay $0x4  }
0x1c0: {  	v3 =	vadd.f32 v4, v3;
	_ =	sdelay $0x1  }
0x1c1: {  	s21 =	sand.u32 $0x70, s21;
	s23 =	sand.u32 $0x1C00, s19;
	[tilespmem:s22+$0x400] =	vst v3  }
0x1c2: {  	s21 =	sor.u32 s21, s23;
	v3 =	vld [tilespmem:s18+$0x2400]  }
0x1c3: {  	v4 =	vld [tilespmem:s18+$0xA400]  }
0x1c4: {  	v5 =	vld [tilespmem:s18+$0x2480]  }
0x1c5: {  	v6 =	vld [tilespmem:s18+$0xA480]  }
0x1c6: {  	v7 =	vld [tilespmem:s18+$0xA700]  }
0x1c7: {  	v8 =	vld [tilespmem:s18+$0x2700]  }
0x1c8: {  	v3 =	vadd.f32 v4, v3;
	v4 =	vld [tilespmem:s18+$0xA680]  }
0x1c9: {  	v9 =	vld [tilespmem:s18+$0xA580]  }
0x1ca: {  	[tilespmem:s18+$0x2400] =	vst v3;
	v3 =	vadd.f32 v6, v5;
	v5 =	vld [tilespmem:s18+$0xA600]  }
0x1cb: {  	v6 =	vld [tilespmem:s18+$0x2680]  }
0x1cc: {  	[tilespmem:s18+$0x2480] =	vst v3;
	v10 =	vld [tilespmem:s18+$0x2600];
	v3 =	vadd.f32 v7, v8  }
0x1cd: {  	v7 =	vld [tilespmem:s18+$0x2580]  }
0x1ce: {  	v8 =	vld [tilespmem:s18+$0xA500];
	[tilespmem:s18+$0x2700] =	vst v3  }
0x1cf: {  	v11 =	vld [tilespmem:s18+$0x2500]  }
0x1d0: {  	v3 =	vld [tilespmem:s21+$0x580];
	v4 =	vadd.f32 v4, v6  }
0x1d1: {  	v5 =	vadd.f32 v5, v10  }
0x1d2: {  	v6 =	vadd.f32 v9, v7;
	[tilespmem:s18+$0x2680] =	vst v4  }
0x1d3: {  	[tilespmem:s18+$0x2600] =	vst v5  }
0x1d4: {  	v4 =	vadd.f32 v8, v11  }
0x1d5: {  	[tilespmem:s18+$0x2580] =	vst v6  }
0x1d6: {  	s22 =	sor.u32 $0x2380, s4;
	s4 =	smov.u32 s5;
	[tilespmem:s18+$0x2500] =	vst v4;
	s18 =	smov.u32 s21  }
0x1d7: {  	v8 =	vld [tilespmem:s22+$0x400]  }
0x1d8: {  	v9 =	vld [tilespmem:s22+$0x8400];
	_ =	sdelay $0x1  }
0x1d9: {  	v4 =	vld [tilespmem:s18+$0x400]  }
0x1da: {  	v5 =	vld [tilespmem:s18+$0x700]  }
0x1db: {  	v6 =	vld [tilespmem:s18+$0x600]  }
.Ltmp2:
0x1dc: {  	v7 =	vld [tilespmem:s18+$0x500];
	v10 =	vadd.f32 v9, v8;
	(pc) =	sbr.rel @p0 .LBB2_6-.Ltmp2, $4  }
0x1dd: {  	v8 =	vld [tilespmem:s18+$0x680]  }
0x1de: {  	v9 =	vld [tilespmem:s18+$0x480];
	[tilespmem:s22+$0x400] =	vst v10  }
0x1df: {  	v10 =	vld [tilespmem:s18+$0x8480]  }
0x1e0: {  	v11 =	vld [tilespmem:s18+$0x8680]  }
0x1e1: {  	v12 =	vld [tilespmem:s18+$0x8580]  }
0x1e2: {  	v13 =	vld [tilespmem:s18+$0x8500]  }
0x1e3: {  	v14 =	vld [tilespmem:s18+$0x8700]  }
0x1e4: {  	v15 =	vld [tilespmem:s18+$0x8600];
	v9 =	vadd.f32 v10, v9  }
0x1e5: {  	v8 =	vadd.f32 v11, v8;
	v11 =	vld [tilespmem:s18+$0x8400]  }
0x1e6: {  	v3 =	vadd.f32 v12, v3;
	[tilespmem:s18+$0x480] =	vst v9  }
0x1e7: {  	v7 =	vadd.f32 v13, v7;
	[tilespmem:s18+$0x680] =	vst v8  }
0x1e8: {  	[tilespmem:s18+$0x580] =	vst v3;
	v3 =	vadd.f32 v14, v5  }
0x1e9: {  	v5 =	vadd.f32 v15, v6;
	[tilespmem:s18+$0x500] =	vst v7  }
0x1ea: {  	v4 =	vadd.f32 v11, v4;
	[tilespmem:s18+$0x700] =	vst v3  }
0x1eb: {  	[tilespmem:s18+$0x600] =	vst v5  }
0x1ec: {  	s5 =	sor.u32 $0x380, s4;
	[tilespmem:s18+$0x400] =	vst v4  }
0x1ed: {  	v3 =	vld [tilespmem:s5+$0x400]  }
0x1ee: {  	v4 =	vld [tilespmem:s5+$0x8400];
	_ =	sdelay $0x4  }
0x1ef: {  	v3 =	vadd.f32 v4, v3;
	_ =	sdelay $0x1  }
0x1f0: {  	[tilespmem:s5+$0x400] =	vst v3  }
0x1f1: {  	v3 =	vld [tilespmem:s18+$0x2400]  }
0x1f2: {  	v4 =	vld [tilespmem:s18+$0xA400]  }
0x1f3: {  	v5 =	vld [tilespmem:s18+$0x2480]  }
0x1f4: {  	v6 =	vld [tilespmem:s18+$0xA480]  }
0x1f5: {  	v7 =	vld [tilespmem:s18+$0xA700]  }
0x1f6: {  	v8 =	vld [tilespmem:s18+$0xA580]  }
0x1f7: {  	v9 =	vld [tilespmem:s18+$0x2700]  }
0x1f8: {  	v10 =	vld [tilespmem:s18+$0x2600]  }
0x1f9: {  	v11 =	vld [tilespmem:s18+$0xA500]  }
0x1fa: {  	v3 =	vadd.f32 v4, v3;
	v4 =	vld [tilespmem:s18+$0xA680]  }
0x1fb: {  	v5 =	vadd.f32 v6, v5;
	v6 =	vld [tilespmem:s18+$0x2680]  }
0x1fc: {  	[tilespmem:s18+$0x2400] =	vst v3;
	v3 =	vld [tilespmem:s18+$0xA600]  }
0x1fd: {  	[tilespmem:s18+$0x2480] =	vst v5;
	v5 =	vld [tilespmem:s18+$0x2580]  }
0x1fe: {  	v63 =	vld [tilespmem:s18+$0x2500]  }
0x1ff: {  	v7 =	vadd.f32 v7, v9  }
0x200: {  	v4 =	vadd.f32 v4, v6  }
0x201: {  	[tilespmem:s18+$0x2700] =	vst v7;
	v3 =	vadd.f32 v3, v10  }
0x202: {  	v5 =	vadd.f32 v8, v5;
	[tilespmem:s18+$0x2680] =	vst v4  }
0x203: {  	[tilespmem:s18+$0x2600] =	vst v3;
	v3 =	vadd.f32 v11, v63  }
0x204: {  	[tilespmem:s18+$0x2580] =	vst v5  }
0x205: {  	s20 =	sor.u32 $0x2380, s4;
	[tilespmem:s18+$0x2500] =	vst v3  }
0x206: {  	v3 =	vld [tilespmem:s20+$0x400]  }
0x207: {  	v4 =	vld [tilespmem:s20+$0x8400];
	_ =	sdelay $0x4  }
0x208: {  	v3 =	vadd.f32 v4, v3;
	_ =	sdelay $0x1  }
0x209: {  	s19 =	simm.s32 $0x0;
	s21 =	rddreg [dreg:$0x6];
	[tilespmem:s20+$0x400] =	vst v3  }
0x20a: {  	[hbm4b:s21+s19] =	stream.linear.scatter [tilespmem:s16], [sflag:$0x5], $0x4000, $0x38;
	[tilespmem:$0x10400] =	vst v63  }
0x20b: {  	_ =	swait.ge [sflag:s12], $0x4000  }
0x20c: {  	[sflag:s12] =	ssyncset.done $0x0  }
0x20d: {  	[sflag:s12] =	ssyncadd.s32 $0xFFFFC000  }
0x20e: {  	_ =	swait.ge [sflag:s30], $0x4000  }
0x20f: {  	s22 =	sand.u32 $0x70, s19;
	s23 =	sand.u32 $0x1C00, s19;
	[sflag:s30] =	ssyncset.done $0x0  }
0x210: {  	s18 =	sor.u32 s22, s23;
	[sflag:s30] =	ssyncadd.s32 $0xFFFFC000  }
0x211: {  	v3 =	vld [tilespmem:s18+$0x4580]  }
0x212: {  	v4 =	vld [tilespmem:s18+$0x4400]  }
0x213: {  	v5 =	vld [tilespmem:s18+$0x4700]  }
0x214: {  	v6 =	vld [tilespmem:s18+$0x4600]  }
0x215: {  	v7 =	vld [tilespmem:s18+$0x4500]  }
0x216: {  	v8 =	vld [tilespmem:s18+$0x4680]  }
0x217: {  	v9 =	vld [tilespmem:s18+$0x4480]  }
0x218: {  	v10 =	vld [tilespmem:s18+$0xC480]  }
0x219: {  	s4 =	sor.u32 s19, s19;
	s20 =	simm.s32 $0x10;
	v11 =	vld [tilespmem:s18+$0xC680]  }
.LBB2_8:
0x21a: {  	p0 =	sne.s32 s20, $0x3F0  }
0x21b: {  	v12 =	vld [tilespmem:s18+$0xC580];
	s19 =	sadd.s32 $0x80, s19;
	s21 =	smov.u32 s20;
	s20 =	sadd.s32 $0x10, s20  }
0x21c: {  	s5 =	sor.u32 s21, s19;
	v13 =	vld [tilespmem:s18+$0xC500]  }
0x21d: {  	v14 =	vld [tilespmem:s18+$0xC600]  }
0x21e: {  	v15 =	vld [tilespmem:s18+$0xC700]  }
0x21f: {  	v9 =	vadd.f32 v10, v9;
	v16 =	vld [tilespmem:s18+$0xC400];
	v8 =	vadd.f32 v11, v8  }
0x220: {  	v3 =	vadd.f32 v12, v3  }
0x221: {  	v7 =	vadd.f32 v13, v7;
	[tilespmem:s18+$0x4680] =	vst v8  }
0x222: {  	[tilespmem:s18+$0x4580] =	vst v3;
	v3 =	vadd.f32 v14, v6  }
0x223: {  	[tilespmem:s18+$0x4480] =	vst v9;
	v5 =	vadd.f32 v15, v5  }
0x224: {  	v4 =	vadd.f32 v16, v4;
	[tilespmem:s18+$0x4500] =	vst v7  }
0x225: {  	[tilespmem:s18+$0x4700] =	vst v5  }
0x226: {  	[tilespmem:s18+$0x4600] =	vst v3  }
0x227: {  	s22 =	sor.u32 $0x380, s4;
	[tilespmem:s18+$0x4400] =	vst v4  }
0x228: {  	v3 =	vld [tilespmem:s22+$0x4400]  }
0x229: {  	v4 =	vld [tilespmem:s22+$0xC400];
	_ =	sdelay $0x4  }
0x22a: {  	v3 =	vadd.f32 v4, v3;
	_ =	sdelay $0x1  }
0x22b: {  	s21 =	sand.u32 $0x70, s21;
	s23 =	sand.u32 $0x1C00, s19;
	[tilespmem:s22+$0x4400] =	vst v3  }
0x22c: {  	s21 =	sor.u32 s21, s23;
	v3 =	vld [tilespmem:s18+$0x6400]  }
0x22d: {  	v4 =	vld [tilespmem:s18+$0xE400]  }
0x22e: {  	v5 =	vld [tilespmem:s18+$0x6480]  }
0x22f: {  	v6 =	vld [tilespmem:s18+$0xE480]  }
0x230: {  	v7 =	vld [tilespmem:s18+$0xE700]  }
0x231: {  	v8 =	vld [tilespmem:s18+$0x6700]  }
0x232: {  	v3 =	vadd.f32 v4, v3;
	v4 =	vld [tilespmem:s18+$0xE680]  }
0x233: {  	v9 =	vld [tilespmem:s18+$0xE580]  }
0x234: {  	[tilespmem:s18+$0x6400] =	vst v3;
	v3 =	vadd.f32 v6, v5;
	v5 =	vld [tilespmem:s18+$0xE600]  }
0x235: {  	v6 =	vld [tilespmem:s18+$0x6680]  }
0x236: {  	[tilespmem:s18+$0x6480] =	vst v3;
	v10 =	vld [tilespmem:s18+$0x6600];
	v3 =	vadd.f32 v7, v8  }
0x237: {  	v7 =	vld [tilespmem:s18+$0x6580]  }
0x238: {  	v8 =	vld [tilespmem:s18+$0xE500];
	[tilespmem:s18+$0x6700] =	vst v3  }
0x239: {  	v11 =	vld [tilespmem:s18+$0x6500]  }
0x23a: {  	v3 =	vld [tilespmem:s21+$0x4580];
	v4 =	vadd.f32 v4, v6  }
0x23b: {  	v5 =	vadd.f32 v5, v10  }
0x23c: {  	v6 =	vadd.f32 v9, v7;
	[tilespmem:s18+$0x6680] =	vst v4  }
0x23d: {  	[tilespmem:s18+$0x6600] =	vst v5  }
0x23e: {  	v4 =	vadd.f32 v8, v11  }
0x23f: {  	[tilespmem:s18+$0x6580] =	vst v6  }
0x240: {  	s22 =	sor.u32 $0x2380, s4;
	s4 =	smov.u32 s5;
	[tilespmem:s18+$0x6500] =	vst v4;
	s18 =	smov.u32 s21  }
0x241: {  	v8 =	vld [tilespmem:s22+$0x4400]  }
0x242: {  	v9 =	vld [tilespmem:s22+$0xC400];
	_ =	sdelay $0x1  }
0x243: {  	v4 =	vld [tilespmem:s18+$0x4400]  }
0x244: {  	v5 =	vld [tilespmem:s18+$0x4700]  }
0x245: {  	v6 =	vld [tilespmem:s18+$0x4600]  }
.Ltmp3:
0x246: {  	v7 =	vld [tilespmem:s18+$0x4500];
	v10 =	vadd.f32 v9, v8;
	(pc) =	sbr.rel @p0 .LBB2_8-.Ltmp3, $4  }
0x247: {  	v8 =	vld [tilespmem:s18+$0x4680]  }
0x248: {  	v9 =	vld [tilespmem:s18+$0x4480];
	[tilespmem:s22+$0x4400] =	vst v10  }
0x249: {  	v10 =	vld [tilespmem:s18+$0xC480]  }
0x24a: {  	v11 =	vld [tilespmem:s18+$0xC680]  }
0x24b: {  	v12 =	vld [tilespmem:s18+$0xC580]  }
0x24c: {  	v13 =	vld [tilespmem:s18+$0xC500]  }
0x24d: {  	v15 =	vld [tilespmem:s18+$0xC600]  }
0x24e: {  	v50 =	vld [tilespmem:s18+$0xC400];
	v9 =	vadd.f32 v10, v9  }
0x24f: {  	v14 =	vld [tilespmem:s18+$0xC700];
	v8 =	vadd.f32 v11, v8  }
0x250: {  	v3 =	vadd.f32 v12, v3;
	[tilespmem:s18+$0x4480] =	vst v9  }
0x251: {  	v7 =	vadd.f32 v13, v7;
	[tilespmem:s18+$0x4680] =	vst v8  }
0x252: {  	v51 =	vadd.f32 v15, v6;
	[tilespmem:s18+$0x4580] =	vst v3  }
0x253: {  	v4 =	vadd.f32 v50, v4;
	[tilespmem:s18+$0x4500] =	vst v7  }
0x254: {  	v3 =	vadd.f32 v14, v5;
	[tilespmem:s18+$0x4600] =	vst v51  }
0x255: {  	[tilespmem:s18+$0x4400] =	vst v4  }
0x256: {  	s5 =	sor.u32 $0x380, s4;
	[tilespmem:s18+$0x4700] =	vst v3  }
0x257: {  	v3 =	vld [tilespmem:s5+$0x4400]  }
0x258: {  	v4 =	vld [tilespmem:s5+$0xC400];
	_ =	sdelay $0x4  }
0x259: {  	v3 =	vadd.f32 v4, v3;
	_ =	sdelay $0x1  }
0x25a: {  	[tilespmem:s5+$0x4400] =	vst v3  }
0x25b: {  	v3 =	vld [tilespmem:s18+$0x6400]  }
0x25c: {  	v52 =	vld [tilespmem:s18+$0xE400]  }
0x25d: {  	v53 =	vld [tilespmem:s18+$0x6480]  }
0x25e: {  	v54 =	vld [tilespmem:s18+$0xE480]  }
0x25f: {  	v55 =	vld [tilespmem:s18+$0xE700]  }
0x260: {  	v56 =	vld [tilespmem:s18+$0xE680]  }
0x261: {  	v57 =	vld [tilespmem:s18+$0xE580]  }
0x262: {  	v58 =	vld [tilespmem:s18+$0x6700]  }
0x263: {  	v59 =	vld [tilespmem:s18+$0x6680]  }
0x264: {  	v60 =	vld [tilespmem:s18+$0x6600];
	v3 =	vadd.f32 v52, v3  }
0x265: {  	v61 =	vld [tilespmem:s18+$0x6580]  }
0x266: {  	[tilespmem:s18+$0x6400] =	vst v3;
	v3 =	vld [tilespmem:s18+$0xE600]  }
0x267: {  	v62 =	vld [tilespmem:s18+$0xE500]  }
0x268: {  	v63 =	vld [tilespmem:s18+$0x6500];
	v5 =	vadd.f32 v54, v53  }
0x269: {  	v7 =	vadd.f32 v55, v58  }
0x26a: {  	v4 =	vadd.f32 v56, v59;
	[tilespmem:s18+$0x6480] =	vst v5  }
0x26b: {  	[tilespmem:s18+$0x6700] =	vst v7;
	v3 =	vadd.f32 v3, v60  }
0x26c: {  	v5 =	vadd.f32 v57, v61;
	[tilespmem:s18+$0x6680] =	vst v4  }
0x26d: {  	[tilespmem:s18+$0x6600] =	vst v3;
	v3 =	vadd.f32 v62, v63  }
0x26e: {  	[tilespmem:s18+$0x6580] =	vst v5  }
0x26f: {  	s21 =	sor.u32 $0x2380, s4;
	[tilespmem:s18+$0x6500] =	vst v3  }
0x270: {  	v3 =	vld [tilespmem:s21+$0x4400]  }
0x271: {  	v4 =	vld [tilespmem:s21+$0xC400];
	_ =	sdelay $0x4  }
0x272: {  	v3 =	vadd.f32 v4, v3;
	_ =	sdelay $0x1  }
0x273: {  	s22 =	rddreg [dreg:$0x7];
	[tilespmem:s21+$0x4400] =	vst v3  }
0x274: {  	[hbm4b:s22+s2] =	stream.linear.scatter [tilespmem:s17], [sflag:$0x6], $0x4000, $0x38;
	[tilespmem:$0x10400] =	vst v63  }
0x275: {  	_ =	swait.ge [sflag:s13], $0x4000  }
0x276: {  	[sflag:s13] =	ssyncset.done $0x0  }
0x277: {  	[sflag:s13] =	ssyncadd.s32 $0xFFFFC000  }
0x278: {  	_ =	swait.ge [sflag:s31], $0x4000  }
0x279: {  	s1 =	sadd.s32 $0x1, s1;
	s23 =	rddreg [dreg:$0x8]  }
0x27a: {  	p0 =	sne.s32 s1, s23  }
.Ltmp4:
0x27b: {  	_ = 	snop;
	(pc) =	sbr.rel @p0 .LBB2_1-.Ltmp4, $3  }
0x27c: {  	_ =	sdelay $0x1  }
0x27d: {  	[sflag:s31] =	ssyncset.done $0x0  }
0x27e: {  	[sflag:s31] =	ssyncadd.s32 $0xFFFFC000  }
0x27f: {  	_ =	sfence.sel $0x180000  }
0x280: {  	[bflag:$0x0] =	sbarrier.arrive $0xFFFF  }
0x281: {  	_ =	strace $0x9000004A  }
0x282: {  	s0 =	stileid.u32;
	[bflag:$0x2] =	sbarrier.arrive $0xFFFF  }
0x283: {  	p0 =	sne.s32 s0, $0x0;
	s0 =	rddreg [dreg:$0x2]  }
0x284: {  	s0 =	sadd.s32 @!p0 $0x100000, s0  }
0x285: {  	[sflag:s0] =	ssyncadd.tile.s32 @!p0 $0x1;
	_ =	shalt  }
.Lfunc_end2:
_tile_overlayer_lowered:
.L_overlay_start_2:
0x286: {  	(tag) =	ssettag $0x2  }
0x287: {  	s0 =	rddreg [dreg:$0x0];
	s2 =	stileid.u32  }
0x288: {  	s1 =	rddreg [dreg:$0x1];
	p0 =	sne.s32 s2, $0x0  }
0x289: {  	s3 =	rddreg [dreg:$0x2];
	[bflag:$0x3] =	sbarrier.arrive $0xFFFF;
	s2 =	simm.s32 @!p0 $0x1C07  }
0x28a: {  	[timem:s3], [sflag:s2] =	dma.local @!p0 [hbm:s0], s1  }
0x28b: {  	s0 =	simm.s32 @!p0 $0x7  }
0x28c: {  	_ =	swait.ge @!p0 [sflag:s0], s1  }
0x28d: {  	s1 =	ssub.s32 @!p0 $0x0, s1;
	[sflag:s0] =	ssyncset.done @!p0 $0x0  }
0x28e: {  	[sflag:s0] =	ssyncadd.s32 @!p0 s1  }
0x28f: {  	[bflag:$0x3] =	sbarrier.arrive $0xFFFF  }
0x290: {  	_ =	shalt  }

</sc_bundles>
